<compile_context>
chip_gen: v7x
topology: tpu7x:2x2x1
jax: 0.10.2.dev20260603
libtpu: 0.0.44.dev20260713+nightly
codegen_flags: <defaults>
</compile_context>

<pallas_src>
import functools

import jax
import jax.numpy as jnp
from jax import lax
from jax.experimental import pallas as pl
from jax.experimental.pallas import tpu as pltpu
from jax.experimental.pallas import tpu_sc as plsc

VOCAB = 1000000
EMBED = 16
BATCH = 16384
HIST = 200

NC = 2
NS = 16
L = 16
NW = NC * NS
ROWS_PER_W = BATCH // NW
GROUPS_PER_W = ROWS_PER_W // L
IDX_PER_GROUP = HIST * L

PROJ_BLK = 131072

P_BNC = 32000
P_SUB = 2 * P_BNC
P_TAIL = VOCAB - 15 * P_SUB - P_BNC


def _proj_body(t_ref, w_ref, o_ref):
    mm = jax.lax.dot_general(w_ref[...], t_ref[...],
                             (((1,), (0,)), ((), ())),
                             preferred_element_type=jnp.float32)
    o_ref[...] = mm[0, :]


def _project(table_t, wcol):
    grid = (VOCAB + PROJ_BLK - 1) // PROJ_BLK
    return pl.pallas_call(
        _proj_body,
        grid=(grid,),
        in_specs=[
            pl.BlockSpec((EMBED, PROJ_BLK), lambda i: (0, i)),
            pl.BlockSpec((8, EMBED), lambda i: (0, 0)),
        ],
        out_specs=pl.BlockSpec((PROJ_BLK,), lambda i: (i,)),
        out_shape=jax.ShapeDtypeStruct((VOCAB,), jnp.float32),
    )(table_t, wcol)


def _sigmoid_round(logit):
    neg = logit < 0.0
    t = jnp.exp(jnp.where(neg, logit, -logit))
    sig = jnp.where(neg, t / (1.0 + t), 1.0 / (1.0 + t))
    y = sig * 10000.0
    r = (y + 8388608.0) - 8388608.0
    return r / 10000.0


def _pool_body(x1d_hbm, p_hbm, b_hbm, out_hbm, idx_v, idx_w, vals_v, vals_w,
               out_v, b_v, p_sh, p_bnc, semg0, semg1, semi0, semi1):
    cid = lax.axis_index("c")
    sid = lax.axis_index("s")
    wid = sid * NC + cid

    def stage_chunk(off, size):
        pltpu.sync_copy(p_hbm.at[pl.ds(off, size)],
                        p_bnc.at[pl.ds(0, size)])
        pltpu.sync_copy(p_bnc.at[pl.ds(0, size)],
                        p_sh.at[pl.ds(off, size)])

    stage_chunk(sid * P_SUB, P_BNC)

    @pl.when(sid < NS - 1)
    def _():
        stage_chunk(sid * P_SUB + P_BNC, P_BNC)

    @pl.when(sid == NS - 1)
    def _():
        stage_chunk((NS - 1) * P_SUB + P_BNC, P_TAIL)

    pltpu.sync_copy(b_hbm, b_v)
    bvec = b_v[...]
    base_lanes = lax.iota(jnp.int32, L) * HIST
    plsc.subcore_barrier()

    idx_bufs = (idx_v, idx_w)
    val_bufs = (vals_v, vals_w)
    gsems = (semg0, semg1)
    isems = (semi0, semi1)
    g_base = wid * GROUPS_PER_W

    def idx_src(g):
        return x1d_hbm.at[pl.ds((g_base + g) * IDX_PER_GROUP, IDX_PER_GROUP)]

    def reduce_store(g, vals):
        accs = [jnp.zeros((L,), jnp.float32) for _ in range(4)]
        for i in range(HIST):
            accs[i % 4] = accs[i % 4] + plsc.load_gather(
                vals, [base_lanes + i])
        logit = (accs[0] + accs[1]) + (accs[2] + accs[3]) + bvec
        out_v[pl.ds(g * L, L)] = _sigmoid_round(logit)

    pltpu.sync_copy(idx_src(0), idx_bufs[0])
    pltpu.async_copy(p_sh.at[idx_bufs[0]], val_bufs[0], gsems[0])
    pltpu.async_copy(idx_src(1), idx_bufs[1], isems[1])

    def pair_body(i, carry):
        for b in (0, 1):
            g = 2 * i + b
            nb = 1 - b

            @pl.when(g + 1 < GROUPS_PER_W)
            def _():
                pltpu.make_async_copy(idx_src(g + 1), idx_bufs[nb],
                                      isems[nb]).wait()
                pltpu.async_copy(p_sh.at[idx_bufs[nb]], val_bufs[nb],
                                 gsems[nb])

            pltpu.make_async_copy(p_sh.at[idx_bufs[b]], val_bufs[b],
                                  gsems[b]).wait()

            @pl.when(g + 2 < GROUPS_PER_W)
            def _():
                pltpu.async_copy(idx_src(g + 2), idx_bufs[b], isems[b])

            reduce_store(g, val_bufs[b])
        return carry

    lax.fori_loop(0, GROUPS_PER_W // 2, pair_body, 0)
    pltpu.sync_copy(out_v, out_hbm.at[pl.ds(wid * ROWS_PER_W, ROWS_PER_W)])


@functools.cache
def _build_pool_kernel():
    return pl.kernel(
        _pool_body,
        out_type=jax.ShapeDtypeStruct((BATCH,), jnp.float32),
        mesh=plsc.VectorSubcoreMesh(core_axis_name="c", subcore_axis_name="s",
                                    num_cores=NC, num_subcores=NS),
        scratch_types=[
            pltpu.VMEM((IDX_PER_GROUP,), jnp.int32),
            pltpu.VMEM((IDX_PER_GROUP,), jnp.int32),
            pltpu.VMEM((IDX_PER_GROUP,), jnp.float32),
            pltpu.VMEM((IDX_PER_GROUP,), jnp.float32),
            pltpu.VMEM((ROWS_PER_W,), jnp.float32),
            pltpu.VMEM((L,), jnp.float32),
            pltpu.VMEM_SHARED((VOCAB,), jnp.float32),
            pltpu.VMEM((P_BNC,), jnp.float32),
            pltpu.SemaphoreType.DMA,
            pltpu.SemaphoreType.DMA,
            pltpu.SemaphoreType.DMA,
            pltpu.SemaphoreType.DMA,
        ],
        compiler_params=pltpu.CompilerParams(needs_layout_passes=False),
    )


def kernel(x, table, W, b):
    w8 = jnp.broadcast_to(W.reshape(1, EMBED) * (1.0 / HIST), (8, EMBED))
    p = _project(table.T, w8)
    x1d = x.reshape(BATCH * HIST)
    b16 = jnp.broadcast_to(b.astype(jnp.float32), (L,))
    out = _build_pool_kernel()(x1d, p, b16)
    return out.reshape(BATCH, 1)

# --- scband reference (transcript-rebuilt; emitter-appended) ---
"""Pipeline reference for scband-solution-48309792145696 (READ-ONLY COPY).

The authoritative reference and input builder live on the scoring server;
editing this copy changes nothing except your own understanding.
"""

import jax, jax.numpy as jnp
import numpy as np

VOCAB = 1000000
EMBED_DIM = 16
BATCH = 16384
HIST = 200


def setup_inputs(seed: int = 0) -> dict:
    key = jax.random.key(seed)
    k1, k2, k3, k4 = jax.random.split(key, 4)
    x = jax.random.randint(k1, (BATCH, HIST), 0, VOCAB, dtype=jnp.int32)
    table = jax.random.normal(k2, (VOCAB, EMBED_DIM), dtype=jnp.float32)
    W = jax.random.normal(k3, (1, EMBED_DIM), dtype=jnp.float32) * (1.0 / np.sqrt(EMBED_DIM))
    b = jax.random.normal(k4, (1,), dtype=jnp.float32) * 0.01
    return {"x": x, "table": table, "W": W, "b": b}


def reference(x, table, W, b):
    # nn.Embedding lookup -> gather rows from table
    emb = jnp.take(table, x, axis=0)            # [B, L, 16]
    pooled = jnp.mean(emb, axis=1)              # [B, 16]
    logits = pooled @ W.T + b                   # [B, 1]
    return jnp.round(jax.nn.sigmoid(logits), decimals=4)

if __name__ == "__main__":
    import jax
    _d = setup_inputs()
    print(jax.jit(kernel)(*tuple(_d.values())))

</pallas_src>

<mosaic_0001>
#map = affine_map<(d0, d1) -> (0)>
module attributes {stable_mosaic.version = 14 : i64} {
  func.func @_pool_body(%arg0: i32, %arg1: i32, %arg2: memref<3276800xi32, #tpu.memory_space<hbm>>, %arg3: memref<1000000xf32, #tpu.memory_space<hbm>>, %arg4: memref<16xf32, #tpu.memory_space<hbm>>, %arg5: memref<16384xf32, #tpu.memory_space<hbm>>, %arg6: memref<3200xi32, #tpu.memory_space<vmem>>, %arg7: memref<3200xi32, #tpu.memory_space<vmem>>, %arg8: memref<3200xf32, #tpu.memory_space<vmem>>, %arg9: memref<3200xf32, #tpu.memory_space<vmem>>, %arg10: memref<512xf32, #tpu.memory_space<vmem>>, %arg11: memref<16xf32, #tpu.memory_space<vmem>>, %arg12: memref<1000000xf32, #tpu.memory_space<vmem_shared>>, %arg13: memref<32000xf32, #tpu.memory_space<vmem>>, %arg14: memref<!tpu.dma_semaphore, #tpu.memory_space<semaphore_mem>>, %arg15: memref<!tpu.dma_semaphore, #tpu.memory_space<semaphore_mem>>, %arg16: memref<!tpu.dma_semaphore, #tpu.memory_space<semaphore_mem>>, %arg17: memref<!tpu.dma_semaphore, #tpu.memory_space<semaphore_mem>>) attributes {dimension_semantics = [#tpu.dimension_semantics<core_parallel>, #tpu.dimension_semantics<subcore_parallel>], iteration_bounds = array<i64: 2, 16>, scalar_prefetch = 0 : i64, scratch_operands = 12 : i64, tpu.core_type = #tpu.core_type<sc_vector_subcore>, window_params = [{transform_indices = #map}, {transform_indices = #map}, {transform_indices = #map}, {transform_indices = #map}]} {
    %mul3A = arith.constant 2 : i32
    %mul3A_0 = arith.muli %arg1, %mul3A : i32
    %add3A = arith.addi %mul3A_0, %arg0 : i32
    %mul3A_1 = arith.constant 64000 : i32
    %mul3A_2 = arith.muli %arg1, %mul3A_1 : i32
    "tpu.region"() ({
      %run_scoped3A = tpu.sem_alloc : memref<!tpu.dma_semaphore, #tpu.memory_space<semaphore_mem>>
      %dma_start3A_33 = arith.constant 0 : i32
      %dma_start3A_34 = tpu.memref_slice %arg13[%dma_start3A_33] : memref<32000xf32, #tpu.memory_space<vmem>> -> memref<32000xf32, #tpu.memory_space<vmem>>
      %dma_start3A_35 = tpu.memref_slice %arg3[%mul3A_2] : memref<1000000xf32, #tpu.memory_space<hbm>> -> memref<32000xf32, #tpu.memory_space<hbm>>
      %dma_start3A_36 = arith.constant 0 : i32
      %dma_start3A_37 = tpu.memref_slice %arg13[%dma_start3A_36] : memref<32000xf32, #tpu.memory_space<vmem>> -> memref<32000xf32, #tpu.memory_space<vmem>>
      %dma_start3A_38 = tpu.memref_slice %arg3[%mul3A_2] : memref<1000000xf32, #tpu.memory_space<hbm>> -> memref<32000xf32, #tpu.memory_space<hbm>>
      tpu.enqueue_dma source(%dma_start3A_38 : memref<32000xf32, #tpu.memory_space<hbm>>) target(%dma_start3A_37 : memref<32000xf32, #tpu.memory_space<vmem>>) target_semaphore(%run_scoped3A : memref<!tpu.dma_semaphore, #tpu.memory_space<semaphore_mem>>)
      %dma_wait3A = arith.constant 0 : i32
      %dma_wait3A_39 = tpu.memref_slice %arg13[%dma_wait3A] : memref<32000xf32, #tpu.memory_space<vmem>> -> memref<32000xf32, #tpu.memory_space<vmem>>
      %dma_wait3A_40 = tpu.memref_slice %arg3[%mul3A_2] : memref<1000000xf32, #tpu.memory_space<hbm>> -> memref<32000xf32, #tpu.memory_space<hbm>>
      %dma_wait3A_41 = arith.constant 0 : i32
      %dma_wait3A_42 = tpu.memref_slice %arg13[%dma_wait3A_41] : memref<32000xf32, #tpu.memory_space<vmem>> -> memref<32000xf32, #tpu.memory_space<vmem>>
      %dma_wait3A_43 = tpu.memref_slice %arg3[%mul3A_2] : memref<1000000xf32, #tpu.memory_space<hbm>> -> memref<32000xf32, #tpu.memory_space<hbm>>
      tpu.wait_dma2 semaphore(%run_scoped3A : memref<!tpu.dma_semaphore, #tpu.memory_space<semaphore_mem>>) src(%dma_wait3A_43 : memref<32000xf32, #tpu.memory_space<hbm>>) dst(%dma_wait3A_42 : memref<32000xf32, #tpu.memory_space<vmem>>)
      tpu.yield
    }) : () -> ()
    "tpu.region"() ({
      %run_scoped3A = tpu.sem_alloc : memref<!tpu.dma_semaphore, #tpu.memory_space<semaphore_mem>>
      %dma_start3A_33 = arith.constant 0 : i32
      %dma_start3A_34 = tpu.memref_slice %arg13[%dma_start3A_33] : memref<32000xf32, #tpu.memory_space<vmem>> -> memref<32000xf32, #tpu.memory_space<vmem>>
      %dma_start3A_35 = tpu.memref_slice %arg12[%mul3A_2] : memref<1000000xf32, #tpu.memory_space<vmem_shared>> -> memref<32000xf32, #tpu.memory_space<vmem_shared>>
      %dma_start3A_36 = tpu.memref_slice %arg12[%mul3A_2] : memref<1000000xf32, #tpu.memory_space<vmem_shared>> -> memref<32000xf32, #tpu.memory_space<vmem_shared>>
      %dma_start3A_37 = arith.constant 0 : i32
      %dma_start3A_38 = tpu.memref_slice %arg13[%dma_start3A_37] : memref<32000xf32, #tpu.memory_space<vmem>> -> memref<32000xf32, #tpu.memory_space<vmem>>
      tpu.enqueue_dma source(%dma_start3A_38 : memref<32000xf32, #tpu.memory_space<vmem>>) target(%dma_start3A_36 : memref<32000xf32, #tpu.memory_space<vmem_shared>>) target_semaphore(%run_scoped3A : memref<!tpu.dma_semaphore, #tpu.memory_space<semaphore_mem>>)
      %dma_wait3A = arith.constant 0 : i32
      %dma_wait3A_39 = tpu.memref_slice %arg13[%dma_wait3A] : memref<32000xf32, #tpu.memory_space<vmem>> -> memref<32000xf32, #tpu.memory_space<vmem>>
      %dma_wait3A_40 = tpu.memref_slice %arg12[%mul3A_2] : memref<1000000xf32, #tpu.memory_space<vmem_shared>> -> memref<32000xf32, #tpu.memory_space<vmem_shared>>
      %dma_wait3A_41 = tpu.memref_slice %arg12[%mul3A_2] : memref<1000000xf32, #tpu.memory_space<vmem_shared>> -> memref<32000xf32, #tpu.memory_space<vmem_shared>>
      %dma_wait3A_42 = arith.constant 0 : i32
      %dma_wait3A_43 = tpu.memref_slice %arg13[%dma_wait3A_42] : memref<32000xf32, #tpu.memory_space<vmem>> -> memref<32000xf32, #tpu.memory_space<vmem>>
      tpu.wait_dma2 semaphore(%run_scoped3A : memref<!tpu.dma_semaphore, #tpu.memory_space<semaphore_mem>>) src(%dma_wait3A_43 : memref<32000xf32, #tpu.memory_space<vmem>>) dst(%dma_wait3A_41 : memref<32000xf32, #tpu.memory_space<vmem_shared>>)
      tpu.yield
    }) : () -> ()
    %lt3A = arith.constant 15 : i32
    %lt3A_3 = arith.cmpi slt, %arg1, %lt3A : i32
    %convert_element_type3A = arith.extui %lt3A_3 : i1 to i32
    %cond3A = arith.constant 0 : i32
    %cond3A_4 = arith.cmpi ne, %convert_element_type3A, %cond3A : i32
    scf.if %cond3A_4 {
      %mul3A_33 = arith.constant 64000 : i32
      %mul3A_34 = arith.muli %arg1, %mul3A_33 : i32
      %add3A_35 = arith.constant 32000 : i32
      %add3A_36 = arith.addi %mul3A_34, %add3A_35 : i32
      "tpu.region"() ({
        %run_scoped3A = tpu.sem_alloc : memref<!tpu.dma_semaphore, #tpu.memory_space<semaphore_mem>>
        %dma_start3A_37 = arith.constant 0 : i32
        %dma_start3A_38 = tpu.memref_slice %arg13[%dma_start3A_37] : memref<32000xf32, #tpu.memory_space<vmem>> -> memref<32000xf32, #tpu.memory_space<vmem>>
        %dma_start3A_39 = tpu.memref_slice %arg3[%add3A_36] : memref<1000000xf32, #tpu.memory_space<hbm>> -> memref<32000xf32, #tpu.memory_space<hbm>>
        %dma_start3A_40 = arith.constant 0 : i32
        %dma_start3A_41 = tpu.memref_slice %arg13[%dma_start3A_40] : memref<32000xf32, #tpu.memory_space<vmem>> -> memref<32000xf32, #tpu.memory_space<vmem>>
        %dma_start3A_42 = tpu.memref_slice %arg3[%add3A_36] : memref<1000000xf32, #tpu.memory_space<hbm>> -> memref<32000xf32, #tpu.memory_space<hbm>>
        tpu.enqueue_dma source(%dma_start3A_42 : memref<32000xf32, #tpu.memory_space<hbm>>) target(%dma_start3A_41 : memref<32000xf32, #tpu.memory_space<vmem>>) target_semaphore(%run_scoped3A : memref<!tpu.dma_semaphore, #tpu.memory_space<semaphore_mem>>)
        %dma_wait3A = arith.constant 0 : i32
        %dma_wait3A_43 = tpu.memref_slice %arg13[%dma_wait3A] : memref<32000xf32, #tpu.memory_space<vmem>> -> memref<32000xf32, #tpu.memory_space<vmem>>
        %dma_wait3A_44 = tpu.memref_slice %arg3[%add3A_36] : memref<1000000xf32, #tpu.memory_space<hbm>> -> memref<32000xf32, #tpu.memory_space<hbm>>
        %dma_wait3A_45 = arith.constant 0 : i32
        %dma_wait3A_46 = tpu.memref_slice %arg13[%dma_wait3A_45] : memref<32000xf32, #tpu.memory_space<vmem>> -> memref<32000xf32, #tpu.memory_space<vmem>>
        %dma_wait3A_47 = tpu.memref_slice %arg3[%add3A_36] : memref<1000000xf32, #tpu.memory_space<hbm>> -> memref<32000xf32, #tpu.memory_space<hbm>>
        tpu.wait_dma2 semaphore(%run_scoped3A : memref<!tpu.dma_semaphore, #tpu.memory_space<semaphore_mem>>) src(%dma_wait3A_47 : memref<32000xf32, #tpu.memory_space<hbm>>) dst(%dma_wait3A_46 : memref<32000xf32, #tpu.memory_space<vmem>>)
        tpu.yield
      }) : () -> ()
      "tpu.region"() ({
        %run_scoped3A = tpu.sem_alloc : memref<!tpu.dma_semaphore, #tpu.memory_space<semaphore_mem>>
        %dma_start3A_37 = arith.constant 0 : i32
        %dma_start3A_38 = tpu.memref_slice %arg13[%dma_start3A_37] : memref<32000xf32, #tpu.memory_space<vmem>> -> memref<32000xf32, #tpu.memory_space<vmem>>
        %dma_start3A_39 = tpu.memref_slice %arg12[%add3A_36] : memref<1000000xf32, #tpu.memory_space<vmem_shared>> -> memref<32000xf32, #tpu.memory_space<vmem_shared>>
        %dma_start3A_40 = tpu.memref_slice %arg12[%add3A_36] : memref<1000000xf32, #tpu.memory_space<vmem_shared>> -> memref<32000xf32, #tpu.memory_space<vmem_shared>>
        %dma_start3A_41 = arith.constant 0 : i32
        %dma_start3A_42 = tpu.memref_slice %arg13[%dma_start3A_41] : memref<32000xf32, #tpu.memory_space<vmem>> -> memref<32000xf32, #tpu.memory_space<vmem>>
        tpu.enqueue_dma source(%dma_start3A_42 : memref<32000xf32, #tpu.memory_space<vmem>>) target(%dma_start3A_40 : memref<32000xf32, #tpu.memory_space<vmem_shared>>) target_semaphore(%run_scoped3A : memref<!tpu.dma_semaphore, #tpu.memory_space<semaphore_mem>>)
        %dma_wait3A = arith.constant 0 : i32
        %dma_wait3A_43 = tpu.memref_slice %arg13[%dma_wait3A] : memref<32000xf32, #tpu.memory_space<vmem>> -> memref<32000xf32, #tpu.memory_space<vmem>>
        %dma_wait3A_44 = tpu.memref_slice %arg12[%add3A_36] : memref<1000000xf32, #tpu.memory_space<vmem_shared>> -> memref<32000xf32, #tpu.memory_space<vmem_shared>>
        %dma_wait3A_45 = tpu.memref_slice %arg12[%add3A_36] : memref<1000000xf32, #tpu.memory_space<vmem_shared>> -> memref<32000xf32, #tpu.memory_space<vmem_shared>>
        %dma_wait3A_46 = arith.constant 0 : i32
        %dma_wait3A_47 = tpu.memref_slice %arg13[%dma_wait3A_46] : memref<32000xf32, #tpu.memory_space<vmem>> -> memref<32000xf32, #tpu.memory_space<vmem>>
        tpu.wait_dma2 semaphore(%run_scoped3A : memref<!tpu.dma_semaphore, #tpu.memory_space<semaphore_mem>>) src(%dma_wait3A_47 : memref<32000xf32, #tpu.memory_space<vmem>>) dst(%dma_wait3A_45 : memref<32000xf32, #tpu.memory_space<vmem_shared>>)
        tpu.yield
      }) : () -> ()
    } else {
    }
    %eq3A = arith.constant 15 : i32
    %eq3A_5 = arith.cmpi eq, %arg1, %eq3A : i32
    %convert_element_type3A_6 = arith.extui %eq3A_5 : i1 to i32
    %cond3A_7 = arith.constant 0 : i32
    %cond3A_8 = arith.cmpi ne, %convert_element_type3A_6, %cond3A_7 : i32
    scf.if %cond3A_8 {
      "tpu.region"() ({
        %run_scoped3A = tpu.sem_alloc : memref<!tpu.dma_semaphore, #tpu.memory_space<semaphore_mem>>
        %dma_start3A_33 = arith.constant 0 : i32
        %dma_start3A_34 = tpu.memref_slice %arg13[%dma_start3A_33] : memref<32000xf32, #tpu.memory_space<vmem>> -> memref<8000xf32, #tpu.memory_space<vmem>>
        %dma_start3A_35 = arith.constant 992000 : i32
        %dma_start3A_36 = tpu.memref_slice %arg3[%dma_start3A_35] : memref<1000000xf32, #tpu.memory_space<hbm>> -> memref<8000xf32, #tpu.memory_space<hbm>>
        %dma_start3A_37 = arith.constant 0 : i32
        %dma_start3A_38 = tpu.memref_slice %arg13[%dma_start3A_37] : memref<32000xf32, #tpu.memory_space<vmem>> -> memref<8000xf32, #tpu.memory_space<vmem>>
        %dma_start3A_39 = arith.constant 992000 : i32
        %dma_start3A_40 = tpu.memref_slice %arg3[%dma_start3A_39] : memref<1000000xf32, #tpu.memory_space<hbm>> -> memref<8000xf32, #tpu.memory_space<hbm>>
        tpu.enqueue_dma source(%dma_start3A_40 : memref<8000xf32, #tpu.memory_space<hbm>>) target(%dma_start3A_38 : memref<8000xf32, #tpu.memory_space<vmem>>) target_semaphore(%run_scoped3A : memref<!tpu.dma_semaphore, #tpu.memory_space<semaphore_mem>>)
        %dma_wait3A = arith.constant 0 : i32
        %dma_wait3A_41 = tpu.memref_slice %arg13[%dma_wait3A] : memref<32000xf32, #tpu.memory_space<vmem>> -> memref<8000xf32, #tpu.memory_space<vmem>>
        %dma_wait3A_42 = arith.constant 992000 : i32
        %dma_wait3A_43 = tpu.memref_slice %arg3[%dma_wait3A_42] : memref<1000000xf32, #tpu.memory_space<hbm>> -> memref<8000xf32, #tpu.memory_space<hbm>>
        %dma_wait3A_44 = arith.constant 0 : i32
        %dma_wait3A_45 = tpu.memref_slice %arg13[%dma_wait3A_44] : memref<32000xf32, #tpu.memory_space<vmem>> -> memref<8000xf32, #tpu.memory_space<vmem>>
        %dma_wait3A_46 = arith.constant 992000 : i32
        %dma_wait3A_47 = tpu.memref_slice %arg3[%dma_wait3A_46] : memref<1000000xf32, #tpu.memory_space<hbm>> -> memref<8000xf32, #tpu.memory_space<hbm>>
        tpu.wait_dma2 semaphore(%run_scoped3A : memref<!tpu.dma_semaphore, #tpu.memory_space<semaphore_mem>>) src(%dma_wait3A_47 : memref<8000xf32, #tpu.memory_space<hbm>>) dst(%dma_wait3A_45 : memref<8000xf32, #tpu.memory_space<vmem>>)
        tpu.yield
      }) : () -> ()
      "tpu.region"() ({
        %run_scoped3A = tpu.sem_alloc : memref<!tpu.dma_semaphore, #tpu.memory_space<semaphore_mem>>
        %dma_start3A_33 = arith.constant 0 : i32
        %dma_start3A_34 = tpu.memref_slice %arg13[%dma_start3A_33] : memref<32000xf32, #tpu.memory_space<vmem>> -> memref<8000xf32, #tpu.memory_space<vmem>>
        %dma_start3A_35 = arith.constant 992000 : i32
        %dma_start3A_36 = tpu.memref_slice %arg12[%dma_start3A_35] : memref<1000000xf32, #tpu.memory_space<vmem_shared>> -> memref<8000xf32, #tpu.memory_space<vmem_shared>>
        %dma_start3A_37 = arith.constant 992000 : i32
        %dma_start3A_38 = tpu.memref_slice %arg12[%dma_start3A_37] : memref<1000000xf32, #tpu.memory_space<vmem_shared>> -> memref<8000xf32, #tpu.memory_space<vmem_shared>>
        %dma_start3A_39 = arith.constant 0 : i32
        %dma_start3A_40 = tpu.memref_slice %arg13[%dma_start3A_39] : memref<32000xf32, #tpu.memory_space<vmem>> -> memref<8000xf32, #tpu.memory_space<vmem>>
        tpu.enqueue_dma source(%dma_start3A_40 : memref<8000xf32, #tpu.memory_space<vmem>>) target(%dma_start3A_38 : memref<8000xf32, #tpu.memory_space<vmem_shared>>) target_semaphore(%run_scoped3A : memref<!tpu.dma_semaphore, #tpu.memory_space<semaphore_mem>>)
        %dma_wait3A = arith.constant 0 : i32
        %dma_wait3A_41 = tpu.memref_slice %arg13[%dma_wait3A] : memref<32000xf32, #tpu.memory_space<vmem>> -> memref<8000xf32, #tpu.memory_space<vmem>>
        %dma_wait3A_42 = arith.constant 992000 : i32
        %dma_wait3A_43 = tpu.memref_slice %arg12[%dma_wait3A_42] : memref<1000000xf32, #tpu.memory_space<vmem_shared>> -> memref<8000xf32, #tpu.memory_space<vmem_shared>>
        %dma_wait3A_44 = arith.constant 992000 : i32
        %dma_wait3A_45 = tpu.memref_slice %arg12[%dma_wait3A_44] : memref<1000000xf32, #tpu.memory_space<vmem_shared>> -> memref<8000xf32, #tpu.memory_space<vmem_shared>>
        %dma_wait3A_46 = arith.constant 0 : i32
        %dma_wait3A_47 = tpu.memref_slice %arg13[%dma_wait3A_46] : memref<32000xf32, #tpu.memory_space<vmem>> -> memref<8000xf32, #tpu.memory_space<vmem>>
        tpu.wait_dma2 semaphore(%run_scoped3A : memref<!tpu.dma_semaphore, #tpu.memory_space<semaphore_mem>>) src(%dma_wait3A_47 : memref<8000xf32, #tpu.memory_space<vmem>>) dst(%dma_wait3A_45 : memref<8000xf32, #tpu.memory_space<vmem_shared>>)
        tpu.yield
      }) : () -> ()
    } else {
    }
    "tpu.region"() ({
      %run_scoped3A = tpu.sem_alloc : memref<!tpu.dma_semaphore, #tpu.memory_space<semaphore_mem>>
      tpu.enqueue_dma source(%arg4 : memref<16xf32, #tpu.memory_space<hbm>>) target(%arg11 : memref<16xf32, #tpu.memory_space<vmem>>) target_semaphore(%run_scoped3A : memref<!tpu.dma_semaphore, #tpu.memory_space<semaphore_mem>>)
      tpu.wait_dma2 semaphore(%run_scoped3A : memref<!tpu.dma_semaphore, #tpu.memory_space<semaphore_mem>>) src(%arg4 : memref<16xf32, #tpu.memory_space<hbm>>) dst(%arg11 : memref<16xf32, #tpu.memory_space<vmem>>)
      tpu.yield
    }) : () -> ()
    %get3A = arith.constant 0 : index
    %get3A_9 = tpu.vector_load %arg11[%get3A] {strides = array<i32>} : memref<16xf32, #tpu.memory_space<vmem>>, vector<16xf32>,
    %iota3A = tpu.iota {dimensions = array<i32: 0>} : vector<16xi32>
    %mul3A_10 = arith.constant 200 : i32
    %mul3A_11 = vector.broadcast %mul3A_10 : i32 to vector<16xi32>
    %mul3A_12 = arith.muli %iota3A, %mul3A_11 : vector<16xi32>
    %barrier3A = arith.constant 0 : index
    tpu.barrier barrier_id(%barrier3A)
    %mul3A_13 = arith.constant 32 : i32
    %mul3A_14 = arith.muli %add3A, %mul3A_13 : i32
    %add3A_15 = arith.constant 0 : i32
    %add3A_16 = arith.addi %mul3A_14, %add3A_15 : i32
    %mul3A_17 = arith.constant 3200 : i32
    %mul3A_18 = arith.muli %add3A_16, %mul3A_17 : i32
    "tpu.region"() ({
      %run_scoped3A = tpu.sem_alloc : memref<!tpu.dma_semaphore, #tpu.memory_space<semaphore_mem>>
      %dma_start3A_33 = tpu.memref_slice %arg2[%mul3A_18] : memref<3276800xi32, #tpu.memory_space<hbm>> -> memref<3200xi32, #tpu.memory_space<hbm>>
      %dma_start3A_34 = tpu.memref_slice %arg2[%mul3A_18] : memref<3276800xi32, #tpu.memory_space<hbm>> -> memref<3200xi32, #tpu.memory_space<hbm>>
      tpu.enqueue_dma source(%dma_start3A_34 : memref<3200xi32, #tpu.memory_space<hbm>>) target(%arg6 : memref<3200xi32, #tpu.memory_space<vmem>>) target_semaphore(%run_scoped3A : memref<!tpu.dma_semaphore, #tpu.memory_space<semaphore_mem>>)
      %dma_wait3A = tpu.memref_slice %arg2[%mul3A_18] : memref<3276800xi32, #tpu.memory_space<hbm>> -> memref<3200xi32, #tpu.memory_space<hbm>>
      %dma_wait3A_35 = tpu.memref_slice %arg2[%mul3A_18] : memref<3276800xi32, #tpu.memory_space<hbm>> -> memref<3200xi32, #tpu.memory_space<hbm>>
      tpu.wait_dma2 semaphore(%run_scoped3A : memref<!tpu.dma_semaphore, #tpu.memory_space<semaphore_mem>>) src(%dma_wait3A_35 : memref<3200xi32, #tpu.memory_space<hbm>>) dst(%arg6 : memref<3200xi32, #tpu.memory_space<vmem>>)
      tpu.yield
    }) : () -> ()
    %dma_start3A = arith.constant 0 : i32
    %dma_start3A_19 = tpu.memref_slice %arg12[%dma_start3A] : memref<1000000xf32, #tpu.memory_space<vmem_shared>> -> memref<1000000xf32, #tpu.memory_space<vmem_shared>>
    tpu.enqueue_indirect_dma source(%dma_start3A_19 : memref<1000000xf32, #tpu.memory_space<vmem_shared>>) target(%arg8 : memref<3200xf32, #tpu.memory_space<vmem>>) offsets(%arg6 : memref<3200xi32, #tpu.memory_space<vmem>>) semaphore(%arg14 : memref<!tpu.dma_semaphore, #tpu.memory_space<semaphore_mem>>)
    %add3A_20 = arith.constant 1 : i32
    %add3A_21 = arith.addi %mul3A_14, %add3A_20 : i32
    %mul3A_22 = arith.constant 3200 : i32
    %mul3A_23 = arith.muli %add3A_21, %mul3A_22 : i32
    %dma_start3A_24 = tpu.memref_slice %arg2[%mul3A_23] : memref<3276800xi32, #tpu.memory_space<hbm>> -> memref<3200xi32, #tpu.memory_space<hbm>>
    %dma_start3A_25 = tpu.memref_slice %arg2[%mul3A_23] : memref<3276800xi32, #tpu.memory_space<hbm>> -> memref<3200xi32, #tpu.memory_space<hbm>>
    tpu.enqueue_dma source(%dma_start3A_25 : memref<3200xi32, #tpu.memory_space<hbm>>) target(%arg7 : memref<3200xi32, #tpu.memory_space<vmem>>) target_semaphore(%arg17 : memref<!tpu.dma_semaphore, #tpu.memory_space<semaphore_mem>>)
    %scan3A = arith.constant 0 : i32
    %scan3A_26 = arith.constant 0 : i32
    %scan3A_27 = arith.constant 16 : i32
    %scan3A_28 = arith.addi %scan3A_26, %scan3A_27 : i32
    %scan3A_29 = arith.constant 1 : i32
    scf.for %scan3A_33 = %scan3A_26 to %scan3A_28 step %scan3A_29  : i32 {
      %mul3A_34 = arith.constant 2 : i32
      %mul3A_35 = arith.muli %mul3A_34, %scan3A_33 : i32
      %add3A_36 = arith.constant 0 : i32
      %add3A_37 = arith.addi %mul3A_35, %add3A_36 : i32
      %add3A_38 = arith.constant 1 : i32
      %add3A_39 = arith.addi %add3A_37, %add3A_38 : i32
      %lt3A_40 = arith.constant 32 : i32
      %lt3A_41 = arith.cmpi slt, %add3A_39, %lt3A_40 : i32
      %convert_element_type3A_42 = arith.extui %lt3A_41 : i1 to i32
      %cond3A_43 = arith.constant 0 : i32
      %cond3A_44 = arith.cmpi ne, %convert_element_type3A_42, %cond3A_43 : i32
      scf.if %cond3A_44 {
        %add3A_2159 = arith.constant 1 : i32
        %add3A_2160 = arith.addi %add3A_37, %add3A_2159 : i32
        %add3A_2161 = arith.addi %mul3A_14, %add3A_2160 : i32
        %mul3A_2162 = arith.constant 3200 : i32
        %mul3A_2163 = arith.muli %add3A_2161, %mul3A_2162 : i32
        %dma_wait3A_2164 = tpu.memref_slice %arg2[%mul3A_2163] : memref<3276800xi32, #tpu.memory_space<hbm>> -> memref<3200xi32, #tpu.memory_space<hbm>>
        %dma_wait3A_2165 = tpu.memref_slice %arg2[%mul3A_2163] : memref<3276800xi32, #tpu.memory_space<hbm>> -> memref<3200xi32, #tpu.memory_space<hbm>>
        tpu.wait_dma2 semaphore(%arg17 : memref<!tpu.dma_semaphore, #tpu.memory_space<semaphore_mem>>) src(%dma_wait3A_2165 : memref<3200xi32, #tpu.memory_space<hbm>>) dst(%arg7 : memref<3200xi32, #tpu.memory_space<vmem>>)
        %dma_start3A_2166 = arith.constant 0 : i32
        %dma_start3A_2167 = tpu.memref_slice %arg12[%dma_start3A_2166] : memref<1000000xf32, #tpu.memory_space<vmem_shared>> -> memref<1000000xf32, #tpu.memory_space<vmem_shared>>
        tpu.enqueue_indirect_dma source(%dma_start3A_2167 : memref<1000000xf32, #tpu.memory_space<vmem_shared>>) target(%arg9 : memref<3200xf32, #tpu.memory_space<vmem>>) offsets(%arg7 : memref<3200xi32, #tpu.memory_space<vmem>>) semaphore(%arg15 : memref<!tpu.dma_semaphore, #tpu.memory_space<semaphore_mem>>)
      } else {
      }
      %dma_wait3A = arith.constant 0 : i32
      %dma_wait3A_45 = tpu.memref_slice %arg12[%dma_wait3A] : memref<1000000xf32, #tpu.memory_space<vmem_shared>> -> memref<1000000xf32, #tpu.memory_space<vmem_shared>>
      tpu.wait_indirect_dma semaphore(%arg14 : memref<!tpu.dma_semaphore, #tpu.memory_space<semaphore_mem>>) src(%dma_wait3A_45 : memref<1000000xf32, #tpu.memory_space<vmem_shared>>) dst(%arg8 : memref<3200xf32, #tpu.memory_space<vmem>>)
      %add3A_46 = arith.constant 2 : i32
      %add3A_47 = arith.addi %add3A_37, %add3A_46 : i32
      %lt3A_48 = arith.constant 32 : i32
      %lt3A_49 = arith.cmpi slt, %add3A_47, %lt3A_48 : i32
      %convert_element_type3A_50 = arith.extui %lt3A_49 : i1 to i32
      %cond3A_51 = arith.constant 0 : i32
      %cond3A_52 = arith.cmpi ne, %convert_element_type3A_50, %cond3A_51 : i32
      scf.if %cond3A_52 {
        %add3A_2159 = arith.constant 2 : i32
        %add3A_2160 = arith.addi %add3A_37, %add3A_2159 : i32
        %add3A_2161 = arith.addi %mul3A_14, %add3A_2160 : i32
        %mul3A_2162 = arith.constant 3200 : i32
        %mul3A_2163 = arith.muli %add3A_2161, %mul3A_2162 : i32
        %dma_start3A_2164 = tpu.memref_slice %arg2[%mul3A_2163] : memref<3276800xi32, #tpu.memory_space<hbm>> -> memref<3200xi32, #tpu.memory_space<hbm>>
        %dma_start3A_2165 = tpu.memref_slice %arg2[%mul3A_2163] : memref<3276800xi32, #tpu.memory_space<hbm>> -> memref<3200xi32, #tpu.memory_space<hbm>>
        tpu.enqueue_dma source(%dma_start3A_2165 : memref<3200xi32, #tpu.memory_space<hbm>>) target(%arg6 : memref<3200xi32, #tpu.memory_space<vmem>>) target_semaphore(%arg16 : memref<!tpu.dma_semaphore, #tpu.memory_space<semaphore_mem>>)
      } else {
      }
      %broadcast_in_dim3A = arith.constant 0.000000e+00 : f32
      %broadcast_in_dim3A_53 = vector.broadcast %broadcast_in_dim3A : f32 to vector<16xf32>
      %broadcast_in_dim3A_54 = arith.constant 0.000000e+00 : f32
      %broadcast_in_dim3A_55 = vector.broadcast %broadcast_in_dim3A_54 : f32 to vector<16xf32>
      %broadcast_in_dim3A_56 = arith.constant 0.000000e+00 : f32
      %broadcast_in_dim3A_57 = vector.broadcast %broadcast_in_dim3A_56 : f32 to vector<16xf32>
      %broadcast_in_dim3A_58 = arith.constant 0.000000e+00 : f32
      %broadcast_in_dim3A_59 = vector.broadcast %broadcast_in_dim3A_58 : f32 to vector<16xf32>
      %add3A_60 = arith.constant 0 : i32
      %add3A_61 = vector.broadcast %add3A_60 : i32 to vector<16xi32>
      %add3A_62 = arith.addi %mul3A_12, %add3A_61 : vector<16xi32>
      %gather3A = tpu.vector_load_idx %arg8[%add3A_62] : memref<3200xf32, #tpu.memory_space<vmem>>[vector<16xi32>], vector<16xf32>,
      %add3A_63 = arith.addf %broadcast_in_dim3A_53, %gather3A : vector<16xf32>
      %add3A_64 = arith.constant 1 : i32
      %add3A_65 = vector.broadcast %add3A_64 : i32 to vector<16xi32>
      %add3A_66 = arith.addi %mul3A_12, %add3A_65 : vector<16xi32>
      %gather3A_67 = tpu.vector_load_idx %arg8[%add3A_66] : memref<3200xf32, #tpu.memory_space<vmem>>[vector<16xi32>], vector<16xf32>,
      %add3A_68 = arith.addf %broadcast_in_dim3A_55, %gather3A_67 : vector<16xf32>
      %add3A_69 = arith.constant 2 : i32
      %add3A_70 = vector.broadcast %add3A_69 : i32 to vector<16xi32>
      %add3A_71 = arith.addi %mul3A_12, %add3A_70 : vector<16xi32>
      %gather3A_72 = tpu.vector_load_idx %arg8[%add3A_71] : memref<3200xf32, #tpu.memory_space<vmem>>[vector<16xi32>], vector<16xf32>,
      %add3A_73 = arith.addf %broadcast_in_dim3A_57, %gather3A_72 : vector<16xf32>
      %add3A_74 = arith.constant 3 : i32
      %add3A_75 = vector.broadcast %add3A_74 : i32 to vector<16xi32>
      %add3A_76 = arith.addi %mul3A_12, %add3A_75 : vector<16xi32>
      %gather3A_77 = tpu.vector_load_idx %arg8[%add3A_76] : memref<3200xf32, #tpu.memory_space<vmem>>[vector<16xi32>], vector<16xf32>,
      %add3A_78 = arith.addf %broadcast_in_dim3A_59, %gather3A_77 : vector<16xf32>
      %add3A_79 = arith.constant 4 : i32
      %add3A_80 = vector.broadcast %add3A_79 : i32 to vector<16xi32>
      %add3A_81 = arith.addi %mul3A_12, %add3A_80 : vector<16xi32>
      %gather3A_82 = tpu.vector_load_idx %arg8[%add3A_81] : memref<3200xf32, #tpu.memory_space<vmem>>[vector<16xi32>], vector<16xf32>,
      %add3A_83 = arith.addf %add3A_63, %gather3A_82 : vector<16xf32>
      %add3A_84 = arith.constant 5 : i32
      %add3A_85 = vector.broadcast %add3A_84 : i32 to vector<16xi32>
      %add3A_86 = arith.addi %mul3A_12, %add3A_85 : vector<16xi32>
      %gather3A_87 = tpu.vector_load_idx %arg8[%add3A_86] : memref<3200xf32, #tpu.memory_space<vmem>>[vector<16xi32>], vector<16xf32>,
      %add3A_88 = arith.addf %add3A_68, %gather3A_87 : vector<16xf32>
      %add3A_89 = arith.constant 6 : i32
      %add3A_90 = vector.broadcast %add3A_89 : i32 to vector<16xi32>
      %add3A_91 = arith.addi %mul3A_12, %add3A_90 : vector<16xi32>
      %gather3A_92 = tpu.vector_load_idx %arg8[%add3A_91] : memref<3200xf32, #tpu.memory_space<vmem>>[vector<16xi32>], vector<16xf32>,
      %add3A_93 = arith.addf %add3A_73, %gather3A_92 : vector<16xf32>
      %add3A_94 = arith.constant 7 : i32
      %add3A_95 = vector.broadcast %add3A_94 : i32 to vector<16xi32>
      %add3A_96 = arith.addi %mul3A_12, %add3A_95 : vector<16xi32>
      %gather3A_97 = tpu.vector_load_idx %arg8[%add3A_96] : memref<3200xf32, #tpu.memory_space<vmem>>[vector<16xi32>], vector<16xf32>,
      %add3A_98 = arith.addf %add3A_78, %gather3A_97 : vector<16xf32>
      %add3A_99 = arith.constant 8 : i32
      %add3A_100 = vector.broadcast %add3A_99 : i32 to vector<16xi32>
      %add3A_101 = arith.addi %mul3A_12, %add3A_100 : vector<16xi32>
      %gather3A_102 = tpu.vector_load_idx %arg8[%add3A_101] : memref<3200xf32, #tpu.memory_space<vmem>>[vector<16xi32>], vector<16xf32>,
      %add3A_103 = arith.addf %add3A_83, %gather3A_102 : vector<16xf32>
      %add3A_104 = arith.constant 9 : i32
      %add3A_105 = vector.broadcast %add3A_104 : i32 to vector<16xi32>
      %add3A_106 = arith.addi %mul3A_12, %add3A_105 : vector<16xi32>
      %gather3A_107 = tpu.vector_load_idx %arg8[%add3A_106] : memref<3200xf32, #tpu.memory_space<vmem>>[vector<16xi32>], vector<16xf32>,
      %add3A_108 = arith.addf %add3A_88, %gather3A_107 : vector<16xf32>
      %add3A_109 = arith.constant 10 : i32
      %add3A_110 = vector.broadcast %add3A_109 : i32 to vector<16xi32>
      %add3A_111 = arith.addi %mul3A_12, %add3A_110 : vector<16xi32>
      %gather3A_112 = tpu.vector_load_idx %arg8[%add3A_111] : memref<3200xf32, #tpu.memory_space<vmem>>[vector<16xi32>], vector<16xf32>,
      %add3A_113 = arith.addf %add3A_93, %gather3A_112 : vector<16xf32>
      %add3A_114 = arith.constant 11 : i32
      %add3A_115 = vector.broadcast %add3A_114 : i32 to vector<16xi32>
      %add3A_116 = arith.addi %mul3A_12, %add3A_115 : vector<16xi32>
      %gather3A_117 = tpu.vector_load_idx %arg8[%add3A_116] : memref<3200xf32, #tpu.memory_space<vmem>>[vector<16xi32>], vector<16xf32>,
      %add3A_118 = arith.addf %add3A_98, %gather3A_117 : vector<16xf32>
      %add3A_119 = arith.constant 12 : i32
      %add3A_120 = vector.broadcast %add3A_119 : i32 to vector<16xi32>
      %add3A_121 = arith.addi %mul3A_12, %add3A_120 : vector<16xi32>
      %gather3A_122 = tpu.vector_load_idx %arg8[%add3A_121] : memref<3200xf32, #tpu.memory_space<vmem>>[vector<16xi32>], vector<16xf32>,
      %add3A_123 = arith.addf %add3A_103, %gather3A_122 : vector<16xf32>
      %add3A_124 = arith.constant 13 : i32
      %add3A_125 = vector.broadcast %add3A_124 : i32 to vector<16xi32>
      %add3A_126 = arith.addi %mul3A_12, %add3A_125 : vector<16xi32>
      %gather3A_127 = tpu.vector_load_idx %arg8[%add3A_126] : memref<3200xf32, #tpu.memory_space<vmem>>[vector<16xi32>], vector<16xf32>,
      %add3A_128 = arith.addf %add3A_108, %gather3A_127 : vector<16xf32>
      %add3A_129 = arith.constant 14 : i32
      %add3A_130 = vector.broadcast %add3A_129 : i32 to vector<16xi32>
      %add3A_131 = arith.addi %mul3A_12, %add3A_130 : vector<16xi32>
      %gather3A_132 = tpu.vector_load_idx %arg8[%add3A_131] : memref<3200xf32, #tpu.memory_space<vmem>>[vector<16xi32>], vector<16xf32>,
      %add3A_133 = arith.addf %add3A_113, %gather3A_132 : vector<16xf32>
      %add3A_134 = arith.constant 15 : i32
      %add3A_135 = vector.broadcast %add3A_134 : i32 to vector<16xi32>
      %add3A_136 = arith.addi %mul3A_12, %add3A_135 : vector<16xi32>
      %gather3A_137 = tpu.vector_load_idx %arg8[%add3A_136] : memref<3200xf32, #tpu.memory_space<vmem>>[vector<16xi32>], vector<16xf32>,
      %add3A_138 = arith.addf %add3A_118, %gather3A_137 : vector<16xf32>
      %add3A_139 = arith.constant 16 : i32
      %add3A_140 = vector.broadcast %add3A_139 : i32 to vector<16xi32>
      %add3A_141 = arith.addi %mul3A_12, %add3A_140 : vector<16xi32>
      %gather3A_142 = tpu.vector_load_idx %arg8[%add3A_141] : memref<3200xf32, #tpu.memory_space<vmem>>[vector<16xi32>], vector<16xf32>,
      %add3A_143 = arith.addf %add3A_123, %gather3A_142 : vector<16xf32>
      %add3A_144 = arith.constant 17 : i32
      %add3A_145 = vector.broadcast %add3A_144 : i32 to vector<16xi32>
      %add3A_146 = arith.addi %mul3A_12, %add3A_145 : vector<16xi32>
      %gather3A_147 = tpu.vector_load_idx %arg8[%add3A_146] : memref<3200xf32, #tpu.memory_space<vmem>>[vector<16xi32>], vector<16xf32>,
      %add3A_148 = arith.addf %add3A_128, %gather3A_147 : vector<16xf32>
      %add3A_149 = arith.constant 18 : i32
      %add3A_150 = vector.broadcast %add3A_149 : i32 to vector<16xi32>
      %add3A_151 = arith.addi %mul3A_12, %add3A_150 : vector<16xi32>
      %gather3A_152 = tpu.vector_load_idx %arg8[%add3A_151] : memref<3200xf32, #tpu.memory_space<vmem>>[vector<16xi32>], vector<16xf32>,
      %add3A_153 = arith.addf %add3A_133, %gather3A_152 : vector<16xf32>
      %add3A_154 = arith.constant 19 : i32
      %add3A_155 = vector.broadcast %add3A_154 : i32 to vector<16xi32>
      %add3A_156 = arith.addi %mul3A_12, %add3A_155 : vector<16xi32>
      %gather3A_157 = tpu.vector_load_idx %arg8[%add3A_156] : memref<3200xf32, #tpu.memory_space<vmem>>[vector<16xi32>], vector<16xf32>,
      %add3A_158 = arith.addf %add3A_138, %gather3A_157 : vector<16xf32>
      %add3A_159 = arith.constant 20 : i32
      %add3A_160 = vector.broadcast %add3A_159 : i32 to vector<16xi32>
      %add3A_161 = arith.addi %mul3A_12, %add3A_160 : vector<16xi32>
      %gather3A_162 = tpu.vector_load_idx %arg8[%add3A_161] : memref<3200xf32, #tpu.memory_space<vmem>>[vector<16xi32>], vector<16xf32>,
      %add3A_163 = arith.addf %add3A_143, %gather3A_162 : vector<16xf32>
      %add3A_164 = arith.constant 21 : i32
      %add3A_165 = vector.broadcast %add3A_164 : i32 to vector<16xi32>
      %add3A_166 = arith.addi %mul3A_12, %add3A_165 : vector<16xi32>
      %gather3A_167 = tpu.vector_load_idx %arg8[%add3A_166] : memref<3200xf32, #tpu.memory_space<vmem>>[vector<16xi32>], vector<16xf32>,
      %add3A_168 = arith.addf %add3A_148, %gather3A_167 : vector<16xf32>
      %add3A_169 = arith.constant 22 : i32
      %add3A_170 = vector.broadcast %add3A_169 : i32 to vector<16xi32>
      %add3A_171 = arith.addi %mul3A_12, %add3A_170 : vector<16xi32>
      %gather3A_172 = tpu.vector_load_idx %arg8[%add3A_171] : memref<3200xf32, #tpu.memory_space<vmem>>[vector<16xi32>], vector<16xf32>,
      %add3A_173 = arith.addf %add3A_153, %gather3A_172 : vector<16xf32>
      %add3A_174 = arith.constant 23 : i32
      %add3A_175 = vector.broadcast %add3A_174 : i32 to vector<16xi32>
      %add3A_176 = arith.addi %mul3A_12, %add3A_175 : vector<16xi32>
      %gather3A_177 = tpu.vector_load_idx %arg8[%add3A_176] : memref<3200xf32, #tpu.memory_space<vmem>>[vector<16xi32>], vector<16xf32>,
      %add3A_178 = arith.addf %add3A_158, %gather3A_177 : vector<16xf32>
      %add3A_179 = arith.constant 24 : i32
      %add3A_180 = vector.broadcast %add3A_179 : i32 to vector<16xi32>
      %add3A_181 = arith.addi %mul3A_12, %add3A_180 : vector<16xi32>
      %gather3A_182 = tpu.vector_load_idx %arg8[%add3A_181] : memref<3200xf32, #tpu.memory_space<vmem>>[vector<16xi32>], vector<16xf32>,
      %add3A_183 = arith.addf %add3A_163, %gather3A_182 : vector<16xf32>
      %add3A_184 = arith.constant 25 : i32
      %add3A_185 = vector.broadcast %add3A_184 : i32 to vector<16xi32>
      %add3A_186 = arith.addi %mul3A_12, %add3A_185 : vector<16xi32>
      %gather3A_187 = tpu.vector_load_idx %arg8[%add3A_186] : memref<3200xf32, #tpu.memory_space<vmem>>[vector<16xi32>], vector<16xf32>,
      %add3A_188 = arith.addf %add3A_168, %gather3A_187 : vector<16xf32>
      %add3A_189 = arith.constant 26 : i32
      %add3A_190 = vector.broadcast %add3A_189 : i32 to vector<16xi32>
      %add3A_191 = arith.addi %mul3A_12, %add3A_190 : vector<16xi32>
      %gather3A_192 = tpu.vector_load_idx %arg8[%add3A_191] : memref<3200xf32, #tpu.memory_space<vmem>>[vector<16xi32>], vector<16xf32>,
      %add3A_193 = arith.addf %add3A_173, %gather3A_192 : vector<16xf32>
      %add3A_194 = arith.constant 27 : i32
      %add3A_195 = vector.broadcast %add3A_194 : i32 to vector<16xi32>
      %add3A_196 = arith.addi %mul3A_12, %add3A_195 : vector<16xi32>
      %gather3A_197 = tpu.vector_load_idx %arg8[%add3A_196] : memref<3200xf32, #tpu.memory_space<vmem>>[vector<16xi32>], vector<16xf32>,
      %add3A_198 = arith.addf %add3A_178, %gather3A_197 : vector<16xf32>
      %add3A_199 = arith.constant 28 : i32
      %add3A_200 = vector.broadcast %add3A_199 : i32 to vector<16xi32>
      %add3A_201 = arith.addi %mul3A_12, %add3A_200 : vector<16xi32>
      %gather3A_202 = tpu.vector_load_idx %arg8[%add3A_201] : memref<3200xf32, #tpu.memory_space<vmem>>[vector<16xi32>], vector<16xf32>,
      %add3A_203 = arith.addf %add3A_183, %gather3A_202 : vector<16xf32>
      %add3A_204 = arith.constant 29 : i32
      %add3A_205 = vector.broadcast %add3A_204 : i32 to vector<16xi32>
      %add3A_206 = arith.addi %mul3A_12, %add3A_205 : vector<16xi32>
      %gather3A_207 = tpu.vector_load_idx %arg8[%add3A_206] : memref<3200xf32, #tpu.memory_space<vmem>>[vector<16xi32>], vector<16xf32>,
      %add3A_208 = arith.addf %add3A_188, %gather3A_207 : vector<16xf32>
      %add3A_209 = arith.constant 30 : i32
      %add3A_210 = vector.broadcast %add3A_209 : i32 to vector<16xi32>
      %add3A_211 = arith.addi %mul3A_12, %add3A_210 : vector<16xi32>
      %gather3A_212 = tpu.vector_load_idx %arg8[%add3A_211] : memref<3200xf32, #tpu.memory_space<vmem>>[vector<16xi32>], vector<16xf32>,
      %add3A_213 = arith.addf %add3A_193, %gather3A_212 : vector<16xf32>
      %add3A_214 = arith.constant 31 : i32
      %add3A_215 = vector.broadcast %add3A_214 : i32 to vector<16xi32>
      %add3A_216 = arith.addi %mul3A_12, %add3A_215 : vector<16xi32>
      %gather3A_217 = tpu.vector_load_idx %arg8[%add3A_216] : memref<3200xf32, #tpu.memory_space<vmem>>[vector<16xi32>], vector<16xf32>,
      %add3A_218 = arith.addf %add3A_198, %gather3A_217 : vector<16xf32>
      %add3A_219 = arith.constant 32 : i32
      %add3A_220 = vector.broadcast %add3A_219 : i32 to vector<16xi32>
      %add3A_221 = arith.addi %mul3A_12, %add3A_220 : vector<16xi32>
      %gather3A_222 = tpu.vector_load_idx %arg8[%add3A_221] : memref<3200xf32, #tpu.memory_space<vmem>>[vector<16xi32>], vector<16xf32>,
      %add3A_223 = arith.addf %add3A_203, %gather3A_222 : vector<16xf32>
      %add3A_224 = arith.constant 33 : i32
      %add3A_225 = vector.broadcast %add3A_224 : i32 to vector<16xi32>
      %add3A_226 = arith.addi %mul3A_12, %add3A_225 : vector<16xi32>
      %gather3A_227 = tpu.vector_load_idx %arg8[%add3A_226] : memref<3200xf32, #tpu.memory_space<vmem>>[vector<16xi32>], vector<16xf32>,
      %add3A_228 = arith.addf %add3A_208, %gather3A_227 : vector<16xf32>
      %add3A_229 = arith.constant 34 : i32
      %add3A_230 = vector.broadcast %add3A_229 : i32 to vector<16xi32>
      %add3A_231 = arith.addi %mul3A_12, %add3A_230 : vector<16xi32>
      %gather3A_232 = tpu.vector_load_idx %arg8[%add3A_231] : memref<3200xf32, #tpu.memory_space<vmem>>[vector<16xi32>], vector<16xf32>,
      %add3A_233 = arith.addf %add3A_213, %gather3A_232 : vector<16xf32>
      %add3A_234 = arith.constant 35 : i32
      %add3A_235 = vector.broadcast %add3A_234 : i32 to vector<16xi32>
      %add3A_236 = arith.addi %mul3A_12, %add3A_235 : vector<16xi32>
      %gather3A_237 = tpu.vector_load_idx %arg8[%add3A_236] : memref<3200xf32, #tpu.memory_space<vmem>>[vector<16xi32>], vector<16xf32>,
      %add3A_238 = arith.addf %add3A_218, %gather3A_237 : vector<16xf32>
      %add3A_239 = arith.constant 36 : i32
      %add3A_240 = vector.broadcast %add3A_239 : i32 to vector<16xi32>
      %add3A_241 = arith.addi %mul3A_12, %add3A_240 : vector<16xi32>
      %gather3A_242 = tpu.vector_load_idx %arg8[%add3A_241] : memref<3200xf32, #tpu.memory_space<vmem>>[vector<16xi32>], vector<16xf32>,
      %add3A_243 = arith.addf %add3A_223, %gather3A_242 : vector<16xf32>
      %add3A_244 = arith.constant 37 : i32
      %add3A_245 = vector.broadcast %add3A_244 : i32 to vector<16xi32>
      %add3A_246 = arith.addi %mul3A_12, %add3A_245 : vector<16xi32>
      %gather3A_247 = tpu.vector_load_idx %arg8[%add3A_246] : memref<3200xf32, #tpu.memory_space<vmem>>[vector<16xi32>], vector<16xf32>,
      %add3A_248 = arith.addf %add3A_228, %gather3A_247 : vector<16xf32>
      %add3A_249 = arith.constant 38 : i32
      %add3A_250 = vector.broadcast %add3A_249 : i32 to vector<16xi32>
      %add3A_251 = arith.addi %mul3A_12, %add3A_250 : vector<16xi32>
      %gather3A_252 = tpu.vector_load_idx %arg8[%add3A_251] : memref<3200xf32, #tpu.memory_space<vmem>>[vector<16xi32>], vector<16xf32>,
      %add3A_253 = arith.addf %add3A_233, %gather3A_252 : vector<16xf32>
      %add3A_254 = arith.constant 39 : i32
      %add3A_255 = vector.broadcast %add3A_254 : i32 to vector<16xi32>
      %add3A_256 = arith.addi %mul3A_12, %add3A_255 : vector<16xi32>
      %gather3A_257 = tpu.vector_load_idx %arg8[%add3A_256] : memref<3200xf32, #tpu.memory_space<vmem>>[vector<16xi32>], vector<16xf32>,
      %add3A_258 = arith.addf %add3A_238, %gather3A_257 : vector<16xf32>
      %add3A_259 = arith.constant 40 : i32
      %add3A_260 = vector.broadcast %add3A_259 : i32 to vector<16xi32>
      %add3A_261 = arith.addi %mul3A_12, %add3A_260 : vector<16xi32>
      %gather3A_262 = tpu.vector_load_idx %arg8[%add3A_261] : memref<3200xf32, #tpu.memory_space<vmem>>[vector<16xi32>], vector<16xf32>,
      %add3A_263 = arith.addf %add3A_243, %gather3A_262 : vector<16xf32>
      %add3A_264 = arith.constant 41 : i32
      %add3A_265 = vector.broadcast %add3A_264 : i32 to vector<16xi32>
      %add3A_266 = arith.addi %mul3A_12, %add3A_265 : vector<16xi32>
      %gather3A_267 = tpu.vector_load_idx %arg8[%add3A_266] : memref<3200xf32, #tpu.memory_space<vmem>>[vector<16xi32>], vector<16xf32>,
      %add3A_268 = arith.addf %add3A_248, %gather3A_267 : vector<16xf32>
      %add3A_269 = arith.constant 42 : i32
      %add3A_270 = vector.broadcast %add3A_269 : i32 to vector<16xi32>
      %add3A_271 = arith.addi %mul3A_12, %add3A_270 : vector<16xi32>
      %gather3A_272 = tpu.vector_load_idx %arg8[%add3A_271] : memref<3200xf32, #tpu.memory_space<vmem>>[vector<16xi32>], vector<16xf32>,
      %add3A_273 = arith.addf %add3A_253, %gather3A_272 : vector<16xf32>
      %add3A_274 = arith.constant 43 : i32
      %add3A_275 = vector.broadcast %add3A_274 : i32 to vector<16xi32>
      %add3A_276 = arith.addi %mul3A_12, %add3A_275 : vector<16xi32>
      %gather3A_277 = tpu.vector_load_idx %arg8[%add3A_276] : memref<3200xf32, #tpu.memory_space<vmem>>[vector<16xi32>], vector<16xf32>,
      %add3A_278 = arith.addf %add3A_258, %gather3A_277 : vector<16xf32>
      %add3A_279 = arith.constant 44 : i32
      %add3A_280 = vector.broadcast %add3A_279 : i32 to vector<16xi32>
      %add3A_281 = arith.addi %mul3A_12, %add3A_280 : vector<16xi32>
      %gather3A_282 = tpu.vector_load_idx %arg8[%add3A_281] : memref<3200xf32, #tpu.memory_space<vmem>>[vector<16xi32>], vector<16xf32>,
      %add3A_283 = arith.addf %add3A_263, %gather3A_282 : vector<16xf32>
      %add3A_284 = arith.constant 45 : i32
      %add3A_285 = vector.broadcast %add3A_284 : i32 to vector<16xi32>
      %add3A_286 = arith.addi %mul3A_12, %add3A_285 : vector<16xi32>
      %gather3A_287 = tpu.vector_load_idx %arg8[%add3A_286] : memref<3200xf32, #tpu.memory_space<vmem>>[vector<16xi32>], vector<16xf32>,
      %add3A_288 = arith.addf %add3A_268, %gather3A_287 : vector<16xf32>
      %add3A_289 = arith.constant 46 : i32
      %add3A_290 = vector.broadcast %add3A_289 : i32 to vector<16xi32>
      %add3A_291 = arith.addi %mul3A_12, %add3A_290 : vector<16xi32>
      %gather3A_292 = tpu.vector_load_idx %arg8[%add3A_291] : memref<3200xf32, #tpu.memory_space<vmem>>[vector<16xi32>], vector<16xf32>,
      %add3A_293 = arith.addf %add3A_273, %gather3A_292 : vector<16xf32>
      %add3A_294 = arith.constant 47 : i32
      %add3A_295 = vector.broadcast %add3A_294 : i32 to vector<16xi32>
      %add3A_296 = arith.addi %mul3A_12, %add3A_295 : vector<16xi32>
      %gather3A_297 = tpu.vector_load_idx %arg8[%add3A_296] : memref<3200xf32, #tpu.memory_space<vmem>>[vector<16xi32>], vector<16xf32>,
      %add3A_298 = arith.addf %add3A_278, %gather3A_297 : vector<16xf32>
      %add3A_299 = arith.constant 48 : i32
      %add3A_300 = vector.broadcast %add3A_299 : i32 to vector<16xi32>
      %add3A_301 = arith.addi %mul3A_12, %add3A_300 : vector<16xi32>
      %gather3A_302 = tpu.vector_load_idx %arg8[%add3A_301] : memref<3200xf32, #tpu.memory_space<vmem>>[vector<16xi32>], vector<16xf32>,
      %add3A_303 = arith.addf %add3A_283, %gather3A_302 : vector<16xf32>
      %add3A_304 = arith.constant 49 : i32
      %add3A_305 = vector.broadcast %add3A_304 : i32 to vector<16xi32>
      %add3A_306 = arith.addi %mul3A_12, %add3A_305 : vector<16xi32>
      %gather3A_307 = tpu.vector_load_idx %arg8[%add3A_306] : memref<3200xf32, #tpu.memory_space<vmem>>[vector<16xi32>], vector<16xf32>,
      %add3A_308 = arith.addf %add3A_288, %gather3A_307 : vector<16xf32>
      %add3A_309 = arith.constant 50 : i32
      %add3A_310 = vector.broadcast %add3A_309 : i32 to vector<16xi32>
      %add3A_311 = arith.addi %mul3A_12, %add3A_310 : vector<16xi32>
      %gather3A_312 = tpu.vector_load_idx %arg8[%add3A_311] : memref<3200xf32, #tpu.memory_space<vmem>>[vector<16xi32>], vector<16xf32>,
      %add3A_313 = arith.addf %add3A_293, %gather3A_312 : vector<16xf32>
      %add3A_314 = arith.constant 51 : i32
      %add3A_315 = vector.broadcast %add3A_314 : i32 to vector<16xi32>
      %add3A_316 = arith.addi %mul3A_12, %add3A_315 : vector<16xi32>
      %gather3A_317 = tpu.vector_load_idx %arg8[%add3A_316] : memref<3200xf32, #tpu.memory_space<vmem>>[vector<16xi32>], vector<16xf32>,
      %add3A_318 = arith.addf %add3A_298, %gather3A_317 : vector<16xf32>
      %add3A_319 = arith.constant 52 : i32
      %add3A_320 = vector.broadcast %add3A_319 : i32 to vector<16xi32>
      %add3A_321 = arith.addi %mul3A_12, %add3A_320 : vector<16xi32>
      %gather3A_322 = tpu.vector_load_idx %arg8[%add3A_321] : memref<3200xf32, #tpu.memory_space<vmem>>[vector<16xi32>], vector<16xf32>,
      %add3A_323 = arith.addf %add3A_303, %gather3A_322 : vector<16xf32>
      %add3A_324 = arith.constant 53 : i32
      %add3A_325 = vector.broadcast %add3A_324 : i32 to vector<16xi32>
      %add3A_326 = arith.addi %mul3A_12, %add3A_325 : vector<16xi32>
      %gather3A_327 = tpu.vector_load_idx %arg8[%add3A_326] : memref<3200xf32, #tpu.memory_space<vmem>>[vector<16xi32>], vector<16xf32>,
      %add3A_328 = arith.addf %add3A_308, %gather3A_327 : vector<16xf32>
      %add3A_329 = arith.constant 54 : i32
      %add3A_330 = vector.broadcast %add3A_329 : i32 to vector<16xi32>
      %add3A_331 = arith.addi %mul3A_12, %add3A_330 : vector<16xi32>
      %gather3A_332 = tpu.vector_load_idx %arg8[%add3A_331] : memref<3200xf32, #tpu.memory_space<vmem>>[vector<16xi32>], vector<16xf32>,
      %add3A_333 = arith.addf %add3A_313, %gather3A_332 : vector<16xf32>
      %add3A_334 = arith.constant 55 : i32
      %add3A_335 = vector.broadcast %add3A_334 : i32 to vector<16xi32>
      %add3A_336 = arith.addi %mul3A_12, %add3A_335 : vector<16xi32>
      %gather3A_337 = tpu.vector_load_idx %arg8[%add3A_336] : memref<3200xf32, #tpu.memory_space<vmem>>[vector<16xi32>], vector<16xf32>,
      %add3A_338 = arith.addf %add3A_318, %gather3A_337 : vector<16xf32>
      %add3A_339 = arith.constant 56 : i32
      %add3A_340 = vector.broadcast %add3A_339 : i32 to vector<16xi32>
      %add3A_341 = arith.addi %mul3A_12, %add3A_340 : vector<16xi32>
      %gather3A_342 = tpu.vector_load_idx %arg8[%add3A_341] : memref<3200xf32, #tpu.memory_space<vmem>>[vector<16xi32>], vector<16xf32>,
      %add3A_343 = arith.addf %add3A_323, %gather3A_342 : vector<16xf32>
      %add3A_344 = arith.constant 57 : i32
      %add3A_345 = vector.broadcast %add3A_344 : i32 to vector<16xi32>
      %add3A_346 = arith.addi %mul3A_12, %add3A_345 : vector<16xi32>
      %gather3A_347 = tpu.vector_load_idx %arg8[%add3A_346] : memref<3200xf32, #tpu.memory_space<vmem>>[vector<16xi32>], vector<16xf32>,
      %add3A_348 = arith.addf %add3A_328, %gather3A_347 : vector<16xf32>
      %add3A_349 = arith.constant 58 : i32
      %add3A_350 = vector.broadcast %add3A_349 : i32 to vector<16xi32>
      %add3A_351 = arith.addi %mul3A_12, %add3A_350 : vector<16xi32>
      %gather3A_352 = tpu.vector_load_idx %arg8[%add3A_351] : memref<3200xf32, #tpu.memory_space<vmem>>[vector<16xi32>], vector<16xf32>,
      %add3A_353 = arith.addf %add3A_333, %gather3A_352 : vector<16xf32>
      %add3A_354 = arith.constant 59 : i32
      %add3A_355 = vector.broadcast %add3A_354 : i32 to vector<16xi32>
      %add3A_356 = arith.addi %mul3A_12, %add3A_355 : vector<16xi32>
      %gather3A_357 = tpu.vector_load_idx %arg8[%add3A_356] : memref<3200xf32, #tpu.memory_space<vmem>>[vector<16xi32>], vector<16xf32>,
      %add3A_358 = arith.addf %add3A_338, %gather3A_357 : vector<16xf32>
      %add3A_359 = arith.constant 60 : i32
      %add3A_360 = vector.broadcast %add3A_359 : i32 to vector<16xi32>
      %add3A_361 = arith.addi %mul3A_12, %add3A_360 : vector<16xi32>
      %gather3A_362 = tpu.vector_load_idx %arg8[%add3A_361] : memref<3200xf32, #tpu.memory_space<vmem>>[vector<16xi32>], vector<16xf32>,
      %add3A_363 = arith.addf %add3A_343, %gather3A_362 : vector<16xf32>
      %add3A_364 = arith.constant 61 : i32
      %add3A_365 = vector.broadcast %add3A_364 : i32 to vector<16xi32>
      %add3A_366 = arith.addi %mul3A_12, %add3A_365 : vector<16xi32>
      %gather3A_367 = tpu.vector_load_idx %arg8[%add3A_366] : memref<3200xf32, #tpu.memory_space<vmem>>[vector<16xi32>], vector<16xf32>,
      %add3A_368 = arith.addf %add3A_348, %gather3A_367 : vector<16xf32>
      %add3A_369 = arith.constant 62 : i32
      %add3A_370 = vector.broadcast %add3A_369 : i32 to vector<16xi32>
      %add3A_371 = arith.addi %mul3A_12, %add3A_370 : vector<16xi32>
      %gather3A_372 = tpu.vector_load_idx %arg8[%add3A_371] : memref<3200xf32, #tpu.memory_space<vmem>>[vector<16xi32>], vector<16xf32>,
      %add3A_373 = arith.addf %add3A_353, %gather3A_372 : vector<16xf32>
      %add3A_374 = arith.constant 63 : i32
      %add3A_375 = vector.broadcast %add3A_374 : i32 to vector<16xi32>
      %add3A_376 = arith.addi %mul3A_12, %add3A_375 : vector<16xi32>
      %gather3A_377 = tpu.vector_load_idx %arg8[%add3A_376] : memref<3200xf32, #tpu.memory_space<vmem>>[vector<16xi32>], vector<16xf32>,
      %add3A_378 = arith.addf %add3A_358, %gather3A_377 : vector<16xf32>
      %add3A_379 = arith.constant 64 : i32
      %add3A_380 = vector.broadcast %add3A_379 : i32 to vector<16xi32>
      %add3A_381 = arith.addi %mul3A_12, %add3A_380 : vector<16xi32>
      %gather3A_382 = tpu.vector_load_idx %arg8[%add3A_381] : memref<3200xf32, #tpu.memory_space<vmem>>[vector<16xi32>], vector<16xf32>,
      %add3A_383 = arith.addf %add3A_363, %gather3A_382 : vector<16xf32>
      %add3A_384 = arith.constant 65 : i32
      %add3A_385 = vector.broadcast %add3A_384 : i32 to vector<16xi32>
      %add3A_386 = arith.addi %mul3A_12, %add3A_385 : vector<16xi32>
      %gather3A_387 = tpu.vector_load_idx %arg8[%add3A_386] : memref<3200xf32, #tpu.memory_space<vmem>>[vector<16xi32>], vector<16xf32>,
      %add3A_388 = arith.addf %add3A_368, %gather3A_387 : vector<16xf32>
      %add3A_389 = arith.constant 66 : i32
      %add3A_390 = vector.broadcast %add3A_389 : i32 to vector<16xi32>
      %add3A_391 = arith.addi %mul3A_12, %add3A_390 : vector<16xi32>
      %gather3A_392 = tpu.vector_load_idx %arg8[%add3A_391] : memref<3200xf32, #tpu.memory_space<vmem>>[vector<16xi32>], vector<16xf32>,
      %add3A_393 = arith.addf %add3A_373, %gather3A_392 : vector<16xf32>
      %add3A_394 = arith.constant 67 : i32
      %add3A_395 = vector.broadcast %add3A_394 : i32 to vector<16xi32>
      %add3A_396 = arith.addi %mul3A_12, %add3A_395 : vector<16xi32>
      %gather3A_397 = tpu.vector_load_idx %arg8[%add3A_396] : memref<3200xf32, #tpu.memory_space<vmem>>[vector<16xi32>], vector<16xf32>,
      %add3A_398 = arith.addf %add3A_378, %gather3A_397 : vector<16xf32>
      %add3A_399 = arith.constant 68 : i32
      %add3A_400 = vector.broadcast %add3A_399 : i32 to vector<16xi32>
      %add3A_401 = arith.addi %mul3A_12, %add3A_400 : vector<16xi32>
      %gather3A_402 = tpu.vector_load_idx %arg8[%add3A_401] : memref<3200xf32, #tpu.memory_space<vmem>>[vector<16xi32>], vector<16xf32>,
      %add3A_403 = arith.addf %add3A_383, %gather3A_402 : vector<16xf32>
      %add3A_404 = arith.constant 69 : i32
      %add3A_405 = vector.broadcast %add3A_404 : i32 to vector<16xi32>
      %add3A_406 = arith.addi %mul3A_12, %add3A_405 : vector<16xi32>
      %gather3A_407 = tpu.vector_load_idx %arg8[%add3A_406] : memref<3200xf32, #tpu.memory_space<vmem>>[vector<16xi32>], vector<16xf32>,
      %add3A_408 = arith.addf %add3A_388, %gather3A_407 : vector<16xf32>
      %add3A_409 = arith.constant 70 : i32
      %add3A_410 = vector.broadcast %add3A_409 : i32 to vector<16xi32>
      %add3A_411 = arith.addi %mul3A_12, %add3A_410 : vector<16xi32>
      %gather3A_412 = tpu.vector_load_idx %arg8[%add3A_411] : memref<3200xf32, #tpu.memory_space<vmem>>[vector<16xi32>], vector<16xf32>,
      %add3A_413 = arith.addf %add3A_393, %gather3A_412 : vector<16xf32>
      %add3A_414 = arith.constant 71 : i32
      %add3A_415 = vector.broadcast %add3A_414 : i32 to vector<16xi32>
      %add3A_416 = arith.addi %mul3A_12, %add3A_415 : vector<16xi32>
      %gather3A_417 = tpu.vector_load_idx %arg8[%add3A_416] : memref<3200xf32, #tpu.memory_space<vmem>>[vector<16xi32>], vector<16xf32>,
      %add3A_418 = arith.addf %add3A_398, %gather3A_417 : vector<16xf32>
      %add3A_419 = arith.constant 72 : i32
      %add3A_420 = vector.broadcast %add3A_419 : i32 to vector<16xi32>
      %add3A_421 = arith.addi %mul3A_12, %add3A_420 : vector<16xi32>
      %gather3A_422 = tpu.vector_load_idx %arg8[%add3A_421] : memref<3200xf32, #tpu.memory_space<vmem>>[vector<16xi32>], vector<16xf32>,
      %add3A_423 = arith.addf %add3A_403, %gather3A_422 : vector<16xf32>
      %add3A_424 = arith.constant 73 : i32
      %add3A_425 = vector.broadcast %add3A_424 : i32 to vector<16xi32>
      %add3A_426 = arith.addi %mul3A_12, %add3A_425 : vector<16xi32>
      %gather3A_427 = tpu.vector_load_idx %arg8[%add3A_426] : memref<3200xf32, #tpu.memory_space<vmem>>[vector<16xi32>], vector<16xf32>,
      %add3A_428 = arith.addf %add3A_408, %gather3A_427 : vector<16xf32>
      %add3A_429 = arith.constant 74 : i32
      %add3A_430 = vector.broadcast %add3A_429 : i32 to vector<16xi32>
      %add3A_431 = arith.addi %mul3A_12, %add3A_430 : vector<16xi32>
      %gather3A_432 = tpu.vector_load_idx %arg8[%add3A_431] : memref<3200xf32, #tpu.memory_space<vmem>>[vector<16xi32>], vector<16xf32>,
      %add3A_433 = arith.addf %add3A_413, %gather3A_432 : vector<16xf32>
      %add3A_434 = arith.constant 75 : i32
      %add3A_435 = vector.broadcast %add3A_434 : i32 to vector<16xi32>
      %add3A_436 = arith.addi %mul3A_12, %add3A_435 : vector<16xi32>
      %gather3A_437 = tpu.vector_load_idx %arg8[%add3A_436] : memref<3200xf32, #tpu.memory_space<vmem>>[vector<16xi32>], vector<16xf32>,
      %add3A_438 = arith.addf %add3A_418, %gather3A_437 : vector<16xf32>
      %add3A_439 = arith.constant 76 : i32
      %add3A_440 = vector.broadcast %add3A_439 : i32 to vector<16xi32>
      %add3A_441 = arith.addi %mul3A_12, %add3A_440 : vector<16xi32>
      %gather3A_442 = tpu.vector_load_idx %arg8[%add3A_441] : memref<3200xf32, #tpu.memory_space<vmem>>[vector<16xi32>], vector<16xf32>,
      %add3A_443 = arith.addf %add3A_423, %gather3A_442 : vector<16xf32>
      %add3A_444 = arith.constant 77 : i32
      %add3A_445 = vector.broadcast %add3A_444 : i32 to vector<16xi32>
      %add3A_446 = arith.addi %mul3A_12, %add3A_445 : vector<16xi32>
      %gather3A_447 = tpu.vector_load_idx %arg8[%add3A_446] : memref<3200xf32, #tpu.memory_space<vmem>>[vector<16xi32>], vector<16xf32>,
      %add3A_448 = arith.addf %add3A_428, %gather3A_447 : vector<16xf32>
      %add3A_449 = arith.constant 78 : i32
      %add3A_450 = vector.broadcast %add3A_449 : i32 to vector<16xi32>
      %add3A_451 = arith.addi %mul3A_12, %add3A_450 : vector<16xi32>
      %gather3A_452 = tpu.vector_load_idx %arg8[%add3A_451] : memref<3200xf32, #tpu.memory_space<vmem>>[vector<16xi32>], vector<16xf32>,
      %add3A_453 = arith.addf %add3A_433, %gather3A_452 : vector<16xf32>
      %add3A_454 = arith.constant 79 : i32
      %add3A_455 = vector.broadcast %add3A_454 : i32 to vector<16xi32>
      %add3A_456 = arith.addi %mul3A_12, %add3A_455 : vector<16xi32>
      %gather3A_457 = tpu.vector_load_idx %arg8[%add3A_456] : memref<3200xf32, #tpu.memory_space<vmem>>[vector<16xi32>], vector<16xf32>,
      %add3A_458 = arith.addf %add3A_438, %gather3A_457 : vector<16xf32>
      %add3A_459 = arith.constant 80 : i32
      %add3A_460 = vector.broadcast %add3A_459 : i32 to vector<16xi32>
      %add3A_461 = arith.addi %mul3A_12, %add3A_460 : vector<16xi32>
      %gather3A_462 = tpu.vector_load_idx %arg8[%add3A_461] : memref<3200xf32, #tpu.memory_space<vmem>>[vector<16xi32>], vector<16xf32>,
      %add3A_463 = arith.addf %add3A_443, %gather3A_462 : vector<16xf32>
      %add3A_464 = arith.constant 81 : i32
      %add3A_465 = vector.broadcast %add3A_464 : i32 to vector<16xi32>
      %add3A_466 = arith.addi %mul3A_12, %add3A_465 : vector<16xi32>
      %gather3A_467 = tpu.vector_load_idx %arg8[%add3A_466] : memref<3200xf32, #tpu.memory_space<vmem>>[vector<16xi32>], vector<16xf32>,
      %add3A_468 = arith.addf %add3A_448, %gather3A_467 : vector<16xf32>
      %add3A_469 = arith.constant 82 : i32
      %add3A_470 = vector.broadcast %add3A_469 : i32 to vector<16xi32>
      %add3A_471 = arith.addi %mul3A_12, %add3A_470 : vector<16xi32>
      %gather3A_472 = tpu.vector_load_idx %arg8[%add3A_471] : memref<3200xf32, #tpu.memory_space<vmem>>[vector<16xi32>], vector<16xf32>,
      %add3A_473 = arith.addf %add3A_453, %gather3A_472 : vector<16xf32>
      %add3A_474 = arith.constant 83 : i32
      %add3A_475 = vector.broadcast %add3A_474 : i32 to vector<16xi32>
      %add3A_476 = arith.addi %mul3A_12, %add3A_475 : vector<16xi32>
      %gather3A_477 = tpu.vector_load_idx %arg8[%add3A_476] : memref<3200xf32, #tpu.memory_space<vmem>>[vector<16xi32>], vector<16xf32>,
      %add3A_478 = arith.addf %add3A_458, %gather3A_477 : vector<16xf32>
      %add3A_479 = arith.constant 84 : i32
      %add3A_480 = vector.broadcast %add3A_479 : i32 to vector<16xi32>
      %add3A_481 = arith.addi %mul3A_12, %add3A_480 : vector<16xi32>
      %gather3A_482 = tpu.vector_load_idx %arg8[%add3A_481] : memref<3200xf32, #tpu.memory_space<vmem>>[vector<16xi32>], vector<16xf32>,
      %add3A_483 = arith.addf %add3A_463, %gather3A_482 : vector<16xf32>
      %add3A_484 = arith.constant 85 : i32
      %add3A_485 = vector.broadcast %add3A_484 : i32 to vector<16xi32>
      %add3A_486 = arith.addi %mul3A_12, %add3A_485 : vector<16xi32>
      %gather3A_487 = tpu.vector_load_idx %arg8[%add3A_486] : memref<3200xf32, #tpu.memory_space<vmem>>[vector<16xi32>], vector<16xf32>,
      %add3A_488 = arith.addf %add3A_468, %gather3A_487 : vector<16xf32>
      %add3A_489 = arith.constant 86 : i32
      %add3A_490 = vector.broadcast %add3A_489 : i32 to vector<16xi32>
      %add3A_491 = arith.addi %mul3A_12, %add3A_490 : vector<16xi32>
      %gather3A_492 = tpu.vector_load_idx %arg8[%add3A_491] : memref<3200xf32, #tpu.memory_space<vmem>>[vector<16xi32>], vector<16xf32>,
      %add3A_493 = arith.addf %add3A_473, %gather3A_492 : vector<16xf32>
      %add3A_494 = arith.constant 87 : i32
      %add3A_495 = vector.broadcast %add3A_494 : i32 to vector<16xi32>
      %add3A_496 = arith.addi %mul3A_12, %add3A_495 : vector<16xi32>
      %gather3A_497 = tpu.vector_load_idx %arg8[%add3A_496] : memref<3200xf32, #tpu.memory_space<vmem>>[vector<16xi32>], vector<16xf32>,
      %add3A_498 = arith.addf %add3A_478, %gather3A_497 : vector<16xf32>
      %add3A_499 = arith.constant 88 : i32
      %add3A_500 = vector.broadcast %add3A_499 : i32 to vector<16xi32>
      %add3A_501 = arith.addi %mul3A_12, %add3A_500 : vector<16xi32>
      %gather3A_502 = tpu.vector_load_idx %arg8[%add3A_501] : memref<3200xf32, #tpu.memory_space<vmem>>[vector<16xi32>], vector<16xf32>,
      %add3A_503 = arith.addf %add3A_483, %gather3A_502 : vector<16xf32>
      %add3A_504 = arith.constant 89 : i32
      %add3A_505 = vector.broadcast %add3A_504 : i32 to vector<16xi32>
      %add3A_506 = arith.addi %mul3A_12, %add3A_505 : vector<16xi32>
      %gather3A_507 = tpu.vector_load_idx %arg8[%add3A_506] : memref<3200xf32, #tpu.memory_space<vmem>>[vector<16xi32>], vector<16xf32>,
      %add3A_508 = arith.addf %add3A_488, %gather3A_507 : vector<16xf32>
      %add3A_509 = arith.constant 90 : i32
      %add3A_510 = vector.broadcast %add3A_509 : i32 to vector<16xi32>
      %add3A_511 = arith.addi %mul3A_12, %add3A_510 : vector<16xi32>
      %gather3A_512 = tpu.vector_load_idx %arg8[%add3A_511] : memref<3200xf32, #tpu.memory_space<vmem>>[vector<16xi32>], vector<16xf32>,
      %add3A_513 = arith.addf %add3A_493, %gather3A_512 : vector<16xf32>
      %add3A_514 = arith.constant 91 : i32
      %add3A_515 = vector.broadcast %add3A_514 : i32 to vector<16xi32>
      %add3A_516 = arith.addi %mul3A_12, %add3A_515 : vector<16xi32>
      %gather3A_517 = tpu.vector_load_idx %arg8[%add3A_516] : memref<3200xf32, #tpu.memory_space<vmem>>[vector<16xi32>], vector<16xf32>,
      %add3A_518 = arith.addf %add3A_498, %gather3A_517 : vector<16xf32>
      %add3A_519 = arith.constant 92 : i32
      %add3A_520 = vector.broadcast %add3A_519 : i32 to vector<16xi32>
      %add3A_521 = arith.addi %mul3A_12, %add3A_520 : vector<16xi32>
      %gather3A_522 = tpu.vector_load_idx %arg8[%add3A_521] : memref<3200xf32, #tpu.memory_space<vmem>>[vector<16xi32>], vector<16xf32>,
      %add3A_523 = arith.addf %add3A_503, %gather3A_522 : vector<16xf32>
      %add3A_524 = arith.constant 93 : i32
      %add3A_525 = vector.broadcast %add3A_524 : i32 to vector<16xi32>
      %add3A_526 = arith.addi %mul3A_12, %add3A_525 : vector<16xi32>
      %gather3A_527 = tpu.vector_load_idx %arg8[%add3A_526] : memref<3200xf32, #tpu.memory_space<vmem>>[vector<16xi32>], vector<16xf32>,
      %add3A_528 = arith.addf %add3A_508, %gather3A_527 : vector<16xf32>
      %add3A_529 = arith.constant 94 : i32
      %add3A_530 = vector.broadcast %add3A_529 : i32 to vector<16xi32>
      %add3A_531 = arith.addi %mul3A_12, %add3A_530 : vector<16xi32>
      %gather3A_532 = tpu.vector_load_idx %arg8[%add3A_531] : memref<3200xf32, #tpu.memory_space<vmem>>[vector<16xi32>], vector<16xf32>,
      %add3A_533 = arith.addf %add3A_513, %gather3A_532 : vector<16xf32>
      %add3A_534 = arith.constant 95 : i32
      %add3A_535 = vector.broadcast %add3A_534 : i32 to vector<16xi32>
      %add3A_536 = arith.addi %mul3A_12, %add3A_535 : vector<16xi32>
      %gather3A_537 = tpu.vector_load_idx %arg8[%add3A_536] : memref<3200xf32, #tpu.memory_space<vmem>>[vector<16xi32>], vector<16xf32>,
      %add3A_538 = arith.addf %add3A_518, %gather3A_537 : vector<16xf32>
      %add3A_539 = arith.constant 96 : i32
      %add3A_540 = vector.broadcast %add3A_539 : i32 to vector<16xi32>
      %add3A_541 = arith.addi %mul3A_12, %add3A_540 : vector<16xi32>
      %gather3A_542 = tpu.vector_load_idx %arg8[%add3A_541] : memref<3200xf32, #tpu.memory_space<vmem>>[vector<16xi32>], vector<16xf32>,
      %add3A_543 = arith.addf %add3A_523, %gather3A_542 : vector<16xf32>
      %add3A_544 = arith.constant 97 : i32
      %add3A_545 = vector.broadcast %add3A_544 : i32 to vector<16xi32>
      %add3A_546 = arith.addi %mul3A_12, %add3A_545 : vector<16xi32>
      %gather3A_547 = tpu.vector_load_idx %arg8[%add3A_546] : memref<3200xf32, #tpu.memory_space<vmem>>[vector<16xi32>], vector<16xf32>,
      %add3A_548 = arith.addf %add3A_528, %gather3A_547 : vector<16xf32>
      %add3A_549 = arith.constant 98 : i32
      %add3A_550 = vector.broadcast %add3A_549 : i32 to vector<16xi32>
      %add3A_551 = arith.addi %mul3A_12, %add3A_550 : vector<16xi32>
      %gather3A_552 = tpu.vector_load_idx %arg8[%add3A_551] : memref<3200xf32, #tpu.memory_space<vmem>>[vector<16xi32>], vector<16xf32>,
      %add3A_553 = arith.addf %add3A_533, %gather3A_552 : vector<16xf32>
      %add3A_554 = arith.constant 99 : i32
      %add3A_555 = vector.broadcast %add3A_554 : i32 to vector<16xi32>
      %add3A_556 = arith.addi %mul3A_12, %add3A_555 : vector<16xi32>
      %gather3A_557 = tpu.vector_load_idx %arg8[%add3A_556] : memref<3200xf32, #tpu.memory_space<vmem>>[vector<16xi32>], vector<16xf32>,
      %add3A_558 = arith.addf %add3A_538, %gather3A_557 : vector<16xf32>
      %add3A_559 = arith.constant 100 : i32
      %add3A_560 = vector.broadcast %add3A_559 : i32 to vector<16xi32>
      %add3A_561 = arith.addi %mul3A_12, %add3A_560 : vector<16xi32>
      %gather3A_562 = tpu.vector_load_idx %arg8[%add3A_561] : memref<3200xf32, #tpu.memory_space<vmem>>[vector<16xi32>], vector<16xf32>,
      %add3A_563 = arith.addf %add3A_543, %gather3A_562 : vector<16xf32>
      %add3A_564 = arith.constant 101 : i32
      %add3A_565 = vector.broadcast %add3A_564 : i32 to vector<16xi32>
      %add3A_566 = arith.addi %mul3A_12, %add3A_565 : vector<16xi32>
      %gather3A_567 = tpu.vector_load_idx %arg8[%add3A_566] : memref<3200xf32, #tpu.memory_space<vmem>>[vector<16xi32>], vector<16xf32>,
      %add3A_568 = arith.addf %add3A_548, %gather3A_567 : vector<16xf32>
      %add3A_569 = arith.constant 102 : i32
      %add3A_570 = vector.broadcast %add3A_569 : i32 to vector<16xi32>
      %add3A_571 = arith.addi %mul3A_12, %add3A_570 : vector<16xi32>
      %gather3A_572 = tpu.vector_load_idx %arg8[%add3A_571] : memref<3200xf32, #tpu.memory_space<vmem>>[vector<16xi32>], vector<16xf32>,
      %add3A_573 = arith.addf %add3A_553, %gather3A_572 : vector<16xf32>
      %add3A_574 = arith.constant 103 : i32
      %add3A_575 = vector.broadcast %add3A_574 : i32 to vector<16xi32>
      %add3A_576 = arith.addi %mul3A_12, %add3A_575 : vector<16xi32>
      %gather3A_577 = tpu.vector_load_idx %arg8[%add3A_576] : memref<3200xf32, #tpu.memory_space<vmem>>[vector<16xi32>], vector<16xf32>,
      %add3A_578 = arith.addf %add3A_558, %gather3A_577 : vector<16xf32>
      %add3A_579 = arith.constant 104 : i32
      %add3A_580 = vector.broadcast %add3A_579 : i32 to vector<16xi32>
      %add3A_581 = arith.addi %mul3A_12, %add3A_580 : vector<16xi32>
      %gather3A_582 = tpu.vector_load_idx %arg8[%add3A_581] : memref<3200xf32, #tpu.memory_space<vmem>>[vector<16xi32>], vector<16xf32>,
      %add3A_583 = arith.addf %add3A_563, %gather3A_582 : vector<16xf32>
      %add3A_584 = arith.constant 105 : i32
      %add3A_585 = vector.broadcast %add3A_584 : i32 to vector<16xi32>
      %add3A_586 = arith.addi %mul3A_12, %add3A_585 : vector<16xi32>
      %gather3A_587 = tpu.vector_load_idx %arg8[%add3A_586] : memref<3200xf32, #tpu.memory_space<vmem>>[vector<16xi32>], vector<16xf32>,
      %add3A_588 = arith.addf %add3A_568, %gather3A_587 : vector<16xf32>
      %add3A_589 = arith.constant 106 : i32
      %add3A_590 = vector.broadcast %add3A_589 : i32 to vector<16xi32>
      %add3A_591 = arith.addi %mul3A_12, %add3A_590 : vector<16xi32>
      %gather3A_592 = tpu.vector_load_idx %arg8[%add3A_591] : memref<3200xf32, #tpu.memory_space<vmem>>[vector<16xi32>], vector<16xf32>,
      %add3A_593 = arith.addf %add3A_573, %gather3A_592 : vector<16xf32>
      %add3A_594 = arith.constant 107 : i32
      %add3A_595 = vector.broadcast %add3A_594 : i32 to vector<16xi32>
      %add3A_596 = arith.addi %mul3A_12, %add3A_595 : vector<16xi32>
      %gather3A_597 = tpu.vector_load_idx %arg8[%add3A_596] : memref<3200xf32, #tpu.memory_space<vmem>>[vector<16xi32>], vector<16xf32>,
      %add3A_598 = arith.addf %add3A_578, %gather3A_597 : vector<16xf32>
      %add3A_599 = arith.constant 108 : i32
      %add3A_600 = vector.broadcast %add3A_599 : i32 to vector<16xi32>
      %add3A_601 = arith.addi %mul3A_12, %add3A_600 : vector<16xi32>
      %gather3A_602 = tpu.vector_load_idx %arg8[%add3A_601] : memref<3200xf32, #tpu.memory_space<vmem>>[vector<16xi32>], vector<16xf32>,
      %add3A_603 = arith.addf %add3A_583, %gather3A_602 : vector<16xf32>
      %add3A_604 = arith.constant 109 : i32
      %add3A_605 = vector.broadcast %add3A_604 : i32 to vector<16xi32>
      %add3A_606 = arith.addi %mul3A_12, %add3A_605 : vector<16xi32>
      %gather3A_607 = tpu.vector_load_idx %arg8[%add3A_606] : memref<3200xf32, #tpu.memory_space<vmem>>[vector<16xi32>], vector<16xf32>,
      %add3A_608 = arith.addf %add3A_588, %gather3A_607 : vector<16xf32>
      %add3A_609 = arith.constant 110 : i32
      %add3A_610 = vector.broadcast %add3A_609 : i32 to vector<16xi32>
      %add3A_611 = arith.addi %mul3A_12, %add3A_610 : vector<16xi32>
      %gather3A_612 = tpu.vector_load_idx %arg8[%add3A_611] : memref<3200xf32, #tpu.memory_space<vmem>>[vector<16xi32>], vector<16xf32>,
      %add3A_613 = arith.addf %add3A_593, %gather3A_612 : vector<16xf32>
      %add3A_614 = arith.constant 111 : i32
      %add3A_615 = vector.broadcast %add3A_614 : i32 to vector<16xi32>
      %add3A_616 = arith.addi %mul3A_12, %add3A_615 : vector<16xi32>
      %gather3A_617 = tpu.vector_load_idx %arg8[%add3A_616] : memref<3200xf32, #tpu.memory_space<vmem>>[vector<16xi32>], vector<16xf32>,
      %add3A_618 = arith.addf %add3A_598, %gather3A_617 : vector<16xf32>
      %add3A_619 = arith.constant 112 : i32
      %add3A_620 = vector.broadcast %add3A_619 : i32 to vector<16xi32>
      %add3A_621 = arith.addi %mul3A_12, %add3A_620 : vector<16xi32>
      %gather3A_622 = tpu.vector_load_idx %arg8[%add3A_621] : memref<3200xf32, #tpu.memory_space<vmem>>[vector<16xi32>], vector<16xf32>,
      %add3A_623 = arith.addf %add3A_603, %gather3A_622 : vector<16xf32>
      %add3A_624 = arith.constant 113 : i32
      %add3A_625 = vector.broadcast %add3A_624 : i32 to vector<16xi32>
      %add3A_626 = arith.addi %mul3A_12, %add3A_625 : vector<16xi32>
      %gather3A_627 = tpu.vector_load_idx %arg8[%add3A_626] : memref<3200xf32, #tpu.memory_space<vmem>>[vector<16xi32>], vector<16xf32>,
      %add3A_628 = arith.addf %add3A_608, %gather3A_627 : vector<16xf32>
      %add3A_629 = arith.constant 114 : i32
      %add3A_630 = vector.broadcast %add3A_629 : i32 to vector<16xi32>
      %add3A_631 = arith.addi %mul3A_12, %add3A_630 : vector<16xi32>
      %gather3A_632 = tpu.vector_load_idx %arg8[%add3A_631] : memref<3200xf32, #tpu.memory_space<vmem>>[vector<16xi32>], vector<16xf32>,
      %add3A_633 = arith.addf %add3A_613, %gather3A_632 : vector<16xf32>
      %add3A_634 = arith.constant 115 : i32
      %add3A_635 = vector.broadcast %add3A_634 : i32 to vector<16xi32>
      %add3A_636 = arith.addi %mul3A_12, %add3A_635 : vector<16xi32>
      %gather3A_637 = tpu.vector_load_idx %arg8[%add3A_636] : memref<3200xf32, #tpu.memory_space<vmem>>[vector<16xi32>], vector<16xf32>,
      %add3A_638 = arith.addf %add3A_618, %gather3A_637 : vector<16xf32>
      %add3A_639 = arith.constant 116 : i32
      %add3A_640 = vector.broadcast %add3A_639 : i32 to vector<16xi32>
      %add3A_641 = arith.addi %mul3A_12, %add3A_640 : vector<16xi32>
      %gather3A_642 = tpu.vector_load_idx %arg8[%add3A_641] : memref<3200xf32, #tpu.memory_space<vmem>>[vector<16xi32>], vector<16xf32>,
      %add3A_643 = arith.addf %add3A_623, %gather3A_642 : vector<16xf32>
      %add3A_644 = arith.constant 117 : i32
      %add3A_645 = vector.broadcast %add3A_644 : i32 to vector<16xi32>
      %add3A_646 = arith.addi %mul3A_12, %add3A_645 : vector<16xi32>
      %gather3A_647 = tpu.vector_load_idx %arg8[%add3A_646] : memref<3200xf32, #tpu.memory_space<vmem>>[vector<16xi32>], vector<16xf32>,
      %add3A_648 = arith.addf %add3A_628, %gather3A_647 : vector<16xf32>
      %add3A_649 = arith.constant 118 : i32
      %add3A_650 = vector.broadcast %add3A_649 : i32 to vector<16xi32>
      %add3A_651 = arith.addi %mul3A_12, %add3A_650 : vector<16xi32>
      %gather3A_652 = tpu.vector_load_idx %arg8[%add3A_651] : memref<3200xf32, #tpu.memory_space<vmem>>[vector<16xi32>], vector<16xf32>,
      %add3A_653 = arith.addf %add3A_633, %gather3A_652 : vector<16xf32>
      %add3A_654 = arith.constant 119 : i32
      %add3A_655 = vector.broadcast %add3A_654 : i32 to vector<16xi32>
      %add3A_656 = arith.addi %mul3A_12, %add3A_655 : vector<16xi32>
      %gather3A_657 = tpu.vector_load_idx %arg8[%add3A_656] : memref<3200xf32, #tpu.memory_space<vmem>>[vector<16xi32>], vector<16xf32>,
      %add3A_658 = arith.addf %add3A_638, %gather3A_657 : vector<16xf32>
      %add3A_659 = arith.constant 120 : i32
      %add3A_660 = vector.broadcast %add3A_659 : i32 to vector<16xi32>
      %add3A_661 = arith.addi %mul3A_12, %add3A_660 : vector<16xi32>
      %gather3A_662 = tpu.vector_load_idx %arg8[%add3A_661] : memref<3200xf32, #tpu.memory_space<vmem>>[vector<16xi32>], vector<16xf32>,
      %add3A_663 = arith.addf %add3A_643, %gather3A_662 : vector<16xf32>
      %add3A_664 = arith.constant 121 : i32
      %add3A_665 = vector.broadcast %add3A_664 : i32 to vector<16xi32>
      %add3A_666 = arith.addi %mul3A_12, %add3A_665 : vector<16xi32>
      %gather3A_667 = tpu.vector_load_idx %arg8[%add3A_666] : memref<3200xf32, #tpu.memory_space<vmem>>[vector<16xi32>], vector<16xf32>,
      %add3A_668 = arith.addf %add3A_648, %gather3A_667 : vector<16xf32>
      %add3A_669 = arith.constant 122 : i32
      %add3A_670 = vector.broadcast %add3A_669 : i32 to vector<16xi32>
      %add3A_671 = arith.addi %mul3A_12, %add3A_670 : vector<16xi32>
      %gather3A_672 = tpu.vector_load_idx %arg8[%add3A_671] : memref<3200xf32, #tpu.memory_space<vmem>>[vector<16xi32>], vector<16xf32>,
      %add3A_673 = arith.addf %add3A_653, %gather3A_672 : vector<16xf32>
      %add3A_674 = arith.constant 123 : i32
      %add3A_675 = vector.broadcast %add3A_674 : i32 to vector<16xi32>
      %add3A_676 = arith.addi %mul3A_12, %add3A_675 : vector<16xi32>
      %gather3A_677 = tpu.vector_load_idx %arg8[%add3A_676] : memref<3200xf32, #tpu.memory_space<vmem>>[vector<16xi32>], vector<16xf32>,
      %add3A_678 = arith.addf %add3A_658, %gather3A_677 : vector<16xf32>
      %add3A_679 = arith.constant 124 : i32
      %add3A_680 = vector.broadcast %add3A_679 : i32 to vector<16xi32>
      %add3A_681 = arith.addi %mul3A_12, %add3A_680 : vector<16xi32>
      %gather3A_682 = tpu.vector_load_idx %arg8[%add3A_681] : memref<3200xf32, #tpu.memory_space<vmem>>[vector<16xi32>], vector<16xf32>,
      %add3A_683 = arith.addf %add3A_663, %gather3A_682 : vector<16xf32>
      %add3A_684 = arith.constant 125 : i32
      %add3A_685 = vector.broadcast %add3A_684 : i32 to vector<16xi32>
      %add3A_686 = arith.addi %mul3A_12, %add3A_685 : vector<16xi32>
      %gather3A_687 = tpu.vector_load_idx %arg8[%add3A_686] : memref<3200xf32, #tpu.memory_space<vmem>>[vector<16xi32>], vector<16xf32>,
      %add3A_688 = arith.addf %add3A_668, %gather3A_687 : vector<16xf32>
      %add3A_689 = arith.constant 126 : i32
      %add3A_690 = vector.broadcast %add3A_689 : i32 to vector<16xi32>
      %add3A_691 = arith.addi %mul3A_12, %add3A_690 : vector<16xi32>
      %gather3A_692 = tpu.vector_load_idx %arg8[%add3A_691] : memref<3200xf32, #tpu.memory_space<vmem>>[vector<16xi32>], vector<16xf32>,
      %add3A_693 = arith.addf %add3A_673, %gather3A_692 : vector<16xf32>
      %add3A_694 = arith.constant 127 : i32
      %add3A_695 = vector.broadcast %add3A_694 : i32 to vector<16xi32>
      %add3A_696 = arith.addi %mul3A_12, %add3A_695 : vector<16xi32>
      %gather3A_697 = tpu.vector_load_idx %arg8[%add3A_696] : memref<3200xf32, #tpu.memory_space<vmem>>[vector<16xi32>], vector<16xf32>,
      %add3A_698 = arith.addf %add3A_678, %gather3A_697 : vector<16xf32>
      %add3A_699 = arith.constant 128 : i32
      %add3A_700 = vector.broadcast %add3A_699 : i32 to vector<16xi32>
      %add3A_701 = arith.addi %mul3A_12, %add3A_700 : vector<16xi32>
      %gather3A_702 = tpu.vector_load_idx %arg8[%add3A_701] : memref<3200xf32, #tpu.memory_space<vmem>>[vector<16xi32>], vector<16xf32>,
      %add3A_703 = arith.addf %add3A_683, %gather3A_702 : vector<16xf32>
      %add3A_704 = arith.constant 129 : i32
      %add3A_705 = vector.broadcast %add3A_704 : i32 to vector<16xi32>
      %add3A_706 = arith.addi %mul3A_12, %add3A_705 : vector<16xi32>
      %gather3A_707 = tpu.vector_load_idx %arg8[%add3A_706] : memref<3200xf32, #tpu.memory_space<vmem>>[vector<16xi32>], vector<16xf32>,
      %add3A_708 = arith.addf %add3A_688, %gather3A_707 : vector<16xf32>
      %add3A_709 = arith.constant 130 : i32
      %add3A_710 = vector.broadcast %add3A_709 : i32 to vector<16xi32>
      %add3A_711 = arith.addi %mul3A_12, %add3A_710 : vector<16xi32>
      %gather3A_712 = tpu.vector_load_idx %arg8[%add3A_711] : memref<3200xf32, #tpu.memory_space<vmem>>[vector<16xi32>], vector<16xf32>,
      %add3A_713 = arith.addf %add3A_693, %gather3A_712 : vector<16xf32>
      %add3A_714 = arith.constant 131 : i32
      %add3A_715 = vector.broadcast %add3A_714 : i32 to vector<16xi32>
      %add3A_716 = arith.addi %mul3A_12, %add3A_715 : vector<16xi32>
      %gather3A_717 = tpu.vector_load_idx %arg8[%add3A_716] : memref<3200xf32, #tpu.memory_space<vmem>>[vector<16xi32>], vector<16xf32>,
      %add3A_718 = arith.addf %add3A_698, %gather3A_717 : vector<16xf32>
      %add3A_719 = arith.constant 132 : i32
      %add3A_720 = vector.broadcast %add3A_719 : i32 to vector<16xi32>
      %add3A_721 = arith.addi %mul3A_12, %add3A_720 : vector<16xi32>
      %gather3A_722 = tpu.vector_load_idx %arg8[%add3A_721] : memref<3200xf32, #tpu.memory_space<vmem>>[vector<16xi32>], vector<16xf32>,
      %add3A_723 = arith.addf %add3A_703, %gather3A_722 : vector<16xf32>
      %add3A_724 = arith.constant 133 : i32
      %add3A_725 = vector.broadcast %add3A_724 : i32 to vector<16xi32>
      %add3A_726 = arith.addi %mul3A_12, %add3A_725 : vector<16xi32>
      %gather3A_727 = tpu.vector_load_idx %arg8[%add3A_726] : memref<3200xf32, #tpu.memory_space<vmem>>[vector<16xi32>], vector<16xf32>,
      %add3A_728 = arith.addf %add3A_708, %gather3A_727 : vector<16xf32>
      %add3A_729 = arith.constant 134 : i32
      %add3A_730 = vector.broadcast %add3A_729 : i32 to vector<16xi32>
      %add3A_731 = arith.addi %mul3A_12, %add3A_730 : vector<16xi32>
      %gather3A_732 = tpu.vector_load_idx %arg8[%add3A_731] : memref<3200xf32, #tpu.memory_space<vmem>>[vector<16xi32>], vector<16xf32>,
      %add3A_733 = arith.addf %add3A_713, %gather3A_732 : vector<16xf32>
      %add3A_734 = arith.constant 135 : i32
      %add3A_735 = vector.broadcast %add3A_734 : i32 to vector<16xi32>
      %add3A_736 = arith.addi %mul3A_12, %add3A_735 : vector<16xi32>
      %gather3A_737 = tpu.vector_load_idx %arg8[%add3A_736] : memref<3200xf32, #tpu.memory_space<vmem>>[vector<16xi32>], vector<16xf32>,
      %add3A_738 = arith.addf %add3A_718, %gather3A_737 : vector<16xf32>
      %add3A_739 = arith.constant 136 : i32
      %add3A_740 = vector.broadcast %add3A_739 : i32 to vector<16xi32>
      %add3A_741 = arith.addi %mul3A_12, %add3A_740 : vector<16xi32>
      %gather3A_742 = tpu.vector_load_idx %arg8[%add3A_741] : memref<3200xf32, #tpu.memory_space<vmem>>[vector<16xi32>], vector<16xf32>,
      %add3A_743 = arith.addf %add3A_723, %gather3A_742 : vector<16xf32>
      %add3A_744 = arith.constant 137 : i32
      %add3A_745 = vector.broadcast %add3A_744 : i32 to vector<16xi32>
      %add3A_746 = arith.addi %mul3A_12, %add3A_745 : vector<16xi32>
      %gather3A_747 = tpu.vector_load_idx %arg8[%add3A_746] : memref<3200xf32, #tpu.memory_space<vmem>>[vector<16xi32>], vector<16xf32>,
      %add3A_748 = arith.addf %add3A_728, %gather3A_747 : vector<16xf32>
      %add3A_749 = arith.constant 138 : i32
      %add3A_750 = vector.broadcast %add3A_749 : i32 to vector<16xi32>
      %add3A_751 = arith.addi %mul3A_12, %add3A_750 : vector<16xi32>
      %gather3A_752 = tpu.vector_load_idx %arg8[%add3A_751] : memref<3200xf32, #tpu.memory_space<vmem>>[vector<16xi32>], vector<16xf32>,
      %add3A_753 = arith.addf %add3A_733, %gather3A_752 : vector<16xf32>
      %add3A_754 = arith.constant 139 : i32
      %add3A_755 = vector.broadcast %add3A_754 : i32 to vector<16xi32>
      %add3A_756 = arith.addi %mul3A_12, %add3A_755 : vector<16xi32>
      %gather3A_757 = tpu.vector_load_idx %arg8[%add3A_756] : memref<3200xf32, #tpu.memory_space<vmem>>[vector<16xi32>], vector<16xf32>,
      %add3A_758 = arith.addf %add3A_738, %gather3A_757 : vector<16xf32>
      %add3A_759 = arith.constant 140 : i32
      %add3A_760 = vector.broadcast %add3A_759 : i32 to vector<16xi32>
      %add3A_761 = arith.addi %mul3A_12, %add3A_760 : vector<16xi32>
      %gather3A_762 = tpu.vector_load_idx %arg8[%add3A_761] : memref<3200xf32, #tpu.memory_space<vmem>>[vector<16xi32>], vector<16xf32>,
      %add3A_763 = arith.addf %add3A_743, %gather3A_762 : vector<16xf32>
      %add3A_764 = arith.constant 141 : i32
      %add3A_765 = vector.broadcast %add3A_764 : i32 to vector<16xi32>
      %add3A_766 = arith.addi %mul3A_12, %add3A_765 : vector<16xi32>
      %gather3A_767 = tpu.vector_load_idx %arg8[%add3A_766] : memref<3200xf32, #tpu.memory_space<vmem>>[vector<16xi32>], vector<16xf32>,
      %add3A_768 = arith.addf %add3A_748, %gather3A_767 : vector<16xf32>
      %add3A_769 = arith.constant 142 : i32
      %add3A_770 = vector.broadcast %add3A_769 : i32 to vector<16xi32>
      %add3A_771 = arith.addi %mul3A_12, %add3A_770 : vector<16xi32>
      %gather3A_772 = tpu.vector_load_idx %arg8[%add3A_771] : memref<3200xf32, #tpu.memory_space<vmem>>[vector<16xi32>], vector<16xf32>,
      %add3A_773 = arith.addf %add3A_753, %gather3A_772 : vector<16xf32>
      %add3A_774 = arith.constant 143 : i32
      %add3A_775 = vector.broadcast %add3A_774 : i32 to vector<16xi32>
      %add3A_776 = arith.addi %mul3A_12, %add3A_775 : vector<16xi32>
      %gather3A_777 = tpu.vector_load_idx %arg8[%add3A_776] : memref<3200xf32, #tpu.memory_space<vmem>>[vector<16xi32>], vector<16xf32>,
      %add3A_778 = arith.addf %add3A_758, %gather3A_777 : vector<16xf32>
      %add3A_779 = arith.constant 144 : i32
      %add3A_780 = vector.broadcast %add3A_779 : i32 to vector<16xi32>
      %add3A_781 = arith.addi %mul3A_12, %add3A_780 : vector<16xi32>
      %gather3A_782 = tpu.vector_load_idx %arg8[%add3A_781] : memref<3200xf32, #tpu.memory_space<vmem>>[vector<16xi32>], vector<16xf32>,
      %add3A_783 = arith.addf %add3A_763, %gather3A_782 : vector<16xf32>
      %add3A_784 = arith.constant 145 : i32
      %add3A_785 = vector.broadcast %add3A_784 : i32 to vector<16xi32>
      %add3A_786 = arith.addi %mul3A_12, %add3A_785 : vector<16xi32>
      %gather3A_787 = tpu.vector_load_idx %arg8[%add3A_786] : memref<3200xf32, #tpu.memory_space<vmem>>[vector<16xi32>], vector<16xf32>,
      %add3A_788 = arith.addf %add3A_768, %gather3A_787 : vector<16xf32>
      %add3A_789 = arith.constant 146 : i32
      %add3A_790 = vector.broadcast %add3A_789 : i32 to vector<16xi32>
      %add3A_791 = arith.addi %mul3A_12, %add3A_790 : vector<16xi32>
      %gather3A_792 = tpu.vector_load_idx %arg8[%add3A_791] : memref<3200xf32, #tpu.memory_space<vmem>>[vector<16xi32>], vector<16xf32>,
      %add3A_793 = arith.addf %add3A_773, %gather3A_792 : vector<16xf32>
      %add3A_794 = arith.constant 147 : i32
      %add3A_795 = vector.broadcast %add3A_794 : i32 to vector<16xi32>
      %add3A_796 = arith.addi %mul3A_12, %add3A_795 : vector<16xi32>
      %gather3A_797 = tpu.vector_load_idx %arg8[%add3A_796] : memref<3200xf32, #tpu.memory_space<vmem>>[vector<16xi32>], vector<16xf32>,
      %add3A_798 = arith.addf %add3A_778, %gather3A_797 : vector<16xf32>
      %add3A_799 = arith.constant 148 : i32
      %add3A_800 = vector.broadcast %add3A_799 : i32 to vector<16xi32>
      %add3A_801 = arith.addi %mul3A_12, %add3A_800 : vector<16xi32>
      %gather3A_802 = tpu.vector_load_idx %arg8[%add3A_801] : memref<3200xf32, #tpu.memory_space<vmem>>[vector<16xi32>], vector<16xf32>,
      %add3A_803 = arith.addf %add3A_783, %gather3A_802 : vector<16xf32>
      %add3A_804 = arith.constant 149 : i32
      %add3A_805 = vector.broadcast %add3A_804 : i32 to vector<16xi32>
      %add3A_806 = arith.addi %mul3A_12, %add3A_805 : vector<16xi32>
      %gather3A_807 = tpu.vector_load_idx %arg8[%add3A_806] : memref<3200xf32, #tpu.memory_space<vmem>>[vector<16xi32>], vector<16xf32>,
      %add3A_808 = arith.addf %add3A_788, %gather3A_807 : vector<16xf32>
      %add3A_809 = arith.constant 150 : i32
      %add3A_810 = vector.broadcast %add3A_809 : i32 to vector<16xi32>
      %add3A_811 = arith.addi %mul3A_12, %add3A_810 : vector<16xi32>
      %gather3A_812 = tpu.vector_load_idx %arg8[%add3A_811] : memref<3200xf32, #tpu.memory_space<vmem>>[vector<16xi32>], vector<16xf32>,
      %add3A_813 = arith.addf %add3A_793, %gather3A_812 : vector<16xf32>
      %add3A_814 = arith.constant 151 : i32
      %add3A_815 = vector.broadcast %add3A_814 : i32 to vector<16xi32>
      %add3A_816 = arith.addi %mul3A_12, %add3A_815 : vector<16xi32>
      %gather3A_817 = tpu.vector_load_idx %arg8[%add3A_816] : memref<3200xf32, #tpu.memory_space<vmem>>[vector<16xi32>], vector<16xf32>,
      %add3A_818 = arith.addf %add3A_798, %gather3A_817 : vector<16xf32>
      %add3A_819 = arith.constant 152 : i32
      %add3A_820 = vector.broadcast %add3A_819 : i32 to vector<16xi32>
      %add3A_821 = arith.addi %mul3A_12, %add3A_820 : vector<16xi32>
      %gather3A_822 = tpu.vector_load_idx %arg8[%add3A_821] : memref<3200xf32, #tpu.memory_space<vmem>>[vector<16xi32>], vector<16xf32>,
      %add3A_823 = arith.addf %add3A_803, %gather3A_822 : vector<16xf32>
      %add3A_824 = arith.constant 153 : i32
      %add3A_825 = vector.broadcast %add3A_824 : i32 to vector<16xi32>
      %add3A_826 = arith.addi %mul3A_12, %add3A_825 : vector<16xi32>
      %gather3A_827 = tpu.vector_load_idx %arg8[%add3A_826] : memref<3200xf32, #tpu.memory_space<vmem>>[vector<16xi32>], vector<16xf32>,
      %add3A_828 = arith.addf %add3A_808, %gather3A_827 : vector<16xf32>
      %add3A_829 = arith.constant 154 : i32
      %add3A_830 = vector.broadcast %add3A_829 : i32 to vector<16xi32>
      %add3A_831 = arith.addi %mul3A_12, %add3A_830 : vector<16xi32>
      %gather3A_832 = tpu.vector_load_idx %arg8[%add3A_831] : memref<3200xf32, #tpu.memory_space<vmem>>[vector<16xi32>], vector<16xf32>,
      %add3A_833 = arith.addf %add3A_813, %gather3A_832 : vector<16xf32>
      %add3A_834 = arith.constant 155 : i32
      %add3A_835 = vector.broadcast %add3A_834 : i32 to vector<16xi32>
      %add3A_836 = arith.addi %mul3A_12, %add3A_835 : vector<16xi32>
      %gather3A_837 = tpu.vector_load_idx %arg8[%add3A_836] : memref<3200xf32, #tpu.memory_space<vmem>>[vector<16xi32>], vector<16xf32>,
      %add3A_838 = arith.addf %add3A_818, %gather3A_837 : vector<16xf32>
      %add3A_839 = arith.constant 156 : i32
      %add3A_840 = vector.broadcast %add3A_839 : i32 to vector<16xi32>
      %add3A_841 = arith.addi %mul3A_12, %add3A_840 : vector<16xi32>
      %gather3A_842 = tpu.vector_load_idx %arg8[%add3A_841] : memref<3200xf32, #tpu.memory_space<vmem>>[vector<16xi32>], vector<16xf32>,
      %add3A_843 = arith.addf %add3A_823, %gather3A_842 : vector<16xf32>
      %add3A_844 = arith.constant 157 : i32
      %add3A_845 = vector.broadcast %add3A_844 : i32 to vector<16xi32>
      %add3A_846 = arith.addi %mul3A_12, %add3A_845 : vector<16xi32>
      %gather3A_847 = tpu.vector_load_idx %arg8[%add3A_846] : memref<3200xf32, #tpu.memory_space<vmem>>[vector<16xi32>], vector<16xf32>,
      %add3A_848 = arith.addf %add3A_828, %gather3A_847 : vector<16xf32>
      %add3A_849 = arith.constant 158 : i32
      %add3A_850 = vector.broadcast %add3A_849 : i32 to vector<16xi32>
      %add3A_851 = arith.addi %mul3A_12, %add3A_850 : vector<16xi32>
      %gather3A_852 = tpu.vector_load_idx %arg8[%add3A_851] : memref<3200xf32, #tpu.memory_space<vmem>>[vector<16xi32>], vector<16xf32>,
      %add3A_853 = arith.addf %add3A_833, %gather3A_852 : vector<16xf32>
      %add3A_854 = arith.constant 159 : i32
      %add3A_855 = vector.broadcast %add3A_854 : i32 to vector<16xi32>
      %add3A_856 = arith.addi %mul3A_12, %add3A_855 : vector<16xi32>
      %gather3A_857 = tpu.vector_load_idx %arg8[%add3A_856] : memref<3200xf32, #tpu.memory_space<vmem>>[vector<16xi32>], vector<16xf32>,
      %add3A_858 = arith.addf %add3A_838, %gather3A_857 : vector<16xf32>
      %add3A_859 = arith.constant 160 : i32
      %add3A_860 = vector.broadcast %add3A_859 : i32 to vector<16xi32>
      %add3A_861 = arith.addi %mul3A_12, %add3A_860 : vector<16xi32>
      %gather3A_862 = tpu.vector_load_idx %arg8[%add3A_861] : memref<3200xf32, #tpu.memory_space<vmem>>[vector<16xi32>], vector<16xf32>,
      %add3A_863 = arith.addf %add3A_843, %gather3A_862 : vector<16xf32>
      %add3A_864 = arith.constant 161 : i32
      %add3A_865 = vector.broadcast %add3A_864 : i32 to vector<16xi32>
      %add3A_866 = arith.addi %mul3A_12, %add3A_865 : vector<16xi32>
      %gather3A_867 = tpu.vector_load_idx %arg8[%add3A_866] : memref<3200xf32, #tpu.memory_space<vmem>>[vector<16xi32>], vector<16xf32>,
      %add3A_868 = arith.addf %add3A_848, %gather3A_867 : vector<16xf32>
      %add3A_869 = arith.constant 162 : i32
      %add3A_870 = vector.broadcast %add3A_869 : i32 to vector<16xi32>
      %add3A_871 = arith.addi %mul3A_12, %add3A_870 : vector<16xi32>
      %gather3A_872 = tpu.vector_load_idx %arg8[%add3A_871] : memref<3200xf32, #tpu.memory_space<vmem>>[vector<16xi32>], vector<16xf32>,
      %add3A_873 = arith.addf %add3A_853, %gather3A_872 : vector<16xf32>
      %add3A_874 = arith.constant 163 : i32
      %add3A_875 = vector.broadcast %add3A_874 : i32 to vector<16xi32>
      %add3A_876 = arith.addi %mul3A_12, %add3A_875 : vector<16xi32>
      %gather3A_877 = tpu.vector_load_idx %arg8[%add3A_876] : memref<3200xf32, #tpu.memory_space<vmem>>[vector<16xi32>], vector<16xf32>,
      %add3A_878 = arith.addf %add3A_858, %gather3A_877 : vector<16xf32>
      %add3A_879 = arith.constant 164 : i32
      %add3A_880 = vector.broadcast %add3A_879 : i32 to vector<16xi32>
      %add3A_881 = arith.addi %mul3A_12, %add3A_880 : vector<16xi32>
      %gather3A_882 = tpu.vector_load_idx %arg8[%add3A_881] : memref<3200xf32, #tpu.memory_space<vmem>>[vector<16xi32>], vector<16xf32>,
      %add3A_883 = arith.addf %add3A_863, %gather3A_882 : vector<16xf32>
      %add3A_884 = arith.constant 165 : i32
      %add3A_885 = vector.broadcast %add3A_884 : i32 to vector<16xi32>
      %add3A_886 = arith.addi %mul3A_12, %add3A_885 : vector<16xi32>
      %gather3A_887 = tpu.vector_load_idx %arg8[%add3A_886] : memref<3200xf32, #tpu.memory_space<vmem>>[vector<16xi32>], vector<16xf32>,
      %add3A_888 = arith.addf %add3A_868, %gather3A_887 : vector<16xf32>
      %add3A_889 = arith.constant 166 : i32
      %add3A_890 = vector.broadcast %add3A_889 : i32 to vector<16xi32>
      %add3A_891 = arith.addi %mul3A_12, %add3A_890 : vector<16xi32>
      %gather3A_892 = tpu.vector_load_idx %arg8[%add3A_891] : memref<3200xf32, #tpu.memory_space<vmem>>[vector<16xi32>], vector<16xf32>,
      %add3A_893 = arith.addf %add3A_873, %gather3A_892 : vector<16xf32>
      %add3A_894 = arith.constant 167 : i32
      %add3A_895 = vector.broadcast %add3A_894 : i32 to vector<16xi32>
      %add3A_896 = arith.addi %mul3A_12, %add3A_895 : vector<16xi32>
      %gather3A_897 = tpu.vector_load_idx %arg8[%add3A_896] : memref<3200xf32, #tpu.memory_space<vmem>>[vector<16xi32>], vector<16xf32>,
      %add3A_898 = arith.addf %add3A_878, %gather3A_897 : vector<16xf32>
      %add3A_899 = arith.constant 168 : i32
      %add3A_900 = vector.broadcast %add3A_899 : i32 to vector<16xi32>
      %add3A_901 = arith.addi %mul3A_12, %add3A_900 : vector<16xi32>
      %gather3A_902 = tpu.vector_load_idx %arg8[%add3A_901] : memref<3200xf32, #tpu.memory_space<vmem>>[vector<16xi32>], vector<16xf32>,
      %add3A_903 = arith.addf %add3A_883, %gather3A_902 : vector<16xf32>
      %add3A_904 = arith.constant 169 : i32
      %add3A_905 = vector.broadcast %add3A_904 : i32 to vector<16xi32>
      %add3A_906 = arith.addi %mul3A_12, %add3A_905 : vector<16xi32>
      %gather3A_907 = tpu.vector_load_idx %arg8[%add3A_906] : memref<3200xf32, #tpu.memory_space<vmem>>[vector<16xi32>], vector<16xf32>,
      %add3A_908 = arith.addf %add3A_888, %gather3A_907 : vector<16xf32>
      %add3A_909 = arith.constant 170 : i32
      %add3A_910 = vector.broadcast %add3A_909 : i32 to vector<16xi32>
      %add3A_911 = arith.addi %mul3A_12, %add3A_910 : vector<16xi32>
      %gather3A_912 = tpu.vector_load_idx %arg8[%add3A_911] : memref<3200xf32, #tpu.memory_space<vmem>>[vector<16xi32>], vector<16xf32>,
      %add3A_913 = arith.addf %add3A_893, %gather3A_912 : vector<16xf32>
      %add3A_914 = arith.constant 171 : i32
      %add3A_915 = vector.broadcast %add3A_914 : i32 to vector<16xi32>
      %add3A_916 = arith.addi %mul3A_12, %add3A_915 : vector<16xi32>
      %gather3A_917 = tpu.vector_load_idx %arg8[%add3A_916] : memref<3200xf32, #tpu.memory_space<vmem>>[vector<16xi32>], vector<16xf32>,
      %add3A_918 = arith.addf %add3A_898, %gather3A_917 : vector<16xf32>
      %add3A_919 = arith.constant 172 : i32
      %add3A_920 = vector.broadcast %add3A_919 : i32 to vector<16xi32>
      %add3A_921 = arith.addi %mul3A_12, %add3A_920 : vector<16xi32>
      %gather3A_922 = tpu.vector_load_idx %arg8[%add3A_921] : memref<3200xf32, #tpu.memory_space<vmem>>[vector<16xi32>], vector<16xf32>,
      %add3A_923 = arith.addf %add3A_903, %gather3A_922 : vector<16xf32>
      %add3A_924 = arith.constant 173 : i32
      %add3A_925 = vector.broadcast %add3A_924 : i32 to vector<16xi32>
      %add3A_926 = arith.addi %mul3A_12, %add3A_925 : vector<16xi32>
      %gather3A_927 = tpu.vector_load_idx %arg8[%add3A_926] : memref<3200xf32, #tpu.memory_space<vmem>>[vector<16xi32>], vector<16xf32>,
      %add3A_928 = arith.addf %add3A_908, %gather3A_927 : vector<16xf32>
      %add3A_929 = arith.constant 174 : i32
      %add3A_930 = vector.broadcast %add3A_929 : i32 to vector<16xi32>
      %add3A_931 = arith.addi %mul3A_12, %add3A_930 : vector<16xi32>
      %gather3A_932 = tpu.vector_load_idx %arg8[%add3A_931] : memref<3200xf32, #tpu.memory_space<vmem>>[vector<16xi32>], vector<16xf32>,
      %add3A_933 = arith.addf %add3A_913, %gather3A_932 : vector<16xf32>
      %add3A_934 = arith.constant 175 : i32
      %add3A_935 = vector.broadcast %add3A_934 : i32 to vector<16xi32>
      %add3A_936 = arith.addi %mul3A_12, %add3A_935 : vector<16xi32>
      %gather3A_937 = tpu.vector_load_idx %arg8[%add3A_936] : memref<3200xf32, #tpu.memory_space<vmem>>[vector<16xi32>], vector<16xf32>,
      %add3A_938 = arith.addf %add3A_918, %gather3A_937 : vector<16xf32>
      %add3A_939 = arith.constant 176 : i32
      %add3A_940 = vector.broadcast %add3A_939 : i32 to vector<16xi32>
      %add3A_941 = arith.addi %mul3A_12, %add3A_940 : vector<16xi32>
      %gather3A_942 = tpu.vector_load_idx %arg8[%add3A_941] : memref<3200xf32, #tpu.memory_space<vmem>>[vector<16xi32>], vector<16xf32>,
      %add3A_943 = arith.addf %add3A_923, %gather3A_942 : vector<16xf32>
      %add3A_944 = arith.constant 177 : i32
      %add3A_945 = vector.broadcast %add3A_944 : i32 to vector<16xi32>
      %add3A_946 = arith.addi %mul3A_12, %add3A_945 : vector<16xi32>
      %gather3A_947 = tpu.vector_load_idx %arg8[%add3A_946] : memref<3200xf32, #tpu.memory_space<vmem>>[vector<16xi32>], vector<16xf32>,
      %add3A_948 = arith.addf %add3A_928, %gather3A_947 : vector<16xf32>
      %add3A_949 = arith.constant 178 : i32
      %add3A_950 = vector.broadcast %add3A_949 : i32 to vector<16xi32>
      %add3A_951 = arith.addi %mul3A_12, %add3A_950 : vector<16xi32>
      %gather3A_952 = tpu.vector_load_idx %arg8[%add3A_951] : memref<3200xf32, #tpu.memory_space<vmem>>[vector<16xi32>], vector<16xf32>,
      %add3A_953 = arith.addf %add3A_933, %gather3A_952 : vector<16xf32>
      %add3A_954 = arith.constant 179 : i32
      %add3A_955 = vector.broadcast %add3A_954 : i32 to vector<16xi32>
      %add3A_956 = arith.addi %mul3A_12, %add3A_955 : vector<16xi32>
      %gather3A_957 = tpu.vector_load_idx %arg8[%add3A_956] : memref<3200xf32, #tpu.memory_space<vmem>>[vector<16xi32>], vector<16xf32>,
      %add3A_958 = arith.addf %add3A_938, %gather3A_957 : vector<16xf32>
      %add3A_959 = arith.constant 180 : i32
      %add3A_960 = vector.broadcast %add3A_959 : i32 to vector<16xi32>
      %add3A_961 = arith.addi %mul3A_12, %add3A_960 : vector<16xi32>
      %gather3A_962 = tpu.vector_load_idx %arg8[%add3A_961] : memref<3200xf32, #tpu.memory_space<vmem>>[vector<16xi32>], vector<16xf32>,
      %add3A_963 = arith.addf %add3A_943, %gather3A_962 : vector<16xf32>
      %add3A_964 = arith.constant 181 : i32
      %add3A_965 = vector.broadcast %add3A_964 : i32 to vector<16xi32>
      %add3A_966 = arith.addi %mul3A_12, %add3A_965 : vector<16xi32>
      %gather3A_967 = tpu.vector_load_idx %arg8[%add3A_966] : memref<3200xf32, #tpu.memory_space<vmem>>[vector<16xi32>], vector<16xf32>,
      %add3A_968 = arith.addf %add3A_948, %gather3A_967 : vector<16xf32>
      %add3A_969 = arith.constant 182 : i32
      %add3A_970 = vector.broadcast %add3A_969 : i32 to vector<16xi32>
      %add3A_971 = arith.addi %mul3A_12, %add3A_970 : vector<16xi32>
      %gather3A_972 = tpu.vector_load_idx %arg8[%add3A_971] : memref<3200xf32, #tpu.memory_space<vmem>>[vector<16xi32>], vector<16xf32>,
      %add3A_973 = arith.addf %add3A_953, %gather3A_972 : vector<16xf32>
      %add3A_974 = arith.constant 183 : i32
      %add3A_975 = vector.broadcast %add3A_974 : i32 to vector<16xi32>
      %add3A_976 = arith.addi %mul3A_12, %add3A_975 : vector<16xi32>
      %gather3A_977 = tpu.vector_load_idx %arg8[%add3A_976] : memref<3200xf32, #tpu.memory_space<vmem>>[vector<16xi32>], vector<16xf32>,
      %add3A_978 = arith.addf %add3A_958, %gather3A_977 : vector<16xf32>
      %add3A_979 = arith.constant 184 : i32
      %add3A_980 = vector.broadcast %add3A_979 : i32 to vector<16xi32>
      %add3A_981 = arith.addi %mul3A_12, %add3A_980 : vector<16xi32>
      %gather3A_982 = tpu.vector_load_idx %arg8[%add3A_981] : memref<3200xf32, #tpu.memory_space<vmem>>[vector<16xi32>], vector<16xf32>,
      %add3A_983 = arith.addf %add3A_963, %gather3A_982 : vector<16xf32>
      %add3A_984 = arith.constant 185 : i32
      %add3A_985 = vector.broadcast %add3A_984 : i32 to vector<16xi32>
      %add3A_986 = arith.addi %mul3A_12, %add3A_985 : vector<16xi32>
      %gather3A_987 = tpu.vector_load_idx %arg8[%add3A_986] : memref<3200xf32, #tpu.memory_space<vmem>>[vector<16xi32>], vector<16xf32>,
      %add3A_988 = arith.addf %add3A_968, %gather3A_987 : vector<16xf32>
      %add3A_989 = arith.constant 186 : i32
      %add3A_990 = vector.broadcast %add3A_989 : i32 to vector<16xi32>
      %add3A_991 = arith.addi %mul3A_12, %add3A_990 : vector<16xi32>
      %gather3A_992 = tpu.vector_load_idx %arg8[%add3A_991] : memref<3200xf32, #tpu.memory_space<vmem>>[vector<16xi32>], vector<16xf32>,
      %add3A_993 = arith.addf %add3A_973, %gather3A_992 : vector<16xf32>
      %add3A_994 = arith.constant 187 : i32
      %add3A_995 = vector.broadcast %add3A_994 : i32 to vector<16xi32>
      %add3A_996 = arith.addi %mul3A_12, %add3A_995 : vector<16xi32>
      %gather3A_997 = tpu.vector_load_idx %arg8[%add3A_996] : memref<3200xf32, #tpu.memory_space<vmem>>[vector<16xi32>], vector<16xf32>,
      %add3A_998 = arith.addf %add3A_978, %gather3A_997 : vector<16xf32>
      %add3A_999 = arith.constant 188 : i32
      %add3A_1000 = vector.broadcast %add3A_999 : i32 to vector<16xi32>
      %add3A_1001 = arith.addi %mul3A_12, %add3A_1000 : vector<16xi32>
      %gather3A_1002 = tpu.vector_load_idx %arg8[%add3A_1001] : memref<3200xf32, #tpu.memory_space<vmem>>[vector<16xi32>], vector<16xf32>,
      %add3A_1003 = arith.addf %add3A_983, %gather3A_1002 : vector<16xf32>
      %add3A_1004 = arith.constant 189 : i32
      %add3A_1005 = vector.broadcast %add3A_1004 : i32 to vector<16xi32>
      %add3A_1006 = arith.addi %mul3A_12, %add3A_1005 : vector<16xi32>
      %gather3A_1007 = tpu.vector_load_idx %arg8[%add3A_1006] : memref<3200xf32, #tpu.memory_space<vmem>>[vector<16xi32>], vector<16xf32>,
      %add3A_1008 = arith.addf %add3A_988, %gather3A_1007 : vector<16xf32>
      %add3A_1009 = arith.constant 190 : i32
      %add3A_1010 = vector.broadcast %add3A_1009 : i32 to vector<16xi32>
      %add3A_1011 = arith.addi %mul3A_12, %add3A_1010 : vector<16xi32>
      %gather3A_1012 = tpu.vector_load_idx %arg8[%add3A_1011] : memref<3200xf32, #tpu.memory_space<vmem>>[vector<16xi32>], vector<16xf32>,
      %add3A_1013 = arith.addf %add3A_993, %gather3A_1012 : vector<16xf32>
      %add3A_1014 = arith.constant 191 : i32
      %add3A_1015 = vector.broadcast %add3A_1014 : i32 to vector<16xi32>
      %add3A_1016 = arith.addi %mul3A_12, %add3A_1015 : vector<16xi32>
      %gather3A_1017 = tpu.vector_load_idx %arg8[%add3A_1016] : memref<3200xf32, #tpu.memory_space<vmem>>[vector<16xi32>], vector<16xf32>,
      %add3A_1018 = arith.addf %add3A_998, %gather3A_1017 : vector<16xf32>
      %add3A_1019 = arith.constant 192 : i32
      %add3A_1020 = vector.broadcast %add3A_1019 : i32 to vector<16xi32>
      %add3A_1021 = arith.addi %mul3A_12, %add3A_1020 : vector<16xi32>
      %gather3A_1022 = tpu.vector_load_idx %arg8[%add3A_1021] : memref<3200xf32, #tpu.memory_space<vmem>>[vector<16xi32>], vector<16xf32>,
      %add3A_1023 = arith.addf %add3A_1003, %gather3A_1022 : vector<16xf32>
      %add3A_1024 = arith.constant 193 : i32
      %add3A_1025 = vector.broadcast %add3A_1024 : i32 to vector<16xi32>
      %add3A_1026 = arith.addi %mul3A_12, %add3A_1025 : vector<16xi32>
      %gather3A_1027 = tpu.vector_load_idx %arg8[%add3A_1026] : memref<3200xf32, #tpu.memory_space<vmem>>[vector<16xi32>], vector<16xf32>,
      %add3A_1028 = arith.addf %add3A_1008, %gather3A_1027 : vector<16xf32>
      %add3A_1029 = arith.constant 194 : i32
      %add3A_1030 = vector.broadcast %add3A_1029 : i32 to vector<16xi32>
      %add3A_1031 = arith.addi %mul3A_12, %add3A_1030 : vector<16xi32>
      %gather3A_1032 = tpu.vector_load_idx %arg8[%add3A_1031] : memref<3200xf32, #tpu.memory_space<vmem>>[vector<16xi32>], vector<16xf32>,
      %add3A_1033 = arith.addf %add3A_1013, %gather3A_1032 : vector<16xf32>
      %add3A_1034 = arith.constant 195 : i32
      %add3A_1035 = vector.broadcast %add3A_1034 : i32 to vector<16xi32>
      %add3A_1036 = arith.addi %mul3A_12, %add3A_1035 : vector<16xi32>
      %gather3A_1037 = tpu.vector_load_idx %arg8[%add3A_1036] : memref<3200xf32, #tpu.memory_space<vmem>>[vector<16xi32>], vector<16xf32>,
      %add3A_1038 = arith.addf %add3A_1018, %gather3A_1037 : vector<16xf32>
      %add3A_1039 = arith.constant 196 : i32
      %add3A_1040 = vector.broadcast %add3A_1039 : i32 to vector<16xi32>
      %add3A_1041 = arith.addi %mul3A_12, %add3A_1040 : vector<16xi32>
      %gather3A_1042 = tpu.vector_load_idx %arg8[%add3A_1041] : memref<3200xf32, #tpu.memory_space<vmem>>[vector<16xi32>], vector<16xf32>,
      %add3A_1043 = arith.addf %add3A_1023, %gather3A_1042 : vector<16xf32>
      %add3A_1044 = arith.constant 197 : i32
      %add3A_1045 = vector.broadcast %add3A_1044 : i32 to vector<16xi32>
      %add3A_1046 = arith.addi %mul3A_12, %add3A_1045 : vector<16xi32>
      %gather3A_1047 = tpu.vector_load_idx %arg8[%add3A_1046] : memref<3200xf32, #tpu.memory_space<vmem>>[vector<16xi32>], vector<16xf32>,
      %add3A_1048 = arith.addf %add3A_1028, %gather3A_1047 : vector<16xf32>
      %add3A_1049 = arith.constant 198 : i32
      %add3A_1050 = vector.broadcast %add3A_1049 : i32 to vector<16xi32>
      %add3A_1051 = arith.addi %mul3A_12, %add3A_1050 : vector<16xi32>
      %gather3A_1052 = tpu.vector_load_idx %arg8[%add3A_1051] : memref<3200xf32, #tpu.memory_space<vmem>>[vector<16xi32>], vector<16xf32>,
      %add3A_1053 = arith.addf %add3A_1033, %gather3A_1052 : vector<16xf32>
      %add3A_1054 = arith.constant 199 : i32
      %add3A_1055 = vector.broadcast %add3A_1054 : i32 to vector<16xi32>
      %add3A_1056 = arith.addi %mul3A_12, %add3A_1055 : vector<16xi32>
      %gather3A_1057 = tpu.vector_load_idx %arg8[%add3A_1056] : memref<3200xf32, #tpu.memory_space<vmem>>[vector<16xi32>], vector<16xf32>,
      %add3A_1058 = arith.addf %add3A_1038, %gather3A_1057 : vector<16xf32>
      %add3A_1059 = arith.addf %add3A_1043, %add3A_1048 : vector<16xf32>
      %add3A_1060 = arith.addf %add3A_1053, %add3A_1058 : vector<16xf32>
      %add3A_1061 = arith.addf %add3A_1059, %add3A_1060 : vector<16xf32>
      %add3A_1062 = arith.addf %add3A_1061, %get3A_9 : vector<16xf32>
      %lt3A_1063 = arith.constant 0.000000e+00 : f32
      %lt3A_1064 = vector.broadcast %lt3A_1063 : f32 to vector<16xf32>
      %lt3A_1065 = arith.cmpf olt, %add3A_1062, %lt3A_1064 : vector<16xf32>
      %neg3A = arith.constant 0.000000e+00 : f32
      %neg3A_1066 = vector.broadcast %neg3A : f32 to vector<16xf32>
      %neg3A_1067 = arith.subf %neg3A_1066, %add3A_1062 : vector<16xf32>
      %select_n3A = arith.select %lt3A_1065, %add3A_1062, %neg3A_1067 : vector<16xi1>, vector<16xf32>
      %exp3A = math.exp %select_n3A : vector<16xf32>
      %add3A_1068 = arith.constant 1.000000e+00 : f32
      %add3A_1069 = vector.broadcast %add3A_1068 : f32 to vector<16xf32>
      %add3A_1070 = arith.addf %add3A_1069, %exp3A : vector<16xf32>
      %div3A = arith.divf %exp3A, %add3A_1070 : vector<16xf32>
      %add3A_1071 = arith.constant 1.000000e+00 : f32
      %add3A_1072 = vector.broadcast %add3A_1071 : f32 to vector<16xf32>
      %add3A_1073 = arith.addf %add3A_1072, %exp3A : vector<16xf32>
      %div3A_1074 = arith.constant 1.000000e+00 : f32
      %div3A_1075 = vector.broadcast %div3A_1074 : f32 to vector<16xf32>
      %div3A_1076 = arith.divf %div3A_1075, %add3A_1073 : vector<16xf32>
      %select_n3A_1077 = arith.select %lt3A_1065, %div3A, %div3A_1076 : vector<16xi1>, vector<16xf32>
      %mul3A_1078 = arith.constant 1.000000e+04 : f32
      %mul3A_1079 = vector.broadcast %mul3A_1078 : f32 to vector<16xf32>
      %mul3A_1080 = arith.mulf %select_n3A_1077, %mul3A_1079 : vector<16xf32>
      %add3A_1081 = arith.constant 0x4B000000 : f32
      %add3A_1082 = vector.broadcast %add3A_1081 : f32 to vector<16xf32>
      %add3A_1083 = arith.addf %mul3A_1080, %add3A_1082 : vector<16xf32>
      %sub3A = arith.constant 0x4B000000 : f32
      %sub3A_1084 = vector.broadcast %sub3A : f32 to vector<16xf32>
      %sub3A_1085 = arith.subf %add3A_1083, %sub3A_1084 : vector<16xf32>
      %div3A_1086 = arith.constant 1.000000e+04 : f32
      %div3A_1087 = vector.broadcast %div3A_1086 : f32 to vector<16xf32>
      %div3A_1088 = arith.divf %sub3A_1085, %div3A_1087 : vector<16xf32>
      %mul3A_1089 = arith.constant 16 : i32
      %mul3A_1090 = arith.muli %add3A_37, %mul3A_1089 : i32
      %swap3A = arith.index_cast %mul3A_1090 : i32 to index
      %swap3A_1091 = tpu.vector_load %arg10[%swap3A] {strides = array<i32>} : memref<512xf32, #tpu.memory_space<vmem>>, vector<16xf32>,
      tpu.vector_store %arg10[%swap3A], %div3A_1088 {strides = array<i32>} : memref<512xf32, #tpu.memory_space<vmem>>, vector<16xf32>,
      %mul3A_1092 = arith.constant 2 : i32
      %mul3A_1093 = arith.muli %mul3A_1092, %scan3A_33 : i32
      %add3A_1094 = arith.constant 1 : i32
      %add3A_1095 = arith.addi %mul3A_1093, %add3A_1094 : i32
      %add3A_1096 = arith.constant 1 : i32
      %add3A_1097 = arith.addi %add3A_1095, %add3A_1096 : i32
      %lt3A_1098 = arith.constant 32 : i32
      %lt3A_1099 = arith.cmpi slt, %add3A_1097, %lt3A_1098 : i32
      %convert_element_type3A_1100 = arith.extui %lt3A_1099 : i1 to i32
      %cond3A_1101 = arith.constant 0 : i32
      %cond3A_1102 = arith.cmpi ne, %convert_element_type3A_1100, %cond3A_1101 : i32
      scf.if %cond3A_1102 {
        %add3A_2159 = arith.constant 1 : i32
        %add3A_2160 = arith.addi %add3A_1095, %add3A_2159 : i32
        %add3A_2161 = arith.addi %mul3A_14, %add3A_2160 : i32
        %mul3A_2162 = arith.constant 3200 : i32
        %mul3A_2163 = arith.muli %add3A_2161, %mul3A_2162 : i32
        %dma_wait3A_2164 = tpu.memref_slice %arg2[%mul3A_2163] : memref<3276800xi32, #tpu.memory_space<hbm>> -> memref<3200xi32, #tpu.memory_space<hbm>>
        %dma_wait3A_2165 = tpu.memref_slice %arg2[%mul3A_2163] : memref<3276800xi32, #tpu.memory_space<hbm>> -> memref<3200xi32, #tpu.memory_space<hbm>>
        tpu.wait_dma2 semaphore(%arg16 : memref<!tpu.dma_semaphore, #tpu.memory_space<semaphore_mem>>) src(%dma_wait3A_2165 : memref<3200xi32, #tpu.memory_space<hbm>>) dst(%arg6 : memref<3200xi32, #tpu.memory_space<vmem>>)
        %dma_start3A_2166 = arith.constant 0 : i32
        %dma_start3A_2167 = tpu.memref_slice %arg12[%dma_start3A_2166] : memref<1000000xf32, #tpu.memory_space<vmem_shared>> -> memref<1000000xf32, #tpu.memory_space<vmem_shared>>
        tpu.enqueue_indirect_dma source(%dma_start3A_2167 : memref<1000000xf32, #tpu.memory_space<vmem_shared>>) target(%arg8 : memref<3200xf32, #tpu.memory_space<vmem>>) offsets(%arg6 : memref<3200xi32, #tpu.memory_space<vmem>>) semaphore(%arg14 : memref<!tpu.dma_semaphore, #tpu.memory_space<semaphore_mem>>)
      } else {
      }
      %dma_wait3A_1103 = arith.constant 0 : i32
      %dma_wait3A_1104 = tpu.memref_slice %arg12[%dma_wait3A_1103] : memref<1000000xf32, #tpu.memory_space<vmem_shared>> -> memref<1000000xf32, #tpu.memory_space<vmem_shared>>
      tpu.wait_indirect_dma semaphore(%arg15 : memref<!tpu.dma_semaphore, #tpu.memory_space<semaphore_mem>>) src(%dma_wait3A_1104 : memref<1000000xf32, #tpu.memory_space<vmem_shared>>) dst(%arg9 : memref<3200xf32, #tpu.memory_space<vmem>>)
      %add3A_1105 = arith.constant 2 : i32
      %add3A_1106 = arith.addi %add3A_1095, %add3A_1105 : i32
      %lt3A_1107 = arith.constant 32 : i32
      %lt3A_1108 = arith.cmpi slt, %add3A_1106, %lt3A_1107 : i32
      %convert_element_type3A_1109 = arith.extui %lt3A_1108 : i1 to i32
      %cond3A_1110 = arith.constant 0 : i32
      %cond3A_1111 = arith.cmpi ne, %convert_element_type3A_1109, %cond3A_1110 : i32
      scf.if %cond3A_1111 {
        %add3A_2159 = arith.constant 2 : i32
        %add3A_2160 = arith.addi %add3A_1095, %add3A_2159 : i32
        %add3A_2161 = arith.addi %mul3A_14, %add3A_2160 : i32
        %mul3A_2162 = arith.constant 3200 : i32
        %mul3A_2163 = arith.muli %add3A_2161, %mul3A_2162 : i32
        %dma_start3A_2164 = tpu.memref_slice %arg2[%mul3A_2163] : memref<3276800xi32, #tpu.memory_space<hbm>> -> memref<3200xi32, #tpu.memory_space<hbm>>
        %dma_start3A_2165 = tpu.memref_slice %arg2[%mul3A_2163] : memref<3276800xi32, #tpu.memory_space<hbm>> -> memref<3200xi32, #tpu.memory_space<hbm>>
        tpu.enqueue_dma source(%dma_start3A_2165 : memref<3200xi32, #tpu.memory_space<hbm>>) target(%arg7 : memref<3200xi32, #tpu.memory_space<vmem>>) target_semaphore(%arg17 : memref<!tpu.dma_semaphore, #tpu.memory_space<semaphore_mem>>)
      } else {
      }
      %broadcast_in_dim3A_1112 = arith.constant 0.000000e+00 : f32
      %broadcast_in_dim3A_1113 = vector.broadcast %broadcast_in_dim3A_1112 : f32 to vector<16xf32>
      %broadcast_in_dim3A_1114 = arith.constant 0.000000e+00 : f32
      %broadcast_in_dim3A_1115 = vector.broadcast %broadcast_in_dim3A_1114 : f32 to vector<16xf32>
      %broadcast_in_dim3A_1116 = arith.constant 0.000000e+00 : f32
      %broadcast_in_dim3A_1117 = vector.broadcast %broadcast_in_dim3A_1116 : f32 to vector<16xf32>
      %broadcast_in_dim3A_1118 = arith.constant 0.000000e+00 : f32
      %broadcast_in_dim3A_1119 = vector.broadcast %broadcast_in_dim3A_1118 : f32 to vector<16xf32>
      %add3A_1120 = arith.constant 0 : i32
      %add3A_1121 = vector.broadcast %add3A_1120 : i32 to vector<16xi32>
      %add3A_1122 = arith.addi %mul3A_12, %add3A_1121 : vector<16xi32>
      %gather3A_1123 = tpu.vector_load_idx %arg9[%add3A_1122] : memref<3200xf32, #tpu.memory_space<vmem>>[vector<16xi32>], vector<16xf32>,
      %add3A_1124 = arith.addf %broadcast_in_dim3A_1113, %gather3A_1123 : vector<16xf32>
      %add3A_1125 = arith.constant 1 : i32
      %add3A_1126 = vector.broadcast %add3A_1125 : i32 to vector<16xi32>
      %add3A_1127 = arith.addi %mul3A_12, %add3A_1126 : vector<16xi32>
      %gather3A_1128 = tpu.vector_load_idx %arg9[%add3A_1127] : memref<3200xf32, #tpu.memory_space<vmem>>[vector<16xi32>], vector<16xf32>,
      %add3A_1129 = arith.addf %broadcast_in_dim3A_1115, %gather3A_1128 : vector<16xf32>
      %add3A_1130 = arith.constant 2 : i32
      %add3A_1131 = vector.broadcast %add3A_1130 : i32 to vector<16xi32>
      %add3A_1132 = arith.addi %mul3A_12, %add3A_1131 : vector<16xi32>
      %gather3A_1133 = tpu.vector_load_idx %arg9[%add3A_1132] : memref<3200xf32, #tpu.memory_space<vmem>>[vector<16xi32>], vector<16xf32>,
      %add3A_1134 = arith.addf %broadcast_in_dim3A_1117, %gather3A_1133 : vector<16xf32>
      %add3A_1135 = arith.constant 3 : i32
      %add3A_1136 = vector.broadcast %add3A_1135 : i32 to vector<16xi32>
      %add3A_1137 = arith.addi %mul3A_12, %add3A_1136 : vector<16xi32>
      %gather3A_1138 = tpu.vector_load_idx %arg9[%add3A_1137] : memref<3200xf32, #tpu.memory_space<vmem>>[vector<16xi32>], vector<16xf32>,
      %add3A_1139 = arith.addf %broadcast_in_dim3A_1119, %gather3A_1138 : vector<16xf32>
      %add3A_1140 = arith.constant 4 : i32
      %add3A_1141 = vector.broadcast %add3A_1140 : i32 to vector<16xi32>
      %add3A_1142 = arith.addi %mul3A_12, %add3A_1141 : vector<16xi32>
      %gather3A_1143 = tpu.vector_load_idx %arg9[%add3A_1142] : memref<3200xf32, #tpu.memory_space<vmem>>[vector<16xi32>], vector<16xf32>,
      %add3A_1144 = arith.addf %add3A_1124, %gather3A_1143 : vector<16xf32>
      %add3A_1145 = arith.constant 5 : i32
      %add3A_1146 = vector.broadcast %add3A_1145 : i32 to vector<16xi32>
      %add3A_1147 = arith.addi %mul3A_12, %add3A_1146 : vector<16xi32>
      %gather3A_1148 = tpu.vector_load_idx %arg9[%add3A_1147] : memref<3200xf32, #tpu.memory_space<vmem>>[vector<16xi32>], vector<16xf32>,
      %add3A_1149 = arith.addf %add3A_1129, %gather3A_1148 : vector<16xf32>
      %add3A_1150 = arith.constant 6 : i32
      %add3A_1151 = vector.broadcast %add3A_1150 : i32 to vector<16xi32>
      %add3A_1152 = arith.addi %mul3A_12, %add3A_1151 : vector<16xi32>
      %gather3A_1153 = tpu.vector_load_idx %arg9[%add3A_1152] : memref<3200xf32, #tpu.memory_space<vmem>>[vector<16xi32>], vector<16xf32>,
      %add3A_1154 = arith.addf %add3A_1134, %gather3A_1153 : vector<16xf32>
      %add3A_1155 = arith.constant 7 : i32
      %add3A_1156 = vector.broadcast %add3A_1155 : i32 to vector<16xi32>
      %add3A_1157 = arith.addi %mul3A_12, %add3A_1156 : vector<16xi32>
      %gather3A_1158 = tpu.vector_load_idx %arg9[%add3A_1157] : memref<3200xf32, #tpu.memory_space<vmem>>[vector<16xi32>], vector<16xf32>,
      %add3A_1159 = arith.addf %add3A_1139, %gather3A_1158 : vector<16xf32>
      %add3A_1160 = arith.constant 8 : i32
      %add3A_1161 = vector.broadcast %add3A_1160 : i32 to vector<16xi32>
      %add3A_1162 = arith.addi %mul3A_12, %add3A_1161 : vector<16xi32>
      %gather3A_1163 = tpu.vector_load_idx %arg9[%add3A_1162] : memref<3200xf32, #tpu.memory_space<vmem>>[vector<16xi32>], vector<16xf32>,
      %add3A_1164 = arith.addf %add3A_1144, %gather3A_1163 : vector<16xf32>
      %add3A_1165 = arith.constant 9 : i32
      %add3A_1166 = vector.broadcast %add3A_1165 : i32 to vector<16xi32>
      %add3A_1167 = arith.addi %mul3A_12, %add3A_1166 : vector<16xi32>
      %gather3A_1168 = tpu.vector_load_idx %arg9[%add3A_1167] : memref<3200xf32, #tpu.memory_space<vmem>>[vector<16xi32>], vector<16xf32>,
      %add3A_1169 = arith.addf %add3A_1149, %gather3A_1168 : vector<16xf32>
      %add3A_1170 = arith.constant 10 : i32
      %add3A_1171 = vector.broadcast %add3A_1170 : i32 to vector<16xi32>
      %add3A_1172 = arith.addi %mul3A_12, %add3A_1171 : vector<16xi32>
      %gather3A_1173 = tpu.vector_load_idx %arg9[%add3A_1172] : memref<3200xf32, #tpu.memory_space<vmem>>[vector<16xi32>], vector<16xf32>,
      %add3A_1174 = arith.addf %add3A_1154, %gather3A_1173 : vector<16xf32>
      %add3A_1175 = arith.constant 11 : i32
      %add3A_1176 = vector.broadcast %add3A_1175 : i32 to vector<16xi32>
      %add3A_1177 = arith.addi %mul3A_12, %add3A_1176 : vector<16xi32>
      %gather3A_1178 = tpu.vector_load_idx %arg9[%add3A_1177] : memref<3200xf32, #tpu.memory_space<vmem>>[vector<16xi32>], vector<16xf32>,
      %add3A_1179 = arith.addf %add3A_1159, %gather3A_1178 : vector<16xf32>
      %add3A_1180 = arith.constant 12 : i32
      %add3A_1181 = vector.broadcast %add3A_1180 : i32 to vector<16xi32>
      %add3A_1182 = arith.addi %mul3A_12, %add3A_1181 : vector<16xi32>
      %gather3A_1183 = tpu.vector_load_idx %arg9[%add3A_1182] : memref<3200xf32, #tpu.memory_space<vmem>>[vector<16xi32>], vector<16xf32>,
      %add3A_1184 = arith.addf %add3A_1164, %gather3A_1183 : vector<16xf32>
      %add3A_1185 = arith.constant 13 : i32
      %add3A_1186 = vector.broadcast %add3A_1185 : i32 to vector<16xi32>
      %add3A_1187 = arith.addi %mul3A_12, %add3A_1186 : vector<16xi32>
      %gather3A_1188 = tpu.vector_load_idx %arg9[%add3A_1187] : memref<3200xf32, #tpu.memory_space<vmem>>[vector<16xi32>], vector<16xf32>,
      %add3A_1189 = arith.addf %add3A_1169, %gather3A_1188 : vector<16xf32>
      %add3A_1190 = arith.constant 14 : i32
      %add3A_1191 = vector.broadcast %add3A_1190 : i32 to vector<16xi32>
      %add3A_1192 = arith.addi %mul3A_12, %add3A_1191 : vector<16xi32>
      %gather3A_1193 = tpu.vector_load_idx %arg9[%add3A_1192] : memref<3200xf32, #tpu.memory_space<vmem>>[vector<16xi32>], vector<16xf32>,
      %add3A_1194 = arith.addf %add3A_1174, %gather3A_1193 : vector<16xf32>
      %add3A_1195 = arith.constant 15 : i32
      %add3A_1196 = vector.broadcast %add3A_1195 : i32 to vector<16xi32>
      %add3A_1197 = arith.addi %mul3A_12, %add3A_1196 : vector<16xi32>
      %gather3A_1198 = tpu.vector_load_idx %arg9[%add3A_1197] : memref<3200xf32, #tpu.memory_space<vmem>>[vector<16xi32>], vector<16xf32>,
      %add3A_1199 = arith.addf %add3A_1179, %gather3A_1198 : vector<16xf32>
      %add3A_1200 = arith.constant 16 : i32
      %add3A_1201 = vector.broadcast %add3A_1200 : i32 to vector<16xi32>
      %add3A_1202 = arith.addi %mul3A_12, %add3A_1201 : vector<16xi32>
      %gather3A_1203 = tpu.vector_load_idx %arg9[%add3A_1202] : memref<3200xf32, #tpu.memory_space<vmem>>[vector<16xi32>], vector<16xf32>,
      %add3A_1204 = arith.addf %add3A_1184, %gather3A_1203 : vector<16xf32>
      %add3A_1205 = arith.constant 17 : i32
      %add3A_1206 = vector.broadcast %add3A_1205 : i32 to vector<16xi32>
      %add3A_1207 = arith.addi %mul3A_12, %add3A_1206 : vector<16xi32>
      %gather3A_1208 = tpu.vector_load_idx %arg9[%add3A_1207] : memref<3200xf32, #tpu.memory_space<vmem>>[vector<16xi32>], vector<16xf32>,
      %add3A_1209 = arith.addf %add3A_1189, %gather3A_1208 : vector<16xf32>
      %add3A_1210 = arith.constant 18 : i32
      %add3A_1211 = vector.broadcast %add3A_1210 : i32 to vector<16xi32>
      %add3A_1212 = arith.addi %mul3A_12, %add3A_1211 : vector<16xi32>
      %gather3A_1213 = tpu.vector_load_idx %arg9[%add3A_1212] : memref<3200xf32, #tpu.memory_space<vmem>>[vector<16xi32>], vector<16xf32>,
      %add3A_1214 = arith.addf %add3A_1194, %gather3A_1213 : vector<16xf32>
      %add3A_1215 = arith.constant 19 : i32
      %add3A_1216 = vector.broadcast %add3A_1215 : i32 to vector<16xi32>
      %add3A_1217 = arith.addi %mul3A_12, %add3A_1216 : vector<16xi32>
      %gather3A_1218 = tpu.vector_load_idx %arg9[%add3A_1217] : memref<3200xf32, #tpu.memory_space<vmem>>[vector<16xi32>], vector<16xf32>,
      %add3A_1219 = arith.addf %add3A_1199, %gather3A_1218 : vector<16xf32>
      %add3A_1220 = arith.constant 20 : i32
      %add3A_1221 = vector.broadcast %add3A_1220 : i32 to vector<16xi32>
      %add3A_1222 = arith.addi %mul3A_12, %add3A_1221 : vector<16xi32>
      %gather3A_1223 = tpu.vector_load_idx %arg9[%add3A_1222] : memref<3200xf32, #tpu.memory_space<vmem>>[vector<16xi32>], vector<16xf32>,
      %add3A_1224 = arith.addf %add3A_1204, %gather3A_1223 : vector<16xf32>
      %add3A_1225 = arith.constant 21 : i32
      %add3A_1226 = vector.broadcast %add3A_1225 : i32 to vector<16xi32>
      %add3A_1227 = arith.addi %mul3A_12, %add3A_1226 : vector<16xi32>
      %gather3A_1228 = tpu.vector_load_idx %arg9[%add3A_1227] : memref<3200xf32, #tpu.memory_space<vmem>>[vector<16xi32>], vector<16xf32>,
      %add3A_1229 = arith.addf %add3A_1209, %gather3A_1228 : vector<16xf32>
      %add3A_1230 = arith.constant 22 : i32
      %add3A_1231 = vector.broadcast %add3A_1230 : i32 to vector<16xi32>
      %add3A_1232 = arith.addi %mul3A_12, %add3A_1231 : vector<16xi32>
      %gather3A_1233 = tpu.vector_load_idx %arg9[%add3A_1232] : memref<3200xf32, #tpu.memory_space<vmem>>[vector<16xi32>], vector<16xf32>,
      %add3A_1234 = arith.addf %add3A_1214, %gather3A_1233 : vector<16xf32>
      %add3A_1235 = arith.constant 23 : i32
      %add3A_1236 = vector.broadcast %add3A_1235 : i32 to vector<16xi32>
      %add3A_1237 = arith.addi %mul3A_12, %add3A_1236 : vector<16xi32>
      %gather3A_1238 = tpu.vector_load_idx %arg9[%add3A_1237] : memref<3200xf32, #tpu.memory_space<vmem>>[vector<16xi32>], vector<16xf32>,
      %add3A_1239 = arith.addf %add3A_1219, %gather3A_1238 : vector<16xf32>
      %add3A_1240 = arith.constant 24 : i32
      %add3A_1241 = vector.broadcast %add3A_1240 : i32 to vector<16xi32>
      %add3A_1242 = arith.addi %mul3A_12, %add3A_1241 : vector<16xi32>
      %gather3A_1243 = tpu.vector_load_idx %arg9[%add3A_1242] : memref<3200xf32, #tpu.memory_space<vmem>>[vector<16xi32>], vector<16xf32>,
      %add3A_1244 = arith.addf %add3A_1224, %gather3A_1243 : vector<16xf32>
      %add3A_1245 = arith.constant 25 : i32
      %add3A_1246 = vector.broadcast %add3A_1245 : i32 to vector<16xi32>
      %add3A_1247 = arith.addi %mul3A_12, %add3A_1246 : vector<16xi32>
      %gather3A_1248 = tpu.vector_load_idx %arg9[%add3A_1247] : memref<3200xf32, #tpu.memory_space<vmem>>[vector<16xi32>], vector<16xf32>,
      %add3A_1249 = arith.addf %add3A_1229, %gather3A_1248 : vector<16xf32>
      %add3A_1250 = arith.constant 26 : i32
      %add3A_1251 = vector.broadcast %add3A_1250 : i32 to vector<16xi32>
      %add3A_1252 = arith.addi %mul3A_12, %add3A_1251 : vector<16xi32>
      %gather3A_1253 = tpu.vector_load_idx %arg9[%add3A_1252] : memref<3200xf32, #tpu.memory_space<vmem>>[vector<16xi32>], vector<16xf32>,
      %add3A_1254 = arith.addf %add3A_1234, %gather3A_1253 : vector<16xf32>
      %add3A_1255 = arith.constant 27 : i32
      %add3A_1256 = vector.broadcast %add3A_1255 : i32 to vector<16xi32>
      %add3A_1257 = arith.addi %mul3A_12, %add3A_1256 : vector<16xi32>
      %gather3A_1258 = tpu.vector_load_idx %arg9[%add3A_1257] : memref<3200xf32, #tpu.memory_space<vmem>>[vector<16xi32>], vector<16xf32>,
      %add3A_1259 = arith.addf %add3A_1239, %gather3A_1258 : vector<16xf32>
      %add3A_1260 = arith.constant 28 : i32
      %add3A_1261 = vector.broadcast %add3A_1260 : i32 to vector<16xi32>
      %add3A_1262 = arith.addi %mul3A_12, %add3A_1261 : vector<16xi32>
      %gather3A_1263 = tpu.vector_load_idx %arg9[%add3A_1262] : memref<3200xf32, #tpu.memory_space<vmem>>[vector<16xi32>], vector<16xf32>,
      %add3A_1264 = arith.addf %add3A_1244, %gather3A_1263 : vector<16xf32>
      %add3A_1265 = arith.constant 29 : i32
      %add3A_1266 = vector.broadcast %add3A_1265 : i32 to vector<16xi32>
      %add3A_1267 = arith.addi %mul3A_12, %add3A_1266 : vector<16xi32>
      %gather3A_1268 = tpu.vector_load_idx %arg9[%add3A_1267] : memref<3200xf32, #tpu.memory_space<vmem>>[vector<16xi32>], vector<16xf32>,
      %add3A_1269 = arith.addf %add3A_1249, %gather3A_1268 : vector<16xf32>
      %add3A_1270 = arith.constant 30 : i32
      %add3A_1271 = vector.broadcast %add3A_1270 : i32 to vector<16xi32>
      %add3A_1272 = arith.addi %mul3A_12, %add3A_1271 : vector<16xi32>
      %gather3A_1273 = tpu.vector_load_idx %arg9[%add3A_1272] : memref<3200xf32, #tpu.memory_space<vmem>>[vector<16xi32>], vector<16xf32>,
      %add3A_1274 = arith.addf %add3A_1254, %gather3A_1273 : vector<16xf32>
      %add3A_1275 = arith.constant 31 : i32
      %add3A_1276 = vector.broadcast %add3A_1275 : i32 to vector<16xi32>
      %add3A_1277 = arith.addi %mul3A_12, %add3A_1276 : vector<16xi32>
      %gather3A_1278 = tpu.vector_load_idx %arg9[%add3A_1277] : memref<3200xf32, #tpu.memory_space<vmem>>[vector<16xi32>], vector<16xf32>,
      %add3A_1279 = arith.addf %add3A_1259, %gather3A_1278 : vector<16xf32>
      %add3A_1280 = arith.constant 32 : i32
      %add3A_1281 = vector.broadcast %add3A_1280 : i32 to vector<16xi32>
      %add3A_1282 = arith.addi %mul3A_12, %add3A_1281 : vector<16xi32>
      %gather3A_1283 = tpu.vector_load_idx %arg9[%add3A_1282] : memref<3200xf32, #tpu.memory_space<vmem>>[vector<16xi32>], vector<16xf32>,
      %add3A_1284 = arith.addf %add3A_1264, %gather3A_1283 : vector<16xf32>
      %add3A_1285 = arith.constant 33 : i32
      %add3A_1286 = vector.broadcast %add3A_1285 : i32 to vector<16xi32>
      %add3A_1287 = arith.addi %mul3A_12, %add3A_1286 : vector<16xi32>
      %gather3A_1288 = tpu.vector_load_idx %arg9[%add3A_1287] : memref<3200xf32, #tpu.memory_space<vmem>>[vector<16xi32>], vector<16xf32>,
      %add3A_1289 = arith.addf %add3A_1269, %gather3A_1288 : vector<16xf32>
      %add3A_1290 = arith.constant 34 : i32
      %add3A_1291 = vector.broadcast %add3A_1290 : i32 to vector<16xi32>
      %add3A_1292 = arith.addi %mul3A_12, %add3A_1291 : vector<16xi32>
      %gather3A_1293 = tpu.vector_load_idx %arg9[%add3A_1292] : memref<3200xf32, #tpu.memory_space<vmem>>[vector<16xi32>], vector<16xf32>,
      %add3A_1294 = arith.addf %add3A_1274, %gather3A_1293 : vector<16xf32>
      %add3A_1295 = arith.constant 35 : i32
      %add3A_1296 = vector.broadcast %add3A_1295 : i32 to vector<16xi32>
      %add3A_1297 = arith.addi %mul3A_12, %add3A_1296 : vector<16xi32>
      %gather3A_1298 = tpu.vector_load_idx %arg9[%add3A_1297] : memref<3200xf32, #tpu.memory_space<vmem>>[vector<16xi32>], vector<16xf32>,
      %add3A_1299 = arith.addf %add3A_1279, %gather3A_1298 : vector<16xf32>
      %add3A_1300 = arith.constant 36 : i32
      %add3A_1301 = vector.broadcast %add3A_1300 : i32 to vector<16xi32>
      %add3A_1302 = arith.addi %mul3A_12, %add3A_1301 : vector<16xi32>
      %gather3A_1303 = tpu.vector_load_idx %arg9[%add3A_1302] : memref<3200xf32, #tpu.memory_space<vmem>>[vector<16xi32>], vector<16xf32>,
      %add3A_1304 = arith.addf %add3A_1284, %gather3A_1303 : vector<16xf32>
      %add3A_1305 = arith.constant 37 : i32
      %add3A_1306 = vector.broadcast %add3A_1305 : i32 to vector<16xi32>
      %add3A_1307 = arith.addi %mul3A_12, %add3A_1306 : vector<16xi32>
      %gather3A_1308 = tpu.vector_load_idx %arg9[%add3A_1307] : memref<3200xf32, #tpu.memory_space<vmem>>[vector<16xi32>], vector<16xf32>,
      %add3A_1309 = arith.addf %add3A_1289, %gather3A_1308 : vector<16xf32>
      %add3A_1310 = arith.constant 38 : i32
      %add3A_1311 = vector.broadcast %add3A_1310 : i32 to vector<16xi32>
      %add3A_1312 = arith.addi %mul3A_12, %add3A_1311 : vector<16xi32>
      %gather3A_1313 = tpu.vector_load_idx %arg9[%add3A_1312] : memref<3200xf32, #tpu.memory_space<vmem>>[vector<16xi32>], vector<16xf32>,
      %add3A_1314 = arith.addf %add3A_1294, %gather3A_1313 : vector<16xf32>
      %add3A_1315 = arith.constant 39 : i32
      %add3A_1316 = vector.broadcast %add3A_1315 : i32 to vector<16xi32>
      %add3A_1317 = arith.addi %mul3A_12, %add3A_1316 : vector<16xi32>
      %gather3A_1318 = tpu.vector_load_idx %arg9[%add3A_1317] : memref<3200xf32, #tpu.memory_space<vmem>>[vector<16xi32>], vector<16xf32>,
      %add3A_1319 = arith.addf %add3A_1299, %gather3A_1318 : vector<16xf32>
      %add3A_1320 = arith.constant 40 : i32
      %add3A_1321 = vector.broadcast %add3A_1320 : i32 to vector<16xi32>
      %add3A_1322 = arith.addi %mul3A_12, %add3A_1321 : vector<16xi32>
      %gather3A_1323 = tpu.vector_load_idx %arg9[%add3A_1322] : memref<3200xf32, #tpu.memory_space<vmem>>[vector<16xi32>], vector<16xf32>,
      %add3A_1324 = arith.addf %add3A_1304, %gather3A_1323 : vector<16xf32>
      %add3A_1325 = arith.constant 41 : i32
      %add3A_1326 = vector.broadcast %add3A_1325 : i32 to vector<16xi32>
      %add3A_1327 = arith.addi %mul3A_12, %add3A_1326 : vector<16xi32>
      %gather3A_1328 = tpu.vector_load_idx %arg9[%add3A_1327] : memref<3200xf32, #tpu.memory_space<vmem>>[vector<16xi32>], vector<16xf32>,
      %add3A_1329 = arith.addf %add3A_1309, %gather3A_1328 : vector<16xf32>
      %add3A_1330 = arith.constant 42 : i32
      %add3A_1331 = vector.broadcast %add3A_1330 : i32 to vector<16xi32>
      %add3A_1332 = arith.addi %mul3A_12, %add3A_1331 : vector<16xi32>
      %gather3A_1333 = tpu.vector_load_idx %arg9[%add3A_1332] : memref<3200xf32, #tpu.memory_space<vmem>>[vector<16xi32>], vector<16xf32>,
      %add3A_1334 = arith.addf %add3A_1314, %gather3A_1333 : vector<16xf32>
      %add3A_1335 = arith.constant 43 : i32
      %add3A_1336 = vector.broadcast %add3A_1335 : i32 to vector<16xi32>
      %add3A_1337 = arith.addi %mul3A_12, %add3A_1336 : vector<16xi32>
      %gather3A_1338 = tpu.vector_load_idx %arg9[%add3A_1337] : memref<3200xf32, #tpu.memory_space<vmem>>[vector<16xi32>], vector<16xf32>,
      %add3A_1339 = arith.addf %add3A_1319, %gather3A_1338 : vector<16xf32>
      %add3A_1340 = arith.constant 44 : i32
      %add3A_1341 = vector.broadcast %add3A_1340 : i32 to vector<16xi32>
      %add3A_1342 = arith.addi %mul3A_12, %add3A_1341 : vector<16xi32>
      %gather3A_1343 = tpu.vector_load_idx %arg9[%add3A_1342] : memref<3200xf32, #tpu.memory_space<vmem>>[vector<16xi32>], vector<16xf32>,
      %add3A_1344 = arith.addf %add3A_1324, %gather3A_1343 : vector<16xf32>
      %add3A_1345 = arith.constant 45 : i32
      %add3A_1346 = vector.broadcast %add3A_1345 : i32 to vector<16xi32>
      %add3A_1347 = arith.addi %mul3A_12, %add3A_1346 : vector<16xi32>
      %gather3A_1348 = tpu.vector_load_idx %arg9[%add3A_1347] : memref<3200xf32, #tpu.memory_space<vmem>>[vector<16xi32>], vector<16xf32>,
      %add3A_1349 = arith.addf %add3A_1329, %gather3A_1348 : vector<16xf32>
      %add3A_1350 = arith.constant 46 : i32
      %add3A_1351 = vector.broadcast %add3A_1350 : i32 to vector<16xi32>
      %add3A_1352 = arith.addi %mul3A_12, %add3A_1351 : vector<16xi32>
      %gather3A_1353 = tpu.vector_load_idx %arg9[%add3A_1352] : memref<3200xf32, #tpu.memory_space<vmem>>[vector<16xi32>], vector<16xf32>,
      %add3A_1354 = arith.addf %add3A_1334, %gather3A_1353 : vector<16xf32>
      %add3A_1355 = arith.constant 47 : i32
      %add3A_1356 = vector.broadcast %add3A_1355 : i32 to vector<16xi32>
      %add3A_1357 = arith.addi %mul3A_12, %add3A_1356 : vector<16xi32>
      %gather3A_1358 = tpu.vector_load_idx %arg9[%add3A_1357] : memref<3200xf32, #tpu.memory_space<vmem>>[vector<16xi32>], vector<16xf32>,
      %add3A_1359 = arith.addf %add3A_1339, %gather3A_1358 : vector<16xf32>
      %add3A_1360 = arith.constant 48 : i32
      %add3A_1361 = vector.broadcast %add3A_1360 : i32 to vector<16xi32>
      %add3A_1362 = arith.addi %mul3A_12, %add3A_1361 : vector<16xi32>
      %gather3A_1363 = tpu.vector_load_idx %arg9[%add3A_1362] : memref<3200xf32, #tpu.memory_space<vmem>>[vector<16xi32>], vector<16xf32>,
      %add3A_1364 = arith.addf %add3A_1344, %gather3A_1363 : vector<16xf32>
      %add3A_1365 = arith.constant 49 : i32
      %add3A_1366 = vector.broadcast %add3A_1365 : i32 to vector<16xi32>
      %add3A_1367 = arith.addi %mul3A_12, %add3A_1366 : vector<16xi32>
      %gather3A_1368 = tpu.vector_load_idx %arg9[%add3A_1367] : memref<3200xf32, #tpu.memory_space<vmem>>[vector<16xi32>], vector<16xf32>,
      %add3A_1369 = arith.addf %add3A_1349, %gather3A_1368 : vector<16xf32>
      %add3A_1370 = arith.constant 50 : i32
      %add3A_1371 = vector.broadcast %add3A_1370 : i32 to vector<16xi32>
      %add3A_1372 = arith.addi %mul3A_12, %add3A_1371 : vector<16xi32>
      %gather3A_1373 = tpu.vector_load_idx %arg9[%add3A_1372] : memref<3200xf32, #tpu.memory_space<vmem>>[vector<16xi32>], vector<16xf32>,
      %add3A_1374 = arith.addf %add3A_1354, %gather3A_1373 : vector<16xf32>
      %add3A_1375 = arith.constant 51 : i32
      %add3A_1376 = vector.broadcast %add3A_1375 : i32 to vector<16xi32>
      %add3A_1377 = arith.addi %mul3A_12, %add3A_1376 : vector<16xi32>
      %gather3A_1378 = tpu.vector_load_idx %arg9[%add3A_1377] : memref<3200xf32, #tpu.memory_space<vmem>>[vector<16xi32>], vector<16xf32>,
      %add3A_1379 = arith.addf %add3A_1359, %gather3A_1378 : vector<16xf32>
      %add3A_1380 = arith.constant 52 : i32
      %add3A_1381 = vector.broadcast %add3A_1380 : i32 to vector<16xi32>
      %add3A_1382 = arith.addi %mul3A_12, %add3A_1381 : vector<16xi32>
      %gather3A_1383 = tpu.vector_load_idx %arg9[%add3A_1382] : memref<3200xf32, #tpu.memory_space<vmem>>[vector<16xi32>], vector<16xf32>,
      %add3A_1384 = arith.addf %add3A_1364, %gather3A_1383 : vector<16xf32>
      %add3A_1385 = arith.constant 53 : i32
      %add3A_1386 = vector.broadcast %add3A_1385 : i32 to vector<16xi32>
      %add3A_1387 = arith.addi %mul3A_12, %add3A_1386 : vector<16xi32>
      %gather3A_1388 = tpu.vector_load_idx %arg9[%add3A_1387] : memref<3200xf32, #tpu.memory_space<vmem>>[vector<16xi32>], vector<16xf32>,
      %add3A_1389 = arith.addf %add3A_1369, %gather3A_1388 : vector<16xf32>
      %add3A_1390 = arith.constant 54 : i32
      %add3A_1391 = vector.broadcast %add3A_1390 : i32 to vector<16xi32>
      %add3A_1392 = arith.addi %mul3A_12, %add3A_1391 : vector<16xi32>
      %gather3A_1393 = tpu.vector_load_idx %arg9[%add3A_1392] : memref<3200xf32, #tpu.memory_space<vmem>>[vector<16xi32>], vector<16xf32>,
      %add3A_1394 = arith.addf %add3A_1374, %gather3A_1393 : vector<16xf32>
      %add3A_1395 = arith.constant 55 : i32
      %add3A_1396 = vector.broadcast %add3A_1395 : i32 to vector<16xi32>
      %add3A_1397 = arith.addi %mul3A_12, %add3A_1396 : vector<16xi32>
      %gather3A_1398 = tpu.vector_load_idx %arg9[%add3A_1397] : memref<3200xf32, #tpu.memory_space<vmem>>[vector<16xi32>], vector<16xf32>,
      %add3A_1399 = arith.addf %add3A_1379, %gather3A_1398 : vector<16xf32>
      %add3A_1400 = arith.constant 56 : i32
      %add3A_1401 = vector.broadcast %add3A_1400 : i32 to vector<16xi32>
      %add3A_1402 = arith.addi %mul3A_12, %add3A_1401 : vector<16xi32>
      %gather3A_1403 = tpu.vector_load_idx %arg9[%add3A_1402] : memref<3200xf32, #tpu.memory_space<vmem>>[vector<16xi32>], vector<16xf32>,
      %add3A_1404 = arith.addf %add3A_1384, %gather3A_1403 : vector<16xf32>
      %add3A_1405 = arith.constant 57 : i32
      %add3A_1406 = vector.broadcast %add3A_1405 : i32 to vector<16xi32>
      %add3A_1407 = arith.addi %mul3A_12, %add3A_1406 : vector<16xi32>
      %gather3A_1408 = tpu.vector_load_idx %arg9[%add3A_1407] : memref<3200xf32, #tpu.memory_space<vmem>>[vector<16xi32>], vector<16xf32>,
      %add3A_1409 = arith.addf %add3A_1389, %gather3A_1408 : vector<16xf32>
      %add3A_1410 = arith.constant 58 : i32
      %add3A_1411 = vector.broadcast %add3A_1410 : i32 to vector<16xi32>
      %add3A_1412 = arith.addi %mul3A_12, %add3A_1411 : vector<16xi32>
      %gather3A_1413 = tpu.vector_load_idx %arg9[%add3A_1412] : memref<3200xf32, #tpu.memory_space<vmem>>[vector<16xi32>], vector<16xf32>,
      %add3A_1414 = arith.addf %add3A_1394, %gather3A_1413 : vector<16xf32>
      %add3A_1415 = arith.constant 59 : i32
      %add3A_1416 = vector.broadcast %add3A_1415 : i32 to vector<16xi32>
      %add3A_1417 = arith.addi %mul3A_12, %add3A_1416 : vector<16xi32>
      %gather3A_1418 = tpu.vector_load_idx %arg9[%add3A_1417] : memref<3200xf32, #tpu.memory_space<vmem>>[vector<16xi32>], vector<16xf32>,
      %add3A_1419 = arith.addf %add3A_1399, %gather3A_1418 : vector<16xf32>
      %add3A_1420 = arith.constant 60 : i32
      %add3A_1421 = vector.broadcast %add3A_1420 : i32 to vector<16xi32>
      %add3A_1422 = arith.addi %mul3A_12, %add3A_1421 : vector<16xi32>
      %gather3A_1423 = tpu.vector_load_idx %arg9[%add3A_1422] : memref<3200xf32, #tpu.memory_space<vmem>>[vector<16xi32>], vector<16xf32>,
      %add3A_1424 = arith.addf %add3A_1404, %gather3A_1423 : vector<16xf32>
      %add3A_1425 = arith.constant 61 : i32
      %add3A_1426 = vector.broadcast %add3A_1425 : i32 to vector<16xi32>
      %add3A_1427 = arith.addi %mul3A_12, %add3A_1426 : vector<16xi32>
      %gather3A_1428 = tpu.vector_load_idx %arg9[%add3A_1427] : memref<3200xf32, #tpu.memory_space<vmem>>[vector<16xi32>], vector<16xf32>,
      %add3A_1429 = arith.addf %add3A_1409, %gather3A_1428 : vector<16xf32>
      %add3A_1430 = arith.constant 62 : i32
      %add3A_1431 = vector.broadcast %add3A_1430 : i32 to vector<16xi32>
      %add3A_1432 = arith.addi %mul3A_12, %add3A_1431 : vector<16xi32>
      %gather3A_1433 = tpu.vector_load_idx %arg9[%add3A_1432] : memref<3200xf32, #tpu.memory_space<vmem>>[vector<16xi32>], vector<16xf32>,
      %add3A_1434 = arith.addf %add3A_1414, %gather3A_1433 : vector<16xf32>
      %add3A_1435 = arith.constant 63 : i32
      %add3A_1436 = vector.broadcast %add3A_1435 : i32 to vector<16xi32>
      %add3A_1437 = arith.addi %mul3A_12, %add3A_1436 : vector<16xi32>
      %gather3A_1438 = tpu.vector_load_idx %arg9[%add3A_1437] : memref<3200xf32, #tpu.memory_space<vmem>>[vector<16xi32>], vector<16xf32>,
      %add3A_1439 = arith.addf %add3A_1419, %gather3A_1438 : vector<16xf32>
      %add3A_1440 = arith.constant 64 : i32
      %add3A_1441 = vector.broadcast %add3A_1440 : i32 to vector<16xi32>
      %add3A_1442 = arith.addi %mul3A_12, %add3A_1441 : vector<16xi32>
      %gather3A_1443 = tpu.vector_load_idx %arg9[%add3A_1442] : memref<3200xf32, #tpu.memory_space<vmem>>[vector<16xi32>], vector<16xf32>,
      %add3A_1444 = arith.addf %add3A_1424, %gather3A_1443 : vector<16xf32>
      %add3A_1445 = arith.constant 65 : i32
      %add3A_1446 = vector.broadcast %add3A_1445 : i32 to vector<16xi32>
      %add3A_1447 = arith.addi %mul3A_12, %add3A_1446 : vector<16xi32>
      %gather3A_1448 = tpu.vector_load_idx %arg9[%add3A_1447] : memref<3200xf32, #tpu.memory_space<vmem>>[vector<16xi32>], vector<16xf32>,
      %add3A_1449 = arith.addf %add3A_1429, %gather3A_1448 : vector<16xf32>
      %add3A_1450 = arith.constant 66 : i32
      %add3A_1451 = vector.broadcast %add3A_1450 : i32 to vector<16xi32>
      %add3A_1452 = arith.addi %mul3A_12, %add3A_1451 : vector<16xi32>
      %gather3A_1453 = tpu.vector_load_idx %arg9[%add3A_1452] : memref<3200xf32, #tpu.memory_space<vmem>>[vector<16xi32>], vector<16xf32>,
      %add3A_1454 = arith.addf %add3A_1434, %gather3A_1453 : vector<16xf32>
      %add3A_1455 = arith.constant 67 : i32
      %add3A_1456 = vector.broadcast %add3A_1455 : i32 to vector<16xi32>
      %add3A_1457 = arith.addi %mul3A_12, %add3A_1456 : vector<16xi32>
      %gather3A_1458 = tpu.vector_load_idx %arg9[%add3A_1457] : memref<3200xf32, #tpu.memory_space<vmem>>[vector<16xi32>], vector<16xf32>,
      %add3A_1459 = arith.addf %add3A_1439, %gather3A_1458 : vector<16xf32>
      %add3A_1460 = arith.constant 68 : i32
      %add3A_1461 = vector.broadcast %add3A_1460 : i32 to vector<16xi32>
      %add3A_1462 = arith.addi %mul3A_12, %add3A_1461 : vector<16xi32>
      %gather3A_1463 = tpu.vector_load_idx %arg9[%add3A_1462] : memref<3200xf32, #tpu.memory_space<vmem>>[vector<16xi32>], vector<16xf32>,
      %add3A_1464 = arith.addf %add3A_1444, %gather3A_1463 : vector<16xf32>
      %add3A_1465 = arith.constant 69 : i32
      %add3A_1466 = vector.broadcast %add3A_1465 : i32 to vector<16xi32>
      %add3A_1467 = arith.addi %mul3A_12, %add3A_1466 : vector<16xi32>
      %gather3A_1468 = tpu.vector_load_idx %arg9[%add3A_1467] : memref<3200xf32, #tpu.memory_space<vmem>>[vector<16xi32>], vector<16xf32>,
      %add3A_1469 = arith.addf %add3A_1449, %gather3A_1468 : vector<16xf32>
      %add3A_1470 = arith.constant 70 : i32
      %add3A_1471 = vector.broadcast %add3A_1470 : i32 to vector<16xi32>
      %add3A_1472 = arith.addi %mul3A_12, %add3A_1471 : vector<16xi32>
      %gather3A_1473 = tpu.vector_load_idx %arg9[%add3A_1472] : memref<3200xf32, #tpu.memory_space<vmem>>[vector<16xi32>], vector<16xf32>,
      %add3A_1474 = arith.addf %add3A_1454, %gather3A_1473 : vector<16xf32>
      %add3A_1475 = arith.constant 71 : i32
      %add3A_1476 = vector.broadcast %add3A_1475 : i32 to vector<16xi32>
      %add3A_1477 = arith.addi %mul3A_12, %add3A_1476 : vector<16xi32>
      %gather3A_1478 = tpu.vector_load_idx %arg9[%add3A_1477] : memref<3200xf32, #tpu.memory_space<vmem>>[vector<16xi32>], vector<16xf32>,
      %add3A_1479 = arith.addf %add3A_1459, %gather3A_1478 : vector<16xf32>
      %add3A_1480 = arith.constant 72 : i32
      %add3A_1481 = vector.broadcast %add3A_1480 : i32 to vector<16xi32>
      %add3A_1482 = arith.addi %mul3A_12, %add3A_1481 : vector<16xi32>
      %gather3A_1483 = tpu.vector_load_idx %arg9[%add3A_1482] : memref<3200xf32, #tpu.memory_space<vmem>>[vector<16xi32>], vector<16xf32>,
      %add3A_1484 = arith.addf %add3A_1464, %gather3A_1483 : vector<16xf32>
      %add3A_1485 = arith.constant 73 : i32
      %add3A_1486 = vector.broadcast %add3A_1485 : i32 to vector<16xi32>
      %add3A_1487 = arith.addi %mul3A_12, %add3A_1486 : vector<16xi32>
      %gather3A_1488 = tpu.vector_load_idx %arg9[%add3A_1487] : memref<3200xf32, #tpu.memory_space<vmem>>[vector<16xi32>], vector<16xf32>,
      %add3A_1489 = arith.addf %add3A_1469, %gather3A_1488 : vector<16xf32>
      %add3A_1490 = arith.constant 74 : i32
      %add3A_1491 = vector.broadcast %add3A_1490 : i32 to vector<16xi32>
      %add3A_1492 = arith.addi %mul3A_12, %add3A_1491 : vector<16xi32>
      %gather3A_1493 = tpu.vector_load_idx %arg9[%add3A_1492] : memref<3200xf32, #tpu.memory_space<vmem>>[vector<16xi32>], vector<16xf32>,
      %add3A_1494 = arith.addf %add3A_1474, %gather3A_1493 : vector<16xf32>
      %add3A_1495 = arith.constant 75 : i32
      %add3A_1496 = vector.broadcast %add3A_1495 : i32 to vector<16xi32>
      %add3A_1497 = arith.addi %mul3A_12, %add3A_1496 : vector<16xi32>
      %gather3A_1498 = tpu.vector_load_idx %arg9[%add3A_1497] : memref<3200xf32, #tpu.memory_space<vmem>>[vector<16xi32>], vector<16xf32>,
      %add3A_1499 = arith.addf %add3A_1479, %gather3A_1498 : vector<16xf32>
      %add3A_1500 = arith.constant 76 : i32
      %add3A_1501 = vector.broadcast %add3A_1500 : i32 to vector<16xi32>
      %add3A_1502 = arith.addi %mul3A_12, %add3A_1501 : vector<16xi32>
      %gather3A_1503 = tpu.vector_load_idx %arg9[%add3A_1502] : memref<3200xf32, #tpu.memory_space<vmem>>[vector<16xi32>], vector<16xf32>,
      %add3A_1504 = arith.addf %add3A_1484, %gather3A_1503 : vector<16xf32>
      %add3A_1505 = arith.constant 77 : i32
      %add3A_1506 = vector.broadcast %add3A_1505 : i32 to vector<16xi32>
      %add3A_1507 = arith.addi %mul3A_12, %add3A_1506 : vector<16xi32>
      %gather3A_1508 = tpu.vector_load_idx %arg9[%add3A_1507] : memref<3200xf32, #tpu.memory_space<vmem>>[vector<16xi32>], vector<16xf32>,
      %add3A_1509 = arith.addf %add3A_1489, %gather3A_1508 : vector<16xf32>
      %add3A_1510 = arith.constant 78 : i32
      %add3A_1511 = vector.broadcast %add3A_1510 : i32 to vector<16xi32>
      %add3A_1512 = arith.addi %mul3A_12, %add3A_1511 : vector<16xi32>
      %gather3A_1513 = tpu.vector_load_idx %arg9[%add3A_1512] : memref<3200xf32, #tpu.memory_space<vmem>>[vector<16xi32>], vector<16xf32>,
      %add3A_1514 = arith.addf %add3A_1494, %gather3A_1513 : vector<16xf32>
      %add3A_1515 = arith.constant 79 : i32
      %add3A_1516 = vector.broadcast %add3A_1515 : i32 to vector<16xi32>
      %add3A_1517 = arith.addi %mul3A_12, %add3A_1516 : vector<16xi32>
      %gather3A_1518 = tpu.vector_load_idx %arg9[%add3A_1517] : memref<3200xf32, #tpu.memory_space<vmem>>[vector<16xi32>], vector<16xf32>,
      %add3A_1519 = arith.addf %add3A_1499, %gather3A_1518 : vector<16xf32>
      %add3A_1520 = arith.constant 80 : i32
      %add3A_1521 = vector.broadcast %add3A_1520 : i32 to vector<16xi32>
      %add3A_1522 = arith.addi %mul3A_12, %add3A_1521 : vector<16xi32>
      %gather3A_1523 = tpu.vector_load_idx %arg9[%add3A_1522] : memref<3200xf32, #tpu.memory_space<vmem>>[vector<16xi32>], vector<16xf32>,
      %add3A_1524 = arith.addf %add3A_1504, %gather3A_1523 : vector<16xf32>
      %add3A_1525 = arith.constant 81 : i32
      %add3A_1526 = vector.broadcast %add3A_1525 : i32 to vector<16xi32>
      %add3A_1527 = arith.addi %mul3A_12, %add3A_1526 : vector<16xi32>
      %gather3A_1528 = tpu.vector_load_idx %arg9[%add3A_1527] : memref<3200xf32, #tpu.memory_space<vmem>>[vector<16xi32>], vector<16xf32>,
      %add3A_1529 = arith.addf %add3A_1509, %gather3A_1528 : vector<16xf32>
      %add3A_1530 = arith.constant 82 : i32
      %add3A_1531 = vector.broadcast %add3A_1530 : i32 to vector<16xi32>
      %add3A_1532 = arith.addi %mul3A_12, %add3A_1531 : vector<16xi32>
      %gather3A_1533 = tpu.vector_load_idx %arg9[%add3A_1532] : memref<3200xf32, #tpu.memory_space<vmem>>[vector<16xi32>], vector<16xf32>,
      %add3A_1534 = arith.addf %add3A_1514, %gather3A_1533 : vector<16xf32>
      %add3A_1535 = arith.constant 83 : i32
      %add3A_1536 = vector.broadcast %add3A_1535 : i32 to vector<16xi32>
      %add3A_1537 = arith.addi %mul3A_12, %add3A_1536 : vector<16xi32>
      %gather3A_1538 = tpu.vector_load_idx %arg9[%add3A_1537] : memref<3200xf32, #tpu.memory_space<vmem>>[vector<16xi32>], vector<16xf32>,
      %add3A_1539 = arith.addf %add3A_1519, %gather3A_1538 : vector<16xf32>
      %add3A_1540 = arith.constant 84 : i32
      %add3A_1541 = vector.broadcast %add3A_1540 : i32 to vector<16xi32>
      %add3A_1542 = arith.addi %mul3A_12, %add3A_1541 : vector<16xi32>
      %gather3A_1543 = tpu.vector_load_idx %arg9[%add3A_1542] : memref<3200xf32, #tpu.memory_space<vmem>>[vector<16xi32>], vector<16xf32>,
      %add3A_1544 = arith.addf %add3A_1524, %gather3A_1543 : vector<16xf32>
      %add3A_1545 = arith.constant 85 : i32
      %add3A_1546 = vector.broadcast %add3A_1545 : i32 to vector<16xi32>
      %add3A_1547 = arith.addi %mul3A_12, %add3A_1546 : vector<16xi32>
      %gather3A_1548 = tpu.vector_load_idx %arg9[%add3A_1547] : memref<3200xf32, #tpu.memory_space<vmem>>[vector<16xi32>], vector<16xf32>,
      %add3A_1549 = arith.addf %add3A_1529, %gather3A_1548 : vector<16xf32>
      %add3A_1550 = arith.constant 86 : i32
      %add3A_1551 = vector.broadcast %add3A_1550 : i32 to vector<16xi32>
      %add3A_1552 = arith.addi %mul3A_12, %add3A_1551 : vector<16xi32>
      %gather3A_1553 = tpu.vector_load_idx %arg9[%add3A_1552] : memref<3200xf32, #tpu.memory_space<vmem>>[vector<16xi32>], vector<16xf32>,
      %add3A_1554 = arith.addf %add3A_1534, %gather3A_1553 : vector<16xf32>
      %add3A_1555 = arith.constant 87 : i32
      %add3A_1556 = vector.broadcast %add3A_1555 : i32 to vector<16xi32>
      %add3A_1557 = arith.addi %mul3A_12, %add3A_1556 : vector<16xi32>
      %gather3A_1558 = tpu.vector_load_idx %arg9[%add3A_1557] : memref<3200xf32, #tpu.memory_space<vmem>>[vector<16xi32>], vector<16xf32>,
      %add3A_1559 = arith.addf %add3A_1539, %gather3A_1558 : vector<16xf32>
      %add3A_1560 = arith.constant 88 : i32
      %add3A_1561 = vector.broadcast %add3A_1560 : i32 to vector<16xi32>
      %add3A_1562 = arith.addi %mul3A_12, %add3A_1561 : vector<16xi32>
      %gather3A_1563 = tpu.vector_load_idx %arg9[%add3A_1562] : memref<3200xf32, #tpu.memory_space<vmem>>[vector<16xi32>], vector<16xf32>,
      %add3A_1564 = arith.addf %add3A_1544, %gather3A_1563 : vector<16xf32>
      %add3A_1565 = arith.constant 89 : i32
      %add3A_1566 = vector.broadcast %add3A_1565 : i32 to vector<16xi32>
      %add3A_1567 = arith.addi %mul3A_12, %add3A_1566 : vector<16xi32>
      %gather3A_1568 = tpu.vector_load_idx %arg9[%add3A_1567] : memref<3200xf32, #tpu.memory_space<vmem>>[vector<16xi32>], vector<16xf32>,
      %add3A_1569 = arith.addf %add3A_1549, %gather3A_1568 : vector<16xf32>
      %add3A_1570 = arith.constant 90 : i32
      %add3A_1571 = vector.broadcast %add3A_1570 : i32 to vector<16xi32>
      %add3A_1572 = arith.addi %mul3A_12, %add3A_1571 : vector<16xi32>
      %gather3A_1573 = tpu.vector_load_idx %arg9[%add3A_1572] : memref<3200xf32, #tpu.memory_space<vmem>>[vector<16xi32>], vector<16xf32>,
      %add3A_1574 = arith.addf %add3A_1554, %gather3A_1573 : vector<16xf32>
      %add3A_1575 = arith.constant 91 : i32
      %add3A_1576 = vector.broadcast %add3A_1575 : i32 to vector<16xi32>
      %add3A_1577 = arith.addi %mul3A_12, %add3A_1576 : vector<16xi32>
      %gather3A_1578 = tpu.vector_load_idx %arg9[%add3A_1577] : memref<3200xf32, #tpu.memory_space<vmem>>[vector<16xi32>], vector<16xf32>,
      %add3A_1579 = arith.addf %add3A_1559, %gather3A_1578 : vector<16xf32>
      %add3A_1580 = arith.constant 92 : i32
      %add3A_1581 = vector.broadcast %add3A_1580 : i32 to vector<16xi32>
      %add3A_1582 = arith.addi %mul3A_12, %add3A_1581 : vector<16xi32>
      %gather3A_1583 = tpu.vector_load_idx %arg9[%add3A_1582] : memref<3200xf32, #tpu.memory_space<vmem>>[vector<16xi32>], vector<16xf32>,
      %add3A_1584 = arith.addf %add3A_1564, %gather3A_1583 : vector<16xf32>
      %add3A_1585 = arith.constant 93 : i32
      %add3A_1586 = vector.broadcast %add3A_1585 : i32 to vector<16xi32>
      %add3A_1587 = arith.addi %mul3A_12, %add3A_1586 : vector<16xi32>
      %gather3A_1588 = tpu.vector_load_idx %arg9[%add3A_1587] : memref<3200xf32, #tpu.memory_space<vmem>>[vector<16xi32>], vector<16xf32>,
      %add3A_1589 = arith.addf %add3A_1569, %gather3A_1588 : vector<16xf32>
      %add3A_1590 = arith.constant 94 : i32
      %add3A_1591 = vector.broadcast %add3A_1590 : i32 to vector<16xi32>
      %add3A_1592 = arith.addi %mul3A_12, %add3A_1591 : vector<16xi32>
      %gather3A_1593 = tpu.vector_load_idx %arg9[%add3A_1592] : memref<3200xf32, #tpu.memory_space<vmem>>[vector<16xi32>], vector<16xf32>,
      %add3A_1594 = arith.addf %add3A_1574, %gather3A_1593 : vector<16xf32>
      %add3A_1595 = arith.constant 95 : i32
      %add3A_1596 = vector.broadcast %add3A_1595 : i32 to vector<16xi32>
      %add3A_1597 = arith.addi %mul3A_12, %add3A_1596 : vector<16xi32>
      %gather3A_1598 = tpu.vector_load_idx %arg9[%add3A_1597] : memref<3200xf32, #tpu.memory_space<vmem>>[vector<16xi32>], vector<16xf32>,
      %add3A_1599 = arith.addf %add3A_1579, %gather3A_1598 : vector<16xf32>
      %add3A_1600 = arith.constant 96 : i32
      %add3A_1601 = vector.broadcast %add3A_1600 : i32 to vector<16xi32>
      %add3A_1602 = arith.addi %mul3A_12, %add3A_1601 : vector<16xi32>
      %gather3A_1603 = tpu.vector_load_idx %arg9[%add3A_1602] : memref<3200xf32, #tpu.memory_space<vmem>>[vector<16xi32>], vector<16xf32>,
      %add3A_1604 = arith.addf %add3A_1584, %gather3A_1603 : vector<16xf32>
      %add3A_1605 = arith.constant 97 : i32
      %add3A_1606 = vector.broadcast %add3A_1605 : i32 to vector<16xi32>
      %add3A_1607 = arith.addi %mul3A_12, %add3A_1606 : vector<16xi32>
      %gather3A_1608 = tpu.vector_load_idx %arg9[%add3A_1607] : memref<3200xf32, #tpu.memory_space<vmem>>[vector<16xi32>], vector<16xf32>,
      %add3A_1609 = arith.addf %add3A_1589, %gather3A_1608 : vector<16xf32>
      %add3A_1610 = arith.constant 98 : i32
      %add3A_1611 = vector.broadcast %add3A_1610 : i32 to vector<16xi32>
      %add3A_1612 = arith.addi %mul3A_12, %add3A_1611 : vector<16xi32>
      %gather3A_1613 = tpu.vector_load_idx %arg9[%add3A_1612] : memref<3200xf32, #tpu.memory_space<vmem>>[vector<16xi32>], vector<16xf32>,
      %add3A_1614 = arith.addf %add3A_1594, %gather3A_1613 : vector<16xf32>
      %add3A_1615 = arith.constant 99 : i32
      %add3A_1616 = vector.broadcast %add3A_1615 : i32 to vector<16xi32>
      %add3A_1617 = arith.addi %mul3A_12, %add3A_1616 : vector<16xi32>
      %gather3A_1618 = tpu.vector_load_idx %arg9[%add3A_1617] : memref<3200xf32, #tpu.memory_space<vmem>>[vector<16xi32>], vector<16xf32>,
      %add3A_1619 = arith.addf %add3A_1599, %gather3A_1618 : vector<16xf32>
      %add3A_1620 = arith.constant 100 : i32
      %add3A_1621 = vector.broadcast %add3A_1620 : i32 to vector<16xi32>
      %add3A_1622 = arith.addi %mul3A_12, %add3A_1621 : vector<16xi32>
      %gather3A_1623 = tpu.vector_load_idx %arg9[%add3A_1622] : memref<3200xf32, #tpu.memory_space<vmem>>[vector<16xi32>], vector<16xf32>,
      %add3A_1624 = arith.addf %add3A_1604, %gather3A_1623 : vector<16xf32>
      %add3A_1625 = arith.constant 101 : i32
      %add3A_1626 = vector.broadcast %add3A_1625 : i32 to vector<16xi32>
      %add3A_1627 = arith.addi %mul3A_12, %add3A_1626 : vector<16xi32>
      %gather3A_1628 = tpu.vector_load_idx %arg9[%add3A_1627] : memref<3200xf32, #tpu.memory_space<vmem>>[vector<16xi32>], vector<16xf32>,
      %add3A_1629 = arith.addf %add3A_1609, %gather3A_1628 : vector<16xf32>
      %add3A_1630 = arith.constant 102 : i32
      %add3A_1631 = vector.broadcast %add3A_1630 : i32 to vector<16xi32>
      %add3A_1632 = arith.addi %mul3A_12, %add3A_1631 : vector<16xi32>
      %gather3A_1633 = tpu.vector_load_idx %arg9[%add3A_1632] : memref<3200xf32, #tpu.memory_space<vmem>>[vector<16xi32>], vector<16xf32>,
      %add3A_1634 = arith.addf %add3A_1614, %gather3A_1633 : vector<16xf32>
      %add3A_1635 = arith.constant 103 : i32
      %add3A_1636 = vector.broadcast %add3A_1635 : i32 to vector<16xi32>
      %add3A_1637 = arith.addi %mul3A_12, %add3A_1636 : vector<16xi32>
      %gather3A_1638 = tpu.vector_load_idx %arg9[%add3A_1637] : memref<3200xf32, #tpu.memory_space<vmem>>[vector<16xi32>], vector<16xf32>,
      %add3A_1639 = arith.addf %add3A_1619, %gather3A_1638 : vector<16xf32>
      %add3A_1640 = arith.constant 104 : i32
      %add3A_1641 = vector.broadcast %add3A_1640 : i32 to vector<16xi32>
      %add3A_1642 = arith.addi %mul3A_12, %add3A_1641 : vector<16xi32>
      %gather3A_1643 = tpu.vector_load_idx %arg9[%add3A_1642] : memref<3200xf32, #tpu.memory_space<vmem>>[vector<16xi32>], vector<16xf32>,
      %add3A_1644 = arith.addf %add3A_1624, %gather3A_1643 : vector<16xf32>
      %add3A_1645 = arith.constant 105 : i32
      %add3A_1646 = vector.broadcast %add3A_1645 : i32 to vector<16xi32>
      %add3A_1647 = arith.addi %mul3A_12, %add3A_1646 : vector<16xi32>
      %gather3A_1648 = tpu.vector_load_idx %arg9[%add3A_1647] : memref<3200xf32, #tpu.memory_space<vmem>>[vector<16xi32>], vector<16xf32>,
      %add3A_1649 = arith.addf %add3A_1629, %gather3A_1648 : vector<16xf32>
      %add3A_1650 = arith.constant 106 : i32
      %add3A_1651 = vector.broadcast %add3A_1650 : i32 to vector<16xi32>
      %add3A_1652 = arith.addi %mul3A_12, %add3A_1651 : vector<16xi32>
      %gather3A_1653 = tpu.vector_load_idx %arg9[%add3A_1652] : memref<3200xf32, #tpu.memory_space<vmem>>[vector<16xi32>], vector<16xf32>,
      %add3A_1654 = arith.addf %add3A_1634, %gather3A_1653 : vector<16xf32>
      %add3A_1655 = arith.constant 107 : i32
      %add3A_1656 = vector.broadcast %add3A_1655 : i32 to vector<16xi32>
      %add3A_1657 = arith.addi %mul3A_12, %add3A_1656 : vector<16xi32>
      %gather3A_1658 = tpu.vector_load_idx %arg9[%add3A_1657] : memref<3200xf32, #tpu.memory_space<vmem>>[vector<16xi32>], vector<16xf32>,
      %add3A_1659 = arith.addf %add3A_1639, %gather3A_1658 : vector<16xf32>
      %add3A_1660 = arith.constant 108 : i32
      %add3A_1661 = vector.broadcast %add3A_1660 : i32 to vector<16xi32>
      %add3A_1662 = arith.addi %mul3A_12, %add3A_1661 : vector<16xi32>
      %gather3A_1663 = tpu.vector_load_idx %arg9[%add3A_1662] : memref<3200xf32, #tpu.memory_space<vmem>>[vector<16xi32>], vector<16xf32>,
      %add3A_1664 = arith.addf %add3A_1644, %gather3A_1663 : vector<16xf32>
      %add3A_1665 = arith.constant 109 : i32
      %add3A_1666 = vector.broadcast %add3A_1665 : i32 to vector<16xi32>
      %add3A_1667 = arith.addi %mul3A_12, %add3A_1666 : vector<16xi32>
      %gather3A_1668 = tpu.vector_load_idx %arg9[%add3A_1667] : memref<3200xf32, #tpu.memory_space<vmem>>[vector<16xi32>], vector<16xf32>,
      %add3A_1669 = arith.addf %add3A_1649, %gather3A_1668 : vector<16xf32>
      %add3A_1670 = arith.constant 110 : i32
      %add3A_1671 = vector.broadcast %add3A_1670 : i32 to vector<16xi32>
      %add3A_1672 = arith.addi %mul3A_12, %add3A_1671 : vector<16xi32>
      %gather3A_1673 = tpu.vector_load_idx %arg9[%add3A_1672] : memref<3200xf32, #tpu.memory_space<vmem>>[vector<16xi32>], vector<16xf32>,
      %add3A_1674 = arith.addf %add3A_1654, %gather3A_1673 : vector<16xf32>
      %add3A_1675 = arith.constant 111 : i32
      %add3A_1676 = vector.broadcast %add3A_1675 : i32 to vector<16xi32>
      %add3A_1677 = arith.addi %mul3A_12, %add3A_1676 : vector<16xi32>
      %gather3A_1678 = tpu.vector_load_idx %arg9[%add3A_1677] : memref<3200xf32, #tpu.memory_space<vmem>>[vector<16xi32>], vector<16xf32>,
      %add3A_1679 = arith.addf %add3A_1659, %gather3A_1678 : vector<16xf32>
      %add3A_1680 = arith.constant 112 : i32
      %add3A_1681 = vector.broadcast %add3A_1680 : i32 to vector<16xi32>
      %add3A_1682 = arith.addi %mul3A_12, %add3A_1681 : vector<16xi32>
      %gather3A_1683 = tpu.vector_load_idx %arg9[%add3A_1682] : memref<3200xf32, #tpu.memory_space<vmem>>[vector<16xi32>], vector<16xf32>,
      %add3A_1684 = arith.addf %add3A_1664, %gather3A_1683 : vector<16xf32>
      %add3A_1685 = arith.constant 113 : i32
      %add3A_1686 = vector.broadcast %add3A_1685 : i32 to vector<16xi32>
      %add3A_1687 = arith.addi %mul3A_12, %add3A_1686 : vector<16xi32>
      %gather3A_1688 = tpu.vector_load_idx %arg9[%add3A_1687] : memref<3200xf32, #tpu.memory_space<vmem>>[vector<16xi32>], vector<16xf32>,
      %add3A_1689 = arith.addf %add3A_1669, %gather3A_1688 : vector<16xf32>
      %add3A_1690 = arith.constant 114 : i32
      %add3A_1691 = vector.broadcast %add3A_1690 : i32 to vector<16xi32>
      %add3A_1692 = arith.addi %mul3A_12, %add3A_1691 : vector<16xi32>
      %gather3A_1693 = tpu.vector_load_idx %arg9[%add3A_1692] : memref<3200xf32, #tpu.memory_space<vmem>>[vector<16xi32>], vector<16xf32>,
      %add3A_1694 = arith.addf %add3A_1674, %gather3A_1693 : vector<16xf32>
      %add3A_1695 = arith.constant 115 : i32
      %add3A_1696 = vector.broadcast %add3A_1695 : i32 to vector<16xi32>
      %add3A_1697 = arith.addi %mul3A_12, %add3A_1696 : vector<16xi32>
      %gather3A_1698 = tpu.vector_load_idx %arg9[%add3A_1697] : memref<3200xf32, #tpu.memory_space<vmem>>[vector<16xi32>], vector<16xf32>,
      %add3A_1699 = arith.addf %add3A_1679, %gather3A_1698 : vector<16xf32>
      %add3A_1700 = arith.constant 116 : i32
      %add3A_1701 = vector.broadcast %add3A_1700 : i32 to vector<16xi32>
      %add3A_1702 = arith.addi %mul3A_12, %add3A_1701 : vector<16xi32>
      %gather3A_1703 = tpu.vector_load_idx %arg9[%add3A_1702] : memref<3200xf32, #tpu.memory_space<vmem>>[vector<16xi32>], vector<16xf32>,
      %add3A_1704 = arith.addf %add3A_1684, %gather3A_1703 : vector<16xf32>
      %add3A_1705 = arith.constant 117 : i32
      %add3A_1706 = vector.broadcast %add3A_1705 : i32 to vector<16xi32>
      %add3A_1707 = arith.addi %mul3A_12, %add3A_1706 : vector<16xi32>
      %gather3A_1708 = tpu.vector_load_idx %arg9[%add3A_1707] : memref<3200xf32, #tpu.memory_space<vmem>>[vector<16xi32>], vector<16xf32>,
      %add3A_1709 = arith.addf %add3A_1689, %gather3A_1708 : vector<16xf32>
      %add3A_1710 = arith.constant 118 : i32
      %add3A_1711 = vector.broadcast %add3A_1710 : i32 to vector<16xi32>
      %add3A_1712 = arith.addi %mul3A_12, %add3A_1711 : vector<16xi32>
      %gather3A_1713 = tpu.vector_load_idx %arg9[%add3A_1712] : memref<3200xf32, #tpu.memory_space<vmem>>[vector<16xi32>], vector<16xf32>,
      %add3A_1714 = arith.addf %add3A_1694, %gather3A_1713 : vector<16xf32>
      %add3A_1715 = arith.constant 119 : i32
      %add3A_1716 = vector.broadcast %add3A_1715 : i32 to vector<16xi32>
      %add3A_1717 = arith.addi %mul3A_12, %add3A_1716 : vector<16xi32>
      %gather3A_1718 = tpu.vector_load_idx %arg9[%add3A_1717] : memref<3200xf32, #tpu.memory_space<vmem>>[vector<16xi32>], vector<16xf32>,
      %add3A_1719 = arith.addf %add3A_1699, %gather3A_1718 : vector<16xf32>
      %add3A_1720 = arith.constant 120 : i32
      %add3A_1721 = vector.broadcast %add3A_1720 : i32 to vector<16xi32>
      %add3A_1722 = arith.addi %mul3A_12, %add3A_1721 : vector<16xi32>
      %gather3A_1723 = tpu.vector_load_idx %arg9[%add3A_1722] : memref<3200xf32, #tpu.memory_space<vmem>>[vector<16xi32>], vector<16xf32>,
      %add3A_1724 = arith.addf %add3A_1704, %gather3A_1723 : vector<16xf32>
      %add3A_1725 = arith.constant 121 : i32
      %add3A_1726 = vector.broadcast %add3A_1725 : i32 to vector<16xi32>
      %add3A_1727 = arith.addi %mul3A_12, %add3A_1726 : vector<16xi32>
      %gather3A_1728 = tpu.vector_load_idx %arg9[%add3A_1727] : memref<3200xf32, #tpu.memory_space<vmem>>[vector<16xi32>], vector<16xf32>,
      %add3A_1729 = arith.addf %add3A_1709, %gather3A_1728 : vector<16xf32>
      %add3A_1730 = arith.constant 122 : i32
      %add3A_1731 = vector.broadcast %add3A_1730 : i32 to vector<16xi32>
      %add3A_1732 = arith.addi %mul3A_12, %add3A_1731 : vector<16xi32>
      %gather3A_1733 = tpu.vector_load_idx %arg9[%add3A_1732] : memref<3200xf32, #tpu.memory_space<vmem>>[vector<16xi32>], vector<16xf32>,
      %add3A_1734 = arith.addf %add3A_1714, %gather3A_1733 : vector<16xf32>
      %add3A_1735 = arith.constant 123 : i32
      %add3A_1736 = vector.broadcast %add3A_1735 : i32 to vector<16xi32>
      %add3A_1737 = arith.addi %mul3A_12, %add3A_1736 : vector<16xi32>
      %gather3A_1738 = tpu.vector_load_idx %arg9[%add3A_1737] : memref<3200xf32, #tpu.memory_space<vmem>>[vector<16xi32>], vector<16xf32>,
      %add3A_1739 = arith.addf %add3A_1719, %gather3A_1738 : vector<16xf32>
      %add3A_1740 = arith.constant 124 : i32
      %add3A_1741 = vector.broadcast %add3A_1740 : i32 to vector<16xi32>
      %add3A_1742 = arith.addi %mul3A_12, %add3A_1741 : vector<16xi32>
      %gather3A_1743 = tpu.vector_load_idx %arg9[%add3A_1742] : memref<3200xf32, #tpu.memory_space<vmem>>[vector<16xi32>], vector<16xf32>,
      %add3A_1744 = arith.addf %add3A_1724, %gather3A_1743 : vector<16xf32>
      %add3A_1745 = arith.constant 125 : i32
      %add3A_1746 = vector.broadcast %add3A_1745 : i32 to vector<16xi32>
      %add3A_1747 = arith.addi %mul3A_12, %add3A_1746 : vector<16xi32>
      %gather3A_1748 = tpu.vector_load_idx %arg9[%add3A_1747] : memref<3200xf32, #tpu.memory_space<vmem>>[vector<16xi32>], vector<16xf32>,
      %add3A_1749 = arith.addf %add3A_1729, %gather3A_1748 : vector<16xf32>
      %add3A_1750 = arith.constant 126 : i32
      %add3A_1751 = vector.broadcast %add3A_1750 : i32 to vector<16xi32>
      %add3A_1752 = arith.addi %mul3A_12, %add3A_1751 : vector<16xi32>
      %gather3A_1753 = tpu.vector_load_idx %arg9[%add3A_1752] : memref<3200xf32, #tpu.memory_space<vmem>>[vector<16xi32>], vector<16xf32>,
      %add3A_1754 = arith.addf %add3A_1734, %gather3A_1753 : vector<16xf32>
      %add3A_1755 = arith.constant 127 : i32
      %add3A_1756 = vector.broadcast %add3A_1755 : i32 to vector<16xi32>
      %add3A_1757 = arith.addi %mul3A_12, %add3A_1756 : vector<16xi32>
      %gather3A_1758 = tpu.vector_load_idx %arg9[%add3A_1757] : memref<3200xf32, #tpu.memory_space<vmem>>[vector<16xi32>], vector<16xf32>,
      %add3A_1759 = arith.addf %add3A_1739, %gather3A_1758 : vector<16xf32>
      %add3A_1760 = arith.constant 128 : i32
      %add3A_1761 = vector.broadcast %add3A_1760 : i32 to vector<16xi32>
      %add3A_1762 = arith.addi %mul3A_12, %add3A_1761 : vector<16xi32>
      %gather3A_1763 = tpu.vector_load_idx %arg9[%add3A_1762] : memref<3200xf32, #tpu.memory_space<vmem>>[vector<16xi32>], vector<16xf32>,
      %add3A_1764 = arith.addf %add3A_1744, %gather3A_1763 : vector<16xf32>
      %add3A_1765 = arith.constant 129 : i32
      %add3A_1766 = vector.broadcast %add3A_1765 : i32 to vector<16xi32>
      %add3A_1767 = arith.addi %mul3A_12, %add3A_1766 : vector<16xi32>
      %gather3A_1768 = tpu.vector_load_idx %arg9[%add3A_1767] : memref<3200xf32, #tpu.memory_space<vmem>>[vector<16xi32>], vector<16xf32>,
      %add3A_1769 = arith.addf %add3A_1749, %gather3A_1768 : vector<16xf32>
      %add3A_1770 = arith.constant 130 : i32
      %add3A_1771 = vector.broadcast %add3A_1770 : i32 to vector<16xi32>
      %add3A_1772 = arith.addi %mul3A_12, %add3A_1771 : vector<16xi32>
      %gather3A_1773 = tpu.vector_load_idx %arg9[%add3A_1772] : memref<3200xf32, #tpu.memory_space<vmem>>[vector<16xi32>], vector<16xf32>,
      %add3A_1774 = arith.addf %add3A_1754, %gather3A_1773 : vector<16xf32>
      %add3A_1775 = arith.constant 131 : i32
      %add3A_1776 = vector.broadcast %add3A_1775 : i32 to vector<16xi32>
      %add3A_1777 = arith.addi %mul3A_12, %add3A_1776 : vector<16xi32>
      %gather3A_1778 = tpu.vector_load_idx %arg9[%add3A_1777] : memref<3200xf32, #tpu.memory_space<vmem>>[vector<16xi32>], vector<16xf32>,
      %add3A_1779 = arith.addf %add3A_1759, %gather3A_1778 : vector<16xf32>
      %add3A_1780 = arith.constant 132 : i32
      %add3A_1781 = vector.broadcast %add3A_1780 : i32 to vector<16xi32>
      %add3A_1782 = arith.addi %mul3A_12, %add3A_1781 : vector<16xi32>
      %gather3A_1783 = tpu.vector_load_idx %arg9[%add3A_1782] : memref<3200xf32, #tpu.memory_space<vmem>>[vector<16xi32>], vector<16xf32>,
      %add3A_1784 = arith.addf %add3A_1764, %gather3A_1783 : vector<16xf32>
      %add3A_1785 = arith.constant 133 : i32
      %add3A_1786 = vector.broadcast %add3A_1785 : i32 to vector<16xi32>
      %add3A_1787 = arith.addi %mul3A_12, %add3A_1786 : vector<16xi32>
      %gather3A_1788 = tpu.vector_load_idx %arg9[%add3A_1787] : memref<3200xf32, #tpu.memory_space<vmem>>[vector<16xi32>], vector<16xf32>,
      %add3A_1789 = arith.addf %add3A_1769, %gather3A_1788 : vector<16xf32>
      %add3A_1790 = arith.constant 134 : i32
      %add3A_1791 = vector.broadcast %add3A_1790 : i32 to vector<16xi32>
      %add3A_1792 = arith.addi %mul3A_12, %add3A_1791 : vector<16xi32>
      %gather3A_1793 = tpu.vector_load_idx %arg9[%add3A_1792] : memref<3200xf32, #tpu.memory_space<vmem>>[vector<16xi32>], vector<16xf32>,
      %add3A_1794 = arith.addf %add3A_1774, %gather3A_1793 : vector<16xf32>
      %add3A_1795 = arith.constant 135 : i32
      %add3A_1796 = vector.broadcast %add3A_1795 : i32 to vector<16xi32>
      %add3A_1797 = arith.addi %mul3A_12, %add3A_1796 : vector<16xi32>
      %gather3A_1798 = tpu.vector_load_idx %arg9[%add3A_1797] : memref<3200xf32, #tpu.memory_space<vmem>>[vector<16xi32>], vector<16xf32>,
      %add3A_1799 = arith.addf %add3A_1779, %gather3A_1798 : vector<16xf32>
      %add3A_1800 = arith.constant 136 : i32
      %add3A_1801 = vector.broadcast %add3A_1800 : i32 to vector<16xi32>
      %add3A_1802 = arith.addi %mul3A_12, %add3A_1801 : vector<16xi32>
      %gather3A_1803 = tpu.vector_load_idx %arg9[%add3A_1802] : memref<3200xf32, #tpu.memory_space<vmem>>[vector<16xi32>], vector<16xf32>,
      %add3A_1804 = arith.addf %add3A_1784, %gather3A_1803 : vector<16xf32>
      %add3A_1805 = arith.constant 137 : i32
      %add3A_1806 = vector.broadcast %add3A_1805 : i32 to vector<16xi32>
      %add3A_1807 = arith.addi %mul3A_12, %add3A_1806 : vector<16xi32>
      %gather3A_1808 = tpu.vector_load_idx %arg9[%add3A_1807] : memref<3200xf32, #tpu.memory_space<vmem>>[vector<16xi32>], vector<16xf32>,
      %add3A_1809 = arith.addf %add3A_1789, %gather3A_1808 : vector<16xf32>
      %add3A_1810 = arith.constant 138 : i32
      %add3A_1811 = vector.broadcast %add3A_1810 : i32 to vector<16xi32>
      %add3A_1812 = arith.addi %mul3A_12, %add3A_1811 : vector<16xi32>
      %gather3A_1813 = tpu.vector_load_idx %arg9[%add3A_1812] : memref<3200xf32, #tpu.memory_space<vmem>>[vector<16xi32>], vector<16xf32>,
      %add3A_1814 = arith.addf %add3A_1794, %gather3A_1813 : vector<16xf32>
      %add3A_1815 = arith.constant 139 : i32
      %add3A_1816 = vector.broadcast %add3A_1815 : i32 to vector<16xi32>
      %add3A_1817 = arith.addi %mul3A_12, %add3A_1816 : vector<16xi32>
      %gather3A_1818 = tpu.vector_load_idx %arg9[%add3A_1817] : memref<3200xf32, #tpu.memory_space<vmem>>[vector<16xi32>], vector<16xf32>,
      %add3A_1819 = arith.addf %add3A_1799, %gather3A_1818 : vector<16xf32>
      %add3A_1820 = arith.constant 140 : i32
      %add3A_1821 = vector.broadcast %add3A_1820 : i32 to vector<16xi32>
      %add3A_1822 = arith.addi %mul3A_12, %add3A_1821 : vector<16xi32>
      %gather3A_1823 = tpu.vector_load_idx %arg9[%add3A_1822] : memref<3200xf32, #tpu.memory_space<vmem>>[vector<16xi32>], vector<16xf32>,
      %add3A_1824 = arith.addf %add3A_1804, %gather3A_1823 : vector<16xf32>
      %add3A_1825 = arith.constant 141 : i32
      %add3A_1826 = vector.broadcast %add3A_1825 : i32 to vector<16xi32>
      %add3A_1827 = arith.addi %mul3A_12, %add3A_1826 : vector<16xi32>
      %gather3A_1828 = tpu.vector_load_idx %arg9[%add3A_1827] : memref<3200xf32, #tpu.memory_space<vmem>>[vector<16xi32>], vector<16xf32>,
      %add3A_1829 = arith.addf %add3A_1809, %gather3A_1828 : vector<16xf32>
      %add3A_1830 = arith.constant 142 : i32
      %add3A_1831 = vector.broadcast %add3A_1830 : i32 to vector<16xi32>
      %add3A_1832 = arith.addi %mul3A_12, %add3A_1831 : vector<16xi32>
      %gather3A_1833 = tpu.vector_load_idx %arg9[%add3A_1832] : memref<3200xf32, #tpu.memory_space<vmem>>[vector<16xi32>], vector<16xf32>,
      %add3A_1834 = arith.addf %add3A_1814, %gather3A_1833 : vector<16xf32>
      %add3A_1835 = arith.constant 143 : i32
      %add3A_1836 = vector.broadcast %add3A_1835 : i32 to vector<16xi32>
      %add3A_1837 = arith.addi %mul3A_12, %add3A_1836 : vector<16xi32>
      %gather3A_1838 = tpu.vector_load_idx %arg9[%add3A_1837] : memref<3200xf32, #tpu.memory_space<vmem>>[vector<16xi32>], vector<16xf32>,
      %add3A_1839 = arith.addf %add3A_1819, %gather3A_1838 : vector<16xf32>
      %add3A_1840 = arith.constant 144 : i32
      %add3A_1841 = vector.broadcast %add3A_1840 : i32 to vector<16xi32>
      %add3A_1842 = arith.addi %mul3A_12, %add3A_1841 : vector<16xi32>
      %gather3A_1843 = tpu.vector_load_idx %arg9[%add3A_1842] : memref<3200xf32, #tpu.memory_space<vmem>>[vector<16xi32>], vector<16xf32>,
      %add3A_1844 = arith.addf %add3A_1824, %gather3A_1843 : vector<16xf32>
      %add3A_1845 = arith.constant 145 : i32
      %add3A_1846 = vector.broadcast %add3A_1845 : i32 to vector<16xi32>
      %add3A_1847 = arith.addi %mul3A_12, %add3A_1846 : vector<16xi32>
      %gather3A_1848 = tpu.vector_load_idx %arg9[%add3A_1847] : memref<3200xf32, #tpu.memory_space<vmem>>[vector<16xi32>], vector<16xf32>,
      %add3A_1849 = arith.addf %add3A_1829, %gather3A_1848 : vector<16xf32>
      %add3A_1850 = arith.constant 146 : i32
      %add3A_1851 = vector.broadcast %add3A_1850 : i32 to vector<16xi32>
      %add3A_1852 = arith.addi %mul3A_12, %add3A_1851 : vector<16xi32>
      %gather3A_1853 = tpu.vector_load_idx %arg9[%add3A_1852] : memref<3200xf32, #tpu.memory_space<vmem>>[vector<16xi32>], vector<16xf32>,
      %add3A_1854 = arith.addf %add3A_1834, %gather3A_1853 : vector<16xf32>
      %add3A_1855 = arith.constant 147 : i32
      %add3A_1856 = vector.broadcast %add3A_1855 : i32 to vector<16xi32>
      %add3A_1857 = arith.addi %mul3A_12, %add3A_1856 : vector<16xi32>
      %gather3A_1858 = tpu.vector_load_idx %arg9[%add3A_1857] : memref<3200xf32, #tpu.memory_space<vmem>>[vector<16xi32>], vector<16xf32>,
      %add3A_1859 = arith.addf %add3A_1839, %gather3A_1858 : vector<16xf32>
      %add3A_1860 = arith.constant 148 : i32
      %add3A_1861 = vector.broadcast %add3A_1860 : i32 to vector<16xi32>
      %add3A_1862 = arith.addi %mul3A_12, %add3A_1861 : vector<16xi32>
      %gather3A_1863 = tpu.vector_load_idx %arg9[%add3A_1862] : memref<3200xf32, #tpu.memory_space<vmem>>[vector<16xi32>], vector<16xf32>,
      %add3A_1864 = arith.addf %add3A_1844, %gather3A_1863 : vector<16xf32>
      %add3A_1865 = arith.constant 149 : i32
      %add3A_1866 = vector.broadcast %add3A_1865 : i32 to vector<16xi32>
      %add3A_1867 = arith.addi %mul3A_12, %add3A_1866 : vector<16xi32>
      %gather3A_1868 = tpu.vector_load_idx %arg9[%add3A_1867] : memref<3200xf32, #tpu.memory_space<vmem>>[vector<16xi32>], vector<16xf32>,
      %add3A_1869 = arith.addf %add3A_1849, %gather3A_1868 : vector<16xf32>
      %add3A_1870 = arith.constant 150 : i32
      %add3A_1871 = vector.broadcast %add3A_1870 : i32 to vector<16xi32>
      %add3A_1872 = arith.addi %mul3A_12, %add3A_1871 : vector<16xi32>
      %gather3A_1873 = tpu.vector_load_idx %arg9[%add3A_1872] : memref<3200xf32, #tpu.memory_space<vmem>>[vector<16xi32>], vector<16xf32>,
      %add3A_1874 = arith.addf %add3A_1854, %gather3A_1873 : vector<16xf32>
      %add3A_1875 = arith.constant 151 : i32
      %add3A_1876 = vector.broadcast %add3A_1875 : i32 to vector<16xi32>
      %add3A_1877 = arith.addi %mul3A_12, %add3A_1876 : vector<16xi32>
      %gather3A_1878 = tpu.vector_load_idx %arg9[%add3A_1877] : memref<3200xf32, #tpu.memory_space<vmem>>[vector<16xi32>], vector<16xf32>,
      %add3A_1879 = arith.addf %add3A_1859, %gather3A_1878 : vector<16xf32>
      %add3A_1880 = arith.constant 152 : i32
      %add3A_1881 = vector.broadcast %add3A_1880 : i32 to vector<16xi32>
      %add3A_1882 = arith.addi %mul3A_12, %add3A_1881 : vector<16xi32>
      %gather3A_1883 = tpu.vector_load_idx %arg9[%add3A_1882] : memref<3200xf32, #tpu.memory_space<vmem>>[vector<16xi32>], vector<16xf32>,
      %add3A_1884 = arith.addf %add3A_1864, %gather3A_1883 : vector<16xf32>
      %add3A_1885 = arith.constant 153 : i32
      %add3A_1886 = vector.broadcast %add3A_1885 : i32 to vector<16xi32>
      %add3A_1887 = arith.addi %mul3A_12, %add3A_1886 : vector<16xi32>
      %gather3A_1888 = tpu.vector_load_idx %arg9[%add3A_1887] : memref<3200xf32, #tpu.memory_space<vmem>>[vector<16xi32>], vector<16xf32>,
      %add3A_1889 = arith.addf %add3A_1869, %gather3A_1888 : vector<16xf32>
      %add3A_1890 = arith.constant 154 : i32
      %add3A_1891 = vector.broadcast %add3A_1890 : i32 to vector<16xi32>
      %add3A_1892 = arith.addi %mul3A_12, %add3A_1891 : vector<16xi32>
      %gather3A_1893 = tpu.vector_load_idx %arg9[%add3A_1892] : memref<3200xf32, #tpu.memory_space<vmem>>[vector<16xi32>], vector<16xf32>,
      %add3A_1894 = arith.addf %add3A_1874, %gather3A_1893 : vector<16xf32>
      %add3A_1895 = arith.constant 155 : i32
      %add3A_1896 = vector.broadcast %add3A_1895 : i32 to vector<16xi32>
      %add3A_1897 = arith.addi %mul3A_12, %add3A_1896 : vector<16xi32>
      %gather3A_1898 = tpu.vector_load_idx %arg9[%add3A_1897] : memref<3200xf32, #tpu.memory_space<vmem>>[vector<16xi32>], vector<16xf32>,
      %add3A_1899 = arith.addf %add3A_1879, %gather3A_1898 : vector<16xf32>
      %add3A_1900 = arith.constant 156 : i32
      %add3A_1901 = vector.broadcast %add3A_1900 : i32 to vector<16xi32>
      %add3A_1902 = arith.addi %mul3A_12, %add3A_1901 : vector<16xi32>
      %gather3A_1903 = tpu.vector_load_idx %arg9[%add3A_1902] : memref<3200xf32, #tpu.memory_space<vmem>>[vector<16xi32>], vector<16xf32>,
      %add3A_1904 = arith.addf %add3A_1884, %gather3A_1903 : vector<16xf32>
      %add3A_1905 = arith.constant 157 : i32
      %add3A_1906 = vector.broadcast %add3A_1905 : i32 to vector<16xi32>
      %add3A_1907 = arith.addi %mul3A_12, %add3A_1906 : vector<16xi32>
      %gather3A_1908 = tpu.vector_load_idx %arg9[%add3A_1907] : memref<3200xf32, #tpu.memory_space<vmem>>[vector<16xi32>], vector<16xf32>,
      %add3A_1909 = arith.addf %add3A_1889, %gather3A_1908 : vector<16xf32>
      %add3A_1910 = arith.constant 158 : i32
      %add3A_1911 = vector.broadcast %add3A_1910 : i32 to vector<16xi32>
      %add3A_1912 = arith.addi %mul3A_12, %add3A_1911 : vector<16xi32>
      %gather3A_1913 = tpu.vector_load_idx %arg9[%add3A_1912] : memref<3200xf32, #tpu.memory_space<vmem>>[vector<16xi32>], vector<16xf32>,
      %add3A_1914 = arith.addf %add3A_1894, %gather3A_1913 : vector<16xf32>
      %add3A_1915 = arith.constant 159 : i32
      %add3A_1916 = vector.broadcast %add3A_1915 : i32 to vector<16xi32>
      %add3A_1917 = arith.addi %mul3A_12, %add3A_1916 : vector<16xi32>
      %gather3A_1918 = tpu.vector_load_idx %arg9[%add3A_1917] : memref<3200xf32, #tpu.memory_space<vmem>>[vector<16xi32>], vector<16xf32>,
      %add3A_1919 = arith.addf %add3A_1899, %gather3A_1918 : vector<16xf32>
      %add3A_1920 = arith.constant 160 : i32
      %add3A_1921 = vector.broadcast %add3A_1920 : i32 to vector<16xi32>
      %add3A_1922 = arith.addi %mul3A_12, %add3A_1921 : vector<16xi32>
      %gather3A_1923 = tpu.vector_load_idx %arg9[%add3A_1922] : memref<3200xf32, #tpu.memory_space<vmem>>[vector<16xi32>], vector<16xf32>,
      %add3A_1924 = arith.addf %add3A_1904, %gather3A_1923 : vector<16xf32>
      %add3A_1925 = arith.constant 161 : i32
      %add3A_1926 = vector.broadcast %add3A_1925 : i32 to vector<16xi32>
      %add3A_1927 = arith.addi %mul3A_12, %add3A_1926 : vector<16xi32>
      %gather3A_1928 = tpu.vector_load_idx %arg9[%add3A_1927] : memref<3200xf32, #tpu.memory_space<vmem>>[vector<16xi32>], vector<16xf32>,
      %add3A_1929 = arith.addf %add3A_1909, %gather3A_1928 : vector<16xf32>
      %add3A_1930 = arith.constant 162 : i32
      %add3A_1931 = vector.broadcast %add3A_1930 : i32 to vector<16xi32>
      %add3A_1932 = arith.addi %mul3A_12, %add3A_1931 : vector<16xi32>
      %gather3A_1933 = tpu.vector_load_idx %arg9[%add3A_1932] : memref<3200xf32, #tpu.memory_space<vmem>>[vector<16xi32>], vector<16xf32>,
      %add3A_1934 = arith.addf %add3A_1914, %gather3A_1933 : vector<16xf32>
      %add3A_1935 = arith.constant 163 : i32
      %add3A_1936 = vector.broadcast %add3A_1935 : i32 to vector<16xi32>
      %add3A_1937 = arith.addi %mul3A_12, %add3A_1936 : vector<16xi32>
      %gather3A_1938 = tpu.vector_load_idx %arg9[%add3A_1937] : memref<3200xf32, #tpu.memory_space<vmem>>[vector<16xi32>], vector<16xf32>,
      %add3A_1939 = arith.addf %add3A_1919, %gather3A_1938 : vector<16xf32>
      %add3A_1940 = arith.constant 164 : i32
      %add3A_1941 = vector.broadcast %add3A_1940 : i32 to vector<16xi32>
      %add3A_1942 = arith.addi %mul3A_12, %add3A_1941 : vector<16xi32>
      %gather3A_1943 = tpu.vector_load_idx %arg9[%add3A_1942] : memref<3200xf32, #tpu.memory_space<vmem>>[vector<16xi32>], vector<16xf32>,
      %add3A_1944 = arith.addf %add3A_1924, %gather3A_1943 : vector<16xf32>
      %add3A_1945 = arith.constant 165 : i32
      %add3A_1946 = vector.broadcast %add3A_1945 : i32 to vector<16xi32>
      %add3A_1947 = arith.addi %mul3A_12, %add3A_1946 : vector<16xi32>
      %gather3A_1948 = tpu.vector_load_idx %arg9[%add3A_1947] : memref<3200xf32, #tpu.memory_space<vmem>>[vector<16xi32>], vector<16xf32>,
      %add3A_1949 = arith.addf %add3A_1929, %gather3A_1948 : vector<16xf32>
      %add3A_1950 = arith.constant 166 : i32
      %add3A_1951 = vector.broadcast %add3A_1950 : i32 to vector<16xi32>
      %add3A_1952 = arith.addi %mul3A_12, %add3A_1951 : vector<16xi32>
      %gather3A_1953 = tpu.vector_load_idx %arg9[%add3A_1952] : memref<3200xf32, #tpu.memory_space<vmem>>[vector<16xi32>], vector<16xf32>,
      %add3A_1954 = arith.addf %add3A_1934, %gather3A_1953 : vector<16xf32>
      %add3A_1955 = arith.constant 167 : i32
      %add3A_1956 = vector.broadcast %add3A_1955 : i32 to vector<16xi32>
      %add3A_1957 = arith.addi %mul3A_12, %add3A_1956 : vector<16xi32>
      %gather3A_1958 = tpu.vector_load_idx %arg9[%add3A_1957] : memref<3200xf32, #tpu.memory_space<vmem>>[vector<16xi32>], vector<16xf32>,
      %add3A_1959 = arith.addf %add3A_1939, %gather3A_1958 : vector<16xf32>
      %add3A_1960 = arith.constant 168 : i32
      %add3A_1961 = vector.broadcast %add3A_1960 : i32 to vector<16xi32>
      %add3A_1962 = arith.addi %mul3A_12, %add3A_1961 : vector<16xi32>
      %gather3A_1963 = tpu.vector_load_idx %arg9[%add3A_1962] : memref<3200xf32, #tpu.memory_space<vmem>>[vector<16xi32>], vector<16xf32>,
      %add3A_1964 = arith.addf %add3A_1944, %gather3A_1963 : vector<16xf32>
      %add3A_1965 = arith.constant 169 : i32
      %add3A_1966 = vector.broadcast %add3A_1965 : i32 to vector<16xi32>
      %add3A_1967 = arith.addi %mul3A_12, %add3A_1966 : vector<16xi32>
      %gather3A_1968 = tpu.vector_load_idx %arg9[%add3A_1967] : memref<3200xf32, #tpu.memory_space<vmem>>[vector<16xi32>], vector<16xf32>,
      %add3A_1969 = arith.addf %add3A_1949, %gather3A_1968 : vector<16xf32>
      %add3A_1970 = arith.constant 170 : i32
      %add3A_1971 = vector.broadcast %add3A_1970 : i32 to vector<16xi32>
      %add3A_1972 = arith.addi %mul3A_12, %add3A_1971 : vector<16xi32>
      %gather3A_1973 = tpu.vector_load_idx %arg9[%add3A_1972] : memref<3200xf32, #tpu.memory_space<vmem>>[vector<16xi32>], vector<16xf32>,
      %add3A_1974 = arith.addf %add3A_1954, %gather3A_1973 : vector<16xf32>
      %add3A_1975 = arith.constant 171 : i32
      %add3A_1976 = vector.broadcast %add3A_1975 : i32 to vector<16xi32>
      %add3A_1977 = arith.addi %mul3A_12, %add3A_1976 : vector<16xi32>
      %gather3A_1978 = tpu.vector_load_idx %arg9[%add3A_1977] : memref<3200xf32, #tpu.memory_space<vmem>>[vector<16xi32>], vector<16xf32>,
      %add3A_1979 = arith.addf %add3A_1959, %gather3A_1978 : vector<16xf32>
      %add3A_1980 = arith.constant 172 : i32
      %add3A_1981 = vector.broadcast %add3A_1980 : i32 to vector<16xi32>
      %add3A_1982 = arith.addi %mul3A_12, %add3A_1981 : vector<16xi32>
      %gather3A_1983 = tpu.vector_load_idx %arg9[%add3A_1982] : memref<3200xf32, #tpu.memory_space<vmem>>[vector<16xi32>], vector<16xf32>,
      %add3A_1984 = arith.addf %add3A_1964, %gather3A_1983 : vector<16xf32>
      %add3A_1985 = arith.constant 173 : i32
      %add3A_1986 = vector.broadcast %add3A_1985 : i32 to vector<16xi32>
      %add3A_1987 = arith.addi %mul3A_12, %add3A_1986 : vector<16xi32>
      %gather3A_1988 = tpu.vector_load_idx %arg9[%add3A_1987] : memref<3200xf32, #tpu.memory_space<vmem>>[vector<16xi32>], vector<16xf32>,
      %add3A_1989 = arith.addf %add3A_1969, %gather3A_1988 : vector<16xf32>
      %add3A_1990 = arith.constant 174 : i32
      %add3A_1991 = vector.broadcast %add3A_1990 : i32 to vector<16xi32>
      %add3A_1992 = arith.addi %mul3A_12, %add3A_1991 : vector<16xi32>
      %gather3A_1993 = tpu.vector_load_idx %arg9[%add3A_1992] : memref<3200xf32, #tpu.memory_space<vmem>>[vector<16xi32>], vector<16xf32>,
      %add3A_1994 = arith.addf %add3A_1974, %gather3A_1993 : vector<16xf32>
      %add3A_1995 = arith.constant 175 : i32
      %add3A_1996 = vector.broadcast %add3A_1995 : i32 to vector<16xi32>
      %add3A_1997 = arith.addi %mul3A_12, %add3A_1996 : vector<16xi32>
      %gather3A_1998 = tpu.vector_load_idx %arg9[%add3A_1997] : memref<3200xf32, #tpu.memory_space<vmem>>[vector<16xi32>], vector<16xf32>,
      %add3A_1999 = arith.addf %add3A_1979, %gather3A_1998 : vector<16xf32>
      %add3A_2000 = arith.constant 176 : i32
      %add3A_2001 = vector.broadcast %add3A_2000 : i32 to vector<16xi32>
      %add3A_2002 = arith.addi %mul3A_12, %add3A_2001 : vector<16xi32>
      %gather3A_2003 = tpu.vector_load_idx %arg9[%add3A_2002] : memref<3200xf32, #tpu.memory_space<vmem>>[vector<16xi32>], vector<16xf32>,
      %add3A_2004 = arith.addf %add3A_1984, %gather3A_2003 : vector<16xf32>
      %add3A_2005 = arith.constant 177 : i32
      %add3A_2006 = vector.broadcast %add3A_2005 : i32 to vector<16xi32>
      %add3A_2007 = arith.addi %mul3A_12, %add3A_2006 : vector<16xi32>
      %gather3A_2008 = tpu.vector_load_idx %arg9[%add3A_2007] : memref<3200xf32, #tpu.memory_space<vmem>>[vector<16xi32>], vector<16xf32>,
      %add3A_2009 = arith.addf %add3A_1989, %gather3A_2008 : vector<16xf32>
      %add3A_2010 = arith.constant 178 : i32
      %add3A_2011 = vector.broadcast %add3A_2010 : i32 to vector<16xi32>
      %add3A_2012 = arith.addi %mul3A_12, %add3A_2011 : vector<16xi32>
      %gather3A_2013 = tpu.vector_load_idx %arg9[%add3A_2012] : memref<3200xf32, #tpu.memory_space<vmem>>[vector<16xi32>], vector<16xf32>,
      %add3A_2014 = arith.addf %add3A_1994, %gather3A_2013 : vector<16xf32>
      %add3A_2015 = arith.constant 179 : i32
      %add3A_2016 = vector.broadcast %add3A_2015 : i32 to vector<16xi32>
      %add3A_2017 = arith.addi %mul3A_12, %add3A_2016 : vector<16xi32>
      %gather3A_2018 = tpu.vector_load_idx %arg9[%add3A_2017] : memref<3200xf32, #tpu.memory_space<vmem>>[vector<16xi32>], vector<16xf32>,
      %add3A_2019 = arith.addf %add3A_1999, %gather3A_2018 : vector<16xf32>
      %add3A_2020 = arith.constant 180 : i32
      %add3A_2021 = vector.broadcast %add3A_2020 : i32 to vector<16xi32>
      %add3A_2022 = arith.addi %mul3A_12, %add3A_2021 : vector<16xi32>
      %gather3A_2023 = tpu.vector_load_idx %arg9[%add3A_2022] : memref<3200xf32, #tpu.memory_space<vmem>>[vector<16xi32>], vector<16xf32>,
      %add3A_2024 = arith.addf %add3A_2004, %gather3A_2023 : vector<16xf32>
      %add3A_2025 = arith.constant 181 : i32
      %add3A_2026 = vector.broadcast %add3A_2025 : i32 to vector<16xi32>
      %add3A_2027 = arith.addi %mul3A_12, %add3A_2026 : vector<16xi32>
      %gather3A_2028 = tpu.vector_load_idx %arg9[%add3A_2027] : memref<3200xf32, #tpu.memory_space<vmem>>[vector<16xi32>], vector<16xf32>,
      %add3A_2029 = arith.addf %add3A_2009, %gather3A_2028 : vector<16xf32>
      %add3A_2030 = arith.constant 182 : i32
      %add3A_2031 = vector.broadcast %add3A_2030 : i32 to vector<16xi32>
      %add3A_2032 = arith.addi %mul3A_12, %add3A_2031 : vector<16xi32>
      %gather3A_2033 = tpu.vector_load_idx %arg9[%add3A_2032] : memref<3200xf32, #tpu.memory_space<vmem>>[vector<16xi32>], vector<16xf32>,
      %add3A_2034 = arith.addf %add3A_2014, %gather3A_2033 : vector<16xf32>
      %add3A_2035 = arith.constant 183 : i32
      %add3A_2036 = vector.broadcast %add3A_2035 : i32 to vector<16xi32>
      %add3A_2037 = arith.addi %mul3A_12, %add3A_2036 : vector<16xi32>
      %gather3A_2038 = tpu.vector_load_idx %arg9[%add3A_2037] : memref<3200xf32, #tpu.memory_space<vmem>>[vector<16xi32>], vector<16xf32>,
      %add3A_2039 = arith.addf %add3A_2019, %gather3A_2038 : vector<16xf32>
      %add3A_2040 = arith.constant 184 : i32
      %add3A_2041 = vector.broadcast %add3A_2040 : i32 to vector<16xi32>
      %add3A_2042 = arith.addi %mul3A_12, %add3A_2041 : vector<16xi32>
      %gather3A_2043 = tpu.vector_load_idx %arg9[%add3A_2042] : memref<3200xf32, #tpu.memory_space<vmem>>[vector<16xi32>], vector<16xf32>,
      %add3A_2044 = arith.addf %add3A_2024, %gather3A_2043 : vector<16xf32>
      %add3A_2045 = arith.constant 185 : i32
      %add3A_2046 = vector.broadcast %add3A_2045 : i32 to vector<16xi32>
      %add3A_2047 = arith.addi %mul3A_12, %add3A_2046 : vector<16xi32>
      %gather3A_2048 = tpu.vector_load_idx %arg9[%add3A_2047] : memref<3200xf32, #tpu.memory_space<vmem>>[vector<16xi32>], vector<16xf32>,
      %add3A_2049 = arith.addf %add3A_2029, %gather3A_2048 : vector<16xf32>
      %add3A_2050 = arith.constant 186 : i32
      %add3A_2051 = vector.broadcast %add3A_2050 : i32 to vector<16xi32>
      %add3A_2052 = arith.addi %mul3A_12, %add3A_2051 : vector<16xi32>
      %gather3A_2053 = tpu.vector_load_idx %arg9[%add3A_2052] : memref<3200xf32, #tpu.memory_space<vmem>>[vector<16xi32>], vector<16xf32>,
      %add3A_2054 = arith.addf %add3A_2034, %gather3A_2053 : vector<16xf32>
      %add3A_2055 = arith.constant 187 : i32
      %add3A_2056 = vector.broadcast %add3A_2055 : i32 to vector<16xi32>
      %add3A_2057 = arith.addi %mul3A_12, %add3A_2056 : vector<16xi32>
      %gather3A_2058 = tpu.vector_load_idx %arg9[%add3A_2057] : memref<3200xf32, #tpu.memory_space<vmem>>[vector<16xi32>], vector<16xf32>,
      %add3A_2059 = arith.addf %add3A_2039, %gather3A_2058 : vector<16xf32>
      %add3A_2060 = arith.constant 188 : i32
      %add3A_2061 = vector.broadcast %add3A_2060 : i32 to vector<16xi32>
      %add3A_2062 = arith.addi %mul3A_12, %add3A_2061 : vector<16xi32>
      %gather3A_2063 = tpu.vector_load_idx %arg9[%add3A_2062] : memref<3200xf32, #tpu.memory_space<vmem>>[vector<16xi32>], vector<16xf32>,
      %add3A_2064 = arith.addf %add3A_2044, %gather3A_2063 : vector<16xf32>
      %add3A_2065 = arith.constant 189 : i32
      %add3A_2066 = vector.broadcast %add3A_2065 : i32 to vector<16xi32>
      %add3A_2067 = arith.addi %mul3A_12, %add3A_2066 : vector<16xi32>
      %gather3A_2068 = tpu.vector_load_idx %arg9[%add3A_2067] : memref<3200xf32, #tpu.memory_space<vmem>>[vector<16xi32>], vector<16xf32>,
      %add3A_2069 = arith.addf %add3A_2049, %gather3A_2068 : vector<16xf32>
      %add3A_2070 = arith.constant 190 : i32
      %add3A_2071 = vector.broadcast %add3A_2070 : i32 to vector<16xi32>
      %add3A_2072 = arith.addi %mul3A_12, %add3A_2071 : vector<16xi32>
      %gather3A_2073 = tpu.vector_load_idx %arg9[%add3A_2072] : memref<3200xf32, #tpu.memory_space<vmem>>[vector<16xi32>], vector<16xf32>,
      %add3A_2074 = arith.addf %add3A_2054, %gather3A_2073 : vector<16xf32>
      %add3A_2075 = arith.constant 191 : i32
      %add3A_2076 = vector.broadcast %add3A_2075 : i32 to vector<16xi32>
      %add3A_2077 = arith.addi %mul3A_12, %add3A_2076 : vector<16xi32>
      %gather3A_2078 = tpu.vector_load_idx %arg9[%add3A_2077] : memref<3200xf32, #tpu.memory_space<vmem>>[vector<16xi32>], vector<16xf32>,
      %add3A_2079 = arith.addf %add3A_2059, %gather3A_2078 : vector<16xf32>
      %add3A_2080 = arith.constant 192 : i32
      %add3A_2081 = vector.broadcast %add3A_2080 : i32 to vector<16xi32>
      %add3A_2082 = arith.addi %mul3A_12, %add3A_2081 : vector<16xi32>
      %gather3A_2083 = tpu.vector_load_idx %arg9[%add3A_2082] : memref<3200xf32, #tpu.memory_space<vmem>>[vector<16xi32>], vector<16xf32>,
      %add3A_2084 = arith.addf %add3A_2064, %gather3A_2083 : vector<16xf32>
      %add3A_2085 = arith.constant 193 : i32
      %add3A_2086 = vector.broadcast %add3A_2085 : i32 to vector<16xi32>
      %add3A_2087 = arith.addi %mul3A_12, %add3A_2086 : vector<16xi32>
      %gather3A_2088 = tpu.vector_load_idx %arg9[%add3A_2087] : memref<3200xf32, #tpu.memory_space<vmem>>[vector<16xi32>], vector<16xf32>,
      %add3A_2089 = arith.addf %add3A_2069, %gather3A_2088 : vector<16xf32>
      %add3A_2090 = arith.constant 194 : i32
      %add3A_2091 = vector.broadcast %add3A_2090 : i32 to vector<16xi32>
      %add3A_2092 = arith.addi %mul3A_12, %add3A_2091 : vector<16xi32>
      %gather3A_2093 = tpu.vector_load_idx %arg9[%add3A_2092] : memref<3200xf32, #tpu.memory_space<vmem>>[vector<16xi32>], vector<16xf32>,
      %add3A_2094 = arith.addf %add3A_2074, %gather3A_2093 : vector<16xf32>
      %add3A_2095 = arith.constant 195 : i32
      %add3A_2096 = vector.broadcast %add3A_2095 : i32 to vector<16xi32>
      %add3A_2097 = arith.addi %mul3A_12, %add3A_2096 : vector<16xi32>
      %gather3A_2098 = tpu.vector_load_idx %arg9[%add3A_2097] : memref<3200xf32, #tpu.memory_space<vmem>>[vector<16xi32>], vector<16xf32>,
      %add3A_2099 = arith.addf %add3A_2079, %gather3A_2098 : vector<16xf32>
      %add3A_2100 = arith.constant 196 : i32
      %add3A_2101 = vector.broadcast %add3A_2100 : i32 to vector<16xi32>
      %add3A_2102 = arith.addi %mul3A_12, %add3A_2101 : vector<16xi32>
      %gather3A_2103 = tpu.vector_load_idx %arg9[%add3A_2102] : memref<3200xf32, #tpu.memory_space<vmem>>[vector<16xi32>], vector<16xf32>,
      %add3A_2104 = arith.addf %add3A_2084, %gather3A_2103 : vector<16xf32>
      %add3A_2105 = arith.constant 197 : i32
      %add3A_2106 = vector.broadcast %add3A_2105 : i32 to vector<16xi32>
      %add3A_2107 = arith.addi %mul3A_12, %add3A_2106 : vector<16xi32>
      %gather3A_2108 = tpu.vector_load_idx %arg9[%add3A_2107] : memref<3200xf32, #tpu.memory_space<vmem>>[vector<16xi32>], vector<16xf32>,
      %add3A_2109 = arith.addf %add3A_2089, %gather3A_2108 : vector<16xf32>
      %add3A_2110 = arith.constant 198 : i32
      %add3A_2111 = vector.broadcast %add3A_2110 : i32 to vector<16xi32>
      %add3A_2112 = arith.addi %mul3A_12, %add3A_2111 : vector<16xi32>
      %gather3A_2113 = tpu.vector_load_idx %arg9[%add3A_2112] : memref<3200xf32, #tpu.memory_space<vmem>>[vector<16xi32>], vector<16xf32>,
      %add3A_2114 = arith.addf %add3A_2094, %gather3A_2113 : vector<16xf32>
      %add3A_2115 = arith.constant 199 : i32
      %add3A_2116 = vector.broadcast %add3A_2115 : i32 to vector<16xi32>
      %add3A_2117 = arith.addi %mul3A_12, %add3A_2116 : vector<16xi32>
      %gather3A_2118 = tpu.vector_load_idx %arg9[%add3A_2117] : memref<3200xf32, #tpu.memory_space<vmem>>[vector<16xi32>], vector<16xf32>,
      %add3A_2119 = arith.addf %add3A_2099, %gather3A_2118 : vector<16xf32>
      %add3A_2120 = arith.addf %add3A_2104, %add3A_2109 : vector<16xf32>
      %add3A_2121 = arith.addf %add3A_2114, %add3A_2119 : vector<16xf32>
      %add3A_2122 = arith.addf %add3A_2120, %add3A_2121 : vector<16xf32>
      %add3A_2123 = arith.addf %add3A_2122, %get3A_9 : vector<16xf32>
      %lt3A_2124 = arith.constant 0.000000e+00 : f32
      %lt3A_2125 = vector.broadcast %lt3A_2124 : f32 to vector<16xf32>
      %lt3A_2126 = arith.cmpf olt, %add3A_2123, %lt3A_2125 : vector<16xf32>
      %neg3A_2127 = arith.constant 0.000000e+00 : f32
      %neg3A_2128 = vector.broadcast %neg3A_2127 : f32 to vector<16xf32>
      %neg3A_2129 = arith.subf %neg3A_2128, %add3A_2123 : vector<16xf32>
      %select_n3A_2130 = arith.select %lt3A_2126, %add3A_2123, %neg3A_2129 : vector<16xi1>, vector<16xf32>
      %exp3A_2131 = math.exp %select_n3A_2130 : vector<16xf32>
      %add3A_2132 = arith.constant 1.000000e+00 : f32
      %add3A_2133 = vector.broadcast %add3A_2132 : f32 to vector<16xf32>
      %add3A_2134 = arith.addf %add3A_2133, %exp3A_2131 : vector<16xf32>
      %div3A_2135 = arith.divf %exp3A_2131, %add3A_2134 : vector<16xf32>
      %add3A_2136 = arith.constant 1.000000e+00 : f32
      %add3A_2137 = vector.broadcast %add3A_2136 : f32 to vector<16xf32>
      %add3A_2138 = arith.addf %add3A_2137, %exp3A_2131 : vector<16xf32>
      %div3A_2139 = arith.constant 1.000000e+00 : f32
      %div3A_2140 = vector.broadcast %div3A_2139 : f32 to vector<16xf32>
      %div3A_2141 = arith.divf %div3A_2140, %add3A_2138 : vector<16xf32>
      %select_n3A_2142 = arith.select %lt3A_2126, %div3A_2135, %div3A_2141 : vector<16xi1>, vector<16xf32>
      %mul3A_2143 = arith.constant 1.000000e+04 : f32
      %mul3A_2144 = vector.broadcast %mul3A_2143 : f32 to vector<16xf32>
      %mul3A_2145 = arith.mulf %select_n3A_2142, %mul3A_2144 : vector<16xf32>
      %add3A_2146 = arith.constant 0x4B000000 : f32
      %add3A_2147 = vector.broadcast %add3A_2146 : f32 to vector<16xf32>
      %add3A_2148 = arith.addf %mul3A_2145, %add3A_2147 : vector<16xf32>
      %sub3A_2149 = arith.constant 0x4B000000 : f32
      %sub3A_2150 = vector.broadcast %sub3A_2149 : f32 to vector<16xf32>
      %sub3A_2151 = arith.subf %add3A_2148, %sub3A_2150 : vector<16xf32>
      %div3A_2152 = arith.constant 1.000000e+04 : f32
      %div3A_2153 = vector.broadcast %div3A_2152 : f32 to vector<16xf32>
      %div3A_2154 = arith.divf %sub3A_2151, %div3A_2153 : vector<16xf32>
      %mul3A_2155 = arith.constant 16 : i32
      %mul3A_2156 = arith.muli %add3A_1095, %mul3A_2155 : i32
      %swap3A_2157 = arith.index_cast %mul3A_2156 : i32 to index
      %swap3A_2158 = tpu.vector_load %arg10[%swap3A_2157] {strides = array<i32>} : memref<512xf32, #tpu.memory_space<vmem>>, vector<16xf32>,
      tpu.vector_store %arg10[%swap3A_2157], %div3A_2154 {strides = array<i32>} : memref<512xf32, #tpu.memory_space<vmem>>, vector<16xf32>,
    }
    %scan3A_30 = arith.constant 16 : i32
    %mul3A_31 = arith.constant 512 : i32
    %mul3A_32 = arith.muli %add3A, %mul3A_31 : i32
    "tpu.region"() ({
      %run_scoped3A = tpu.sem_alloc : memref<!tpu.dma_semaphore, #tpu.memory_space<semaphore_mem>>
      %dma_start3A_33 = tpu.memref_slice %arg5[%mul3A_32] : memref<16384xf32, #tpu.memory_space<hbm>> -> memref<512xf32, #tpu.memory_space<hbm>>
      %dma_start3A_34 = tpu.memref_slice %arg5[%mul3A_32] : memref<16384xf32, #tpu.memory_space<hbm>> -> memref<512xf32, #tpu.memory_space<hbm>>
      tpu.enqueue_dma source(%arg10 : memref<512xf32, #tpu.memory_space<vmem>>) target(%dma_start3A_34 : memref<512xf32, #tpu.memory_space<hbm>>) target_semaphore(%run_scoped3A : memref<!tpu.dma_semaphore, #tpu.memory_space<semaphore_mem>>)
      %dma_wait3A = tpu.memref_slice %arg5[%mul3A_32] : memref<16384xf32, #tpu.memory_space<hbm>> -> memref<512xf32, #tpu.memory_space<hbm>>
      %dma_wait3A_35 = tpu.memref_slice %arg5[%mul3A_32] : memref<16384xf32, #tpu.memory_space<hbm>> -> memref<512xf32, #tpu.memory_space<hbm>>
      tpu.wait_dma2 semaphore(%run_scoped3A : memref<!tpu.dma_semaphore, #tpu.memory_space<semaphore_mem>>) src(%arg10 : memref<512xf32, #tpu.memory_space<vmem>>) dst(%dma_wait3A_35 : memref<512xf32, #tpu.memory_space<hbm>>)
      tpu.yield
    }) : () -> ()
    return
  }
}

module attributes {stable_mosaic.version = 14 : i64} {
  func.func @_proj_body(%arg0: i32, %arg1: memref<16x131072xf32, #tpu.memory_space<vmem>>, %arg2: memref<8x16xf32, #tpu.memory_space<vmem>>, %arg3: memref<131072xf32, #tpu.memory_space<vmem>>) attributes {dimension_semantics = [#tpu.dimension_semantics<arbitrary>], iteration_bounds = array<i64: 8>, scalar_prefetch = 0 : i64, scratch_operands = 0 : i64, tpu.core_type = #tpu.core_type<tc>, window_params = [{transform_indices = @transform_0, window_bounds = array<i64: 16, 131072>}, {pipeline_mode = #tpu.pipeline_mode<synchronous>, transform_indices = @transform_1, window_bounds = array<i64: 8, 16>}, {transform_indices = @transform_2, window_bounds = array<i64: 131072>}]} {
    %get3A = arith.constant 0 : index
    %get3A_0 = arith.constant 0 : index
    %get3A_1 = vector.load %arg2[%get3A, %get3A_0] : memref<8x16xf32, #tpu.memory_space<vmem>>, vector<8x16xf32>
    %get3A_2 = arith.constant 0 : index
    %get3A_3 = arith.constant 0 : index
    %get3A_4 = vector.load %arg1[%get3A_2, %get3A_3] : memref<16x131072xf32, #tpu.memory_space<vmem>>, vector<16x131072xf32>
    %dot_general3A = arith.constant dense<0.000000e+00> : vector<8x131072xf32>
    %dot_general3A_5 = tpu.matmul %get3A_1, %get3A_4, %dot_general3A {dimension_numbers = #tpu.dot_dimension_numbers<[1], [0], [0], [1], [0, 0, 1, 1], [], []>, transpose_lhs_hint = false} : vector<8x16xf32>, vector<16x131072xf32>, vector<8x131072xf32> -> vector<8x131072xf32>
    %slice3A = vector.extract_strided_slice %dot_general3A_5 {offsets = [0, 0], sizes = [1, 131072], strides = [1, 1]} : vector<8x131072xf32> to vector<1x131072xf32>
    %squeeze3A = vector.shape_cast %slice3A : vector<1x131072xf32> to vector<131072xf32>
    %swap3A = arith.constant 0 : index
    %swap3A_6 = vector.load %arg3[%swap3A] : memref<131072xf32, #tpu.memory_space<vmem>>, vector<131072xf32>
    tpu.vector_store %arg3[%swap3A], %squeeze3A {strides = array<i32>} : memref<131072xf32, #tpu.memory_space<vmem>>, vector<131072xf32>,
    return
  }
  func.func @transform_0(%arg0: i32) -> (i32, i32) {
    %c0_i32 = arith.constant 0 : i32
    %c0_i32_0 = arith.constant 0 : i32
    return %c0_i32, %arg0 : i32, i32
  }
  func.func @transform_1(%arg0: i32) -> (i32, i32) {
    %c0_i32 = arith.constant 0 : i32
    %c0_i32_0 = arith.constant 0 : i32
    %c0_i32_1 = arith.constant 0 : i32
    return %c0_i32, %c0_i32_0 : i32, i32
  }
  func.func @transform_2(%arg0: i32) -> i32 {
    %c0_i32 = arith.constant 0 : i32
    return %arg0 : i32
  }
}

</mosaic_0001>

<sc_bundles>
// kernel: kernel.4.cloned.1.call-start
scs
__scs_entry_jumppad:
0x0: {  	(pc) =	sbr.rel $0x88, $3  }
0x1: {  	(tag) =	ssettag $0x0;
	lr =	simm.s32 $0x1  }
0x2: {  	[smem:$0x3F9D] =	sst lr;
	_ =	strace $0xD0000000  }
0x3: {  	_ = 	snop  }
0x4: {  	_ = 	snop  }
0x5: {  	_ = 	snop  }
0x6: {  	_ = 	snop  }
0x7: {  	_ = 	snop  }
__scs_overlays_trampoline_lowered:
0x8: {  	[smem:$0x3FAC] =	sst s0  }
0x9: {  	[smem:$0x3FAD] =	sst s1  }
0xa: {  	[smem:$0x3FAE] =	sst s2  }
0xb: {  	[smem:$0x3FAF] =	sst s3  }
0xc: {  	[smem:$0x3FB0] =	sst s4  }
0xd: {  	[smem:$0x3FB1] =	sst s5  }
0xe: {  	[smem:$0x3FB2] =	sst s6  }
0xf: {  	[smem:$0x3FB3] =	sst s7  }
0x10: {  	[smem:$0x3FB4] =	sst s8  }
0x11: {  	[smem:$0x3FB5] =	sst s9;
	s0 =	simm.s32 @!p0 $0x0  }
0x12: {  	s1 =	sld [smem:$0x3F9B];
	s0 =	simm.s32 @p0 $0x1  }
0x13: {  	[smem:$0x3FB6] =	sst s0;
	s0 =	simm.s32 @!p1 $0x0  }
0x14: {  	s2 =	sld [smem:$0x3F9A];
	s0 =	simm.s32 @p1 $0x1  }
0x15: {  	[smem:$0x3FB7] =	sst s0;
	s0 =	simm.s32 @!p2 $0x0  }
0x16: {  	s3 =	sld [smem:$0x3FDB];
	s0 =	simm.s32 @p2 $0x1  }
0x17: {  	s4 =	simm.s32 $0x1BF5;
	[smem:$0x3FB9] =	sst s0  }
0x18: {  	s0 =	sld [smem:$0x3F9C];
	_ =	swait.ge [sflag:s4], $0x0  }
0x19: {  	s7 =	sld [smem:$0x3F9D]  }
0x1a: {  	s8 =	sadd.s32 $0xFFFFE003, lr  }
0x1b: {  	s9 =	sadd.s32 $0xFFFFFEF7, lr;
	s5 =	simm.s32 $0xFFFFFFFF;
	p2 =	slt.u32 s8, $0xFFFFF086  }
0x1c: {  	p1 =	slt.u32 s9, $0xF7A;
	s5 =	simm.s32 @!p2 $0x0  }
0x1d: {  	s5 =	simm.s32 @p1 $0x1;
	p0 =	seq.s32 s7, s2  }
0x1e: {  	s7 =	smul.u32 @!p0 $0xF7A, s2;
	p2 =	seq.s32 @!p0 s5, $0x0  }
0x1f: {  	s9 =	smul.u32 $0xF7A, s1;
	s8 =	simm.s32 @!p0 $0x1BF5;
	p2 =	por !p2, p0  }
0x20: {  	[sflag:s8] =	ssyncset.s32 @!p0 $0xFFFFF086;
	s6 =	sadd.s32 @!p0 s3, s7;
	s7 =	simm.s32 @!p0 $0x108  }
0x21: {  	s3 =	sadd.s32 s3, s9;
	s6 =	sadd.s32 @!p0 $0x88, s6;
	s7 =	simm.s32 @p2 $0x1082  }
0x22: {  	[simem:s7], [sflag:s8] =	dma.local @!p0 [hbm:s6], $0xF7A  }
0x23: {  	s9 =	sor.u32 $0xD0000000, s2;
	s6 =	simm.s32 $0x108;
	_ =	swait.ge @!p0 [sflag:s8], $0x0  }
0x24: {  	s3 =	sadd.s32 $0x88, s3;
	s6 =	simm.s32 @!p1 $0x1082;
	[sflag:s4] =	ssyncset.s32 $0xFFFFF086  }
0x25: {  	[simem:s6], [sflag:s4] =	dma.local [hbm:s3], $0xF7A  }
0x26: {  	[smem:$0x3F9D] =	sst s1;
	(tag) =	ssettag s2;
	_ =	strace s9  }
0x27: {  	s1 =	sld [smem:$0x3FAD]  }
0x28: {  	s2 =	sld [smem:$0x3FAE]  }
0x29: {  	s4 =	sld [smem:$0x3FB0]  }
0x2a: {  	p0 =	seq.s32 s5, $0x0;
	s5 =	sld [smem:$0x3FB1]  }
0x2b: {  	s6 =	sld [smem:$0x3FB2]  }
0x2c: {  	s7 =	sld [smem:$0x3FB3]  }
0x2d: {  	s3 =	simm.s32 $0x108;
	s8 =	sld [smem:$0x3FB4]  }
0x2e: {  	s3 =	simm.s32 @!p0 $0x1082;
	s9 =	sld [smem:$0x3FB5]  }
0x2f: {  	lr =	sadd.s32 s0, s3;
	s0 =	sld [smem:$0x3FAC]  }
0x30: {  	s3 =	sld [smem:$0x3FAF]  }
0x31: {  	[smem:$0x3FB8] =	sst s10  }
0x32: {  	s10 =	sld [smem:$0x3FB6];
	_ =	sdelay $0x3  }
0x33: {  	p0 =	seq.s32 s10, $0x1;
	s10 =	sld [smem:$0x3FB8];
	_ =	sdelay $0x3  }
0x34: {  	[smem:$0x3FB8] =	sst s10  }
0x35: {  	s10 =	sld [smem:$0x3FB7];
	_ =	sdelay $0x3  }
0x36: {  	p1 =	seq.s32 s10, $0x1;
	s10 =	sld [smem:$0x3FB8];
	_ =	sdelay $0x3  }
0x37: {  	[smem:$0x3FB8] =	sst s10  }
0x38: {  	s10 =	sld [smem:$0x3FB9]  }
0x39: {  	_ = 	snop;
	(pc) =	sbr.ind lr, $3  }
0x3a: {  	_ = 	snop  }
0x3b: {  	_ = 	snop  }
0x3c: {  	p2 =	seq.s32 s10, $0x1;
	s10 =	sld [smem:$0x3FB8]  }
0x3d: {  	_ =	shalt  }
0x3e: {  	_ =	shalt  }
0x3f: {  	_ =	shalt  }
0x40: {  	_ =	shalt  }
0x41: {  	_ =	shalt  }
0x42: {  	_ =	shalt  }
0x43: {  	_ =	shalt  }
0x44: {  	_ =	shalt  }
0x45: {  	_ =	shalt  }
0x46: {  	_ =	shalt  }
0x47: {  	_ =	shalt  }
0x48: {  	_ =	shalt  }
0x49: {  	_ =	shalt  }
0x4a: {  	_ =	shalt  }
0x4b: {  	_ =	shalt  }
0x4c: {  	_ =	shalt  }
0x4d: {  	_ =	shalt  }
0x4e: {  	_ =	shalt  }
0x4f: {  	_ =	shalt  }
0x50: {  	_ =	shalt  }
0x51: {  	_ =	shalt  }
0x52: {  	_ =	shalt  }
0x53: {  	_ =	shalt  }
0x54: {  	_ =	shalt  }
0x55: {  	_ =	shalt  }
0x56: {  	_ =	shalt  }
0x57: {  	_ =	shalt  }
0x58: {  	_ =	shalt  }
0x59: {  	_ =	shalt  }
0x5a: {  	_ =	shalt  }
0x5b: {  	_ =	shalt  }
0x5c: {  	_ =	shalt  }
0x5d: {  	_ =	shalt  }
0x5e: {  	_ =	shalt  }
0x5f: {  	_ =	shalt  }
0x60: {  	_ =	shalt  }
0x61: {  	_ =	shalt  }
0x62: {  	_ =	shalt  }
0x63: {  	_ =	shalt  }
0x64: {  	_ =	shalt  }
0x65: {  	_ =	shalt  }
0x66: {  	_ =	shalt  }
0x67: {  	_ =	shalt  }
0x68: {  	_ =	shalt  }
0x69: {  	_ =	shalt  }
0x6a: {  	_ =	shalt  }
0x6b: {  	_ =	shalt  }
0x6c: {  	_ =	shalt  }
0x6d: {  	_ =	shalt  }
0x6e: {  	_ =	shalt  }
0x6f: {  	_ =	shalt  }
0x70: {  	_ =	shalt  }
0x71: {  	_ =	shalt  }
0x72: {  	_ =	shalt  }
0x73: {  	_ =	shalt  }
0x74: {  	_ =	shalt  }
0x75: {  	_ =	shalt  }
0x76: {  	_ =	shalt  }
0x77: {  	_ =	shalt  }
0x78: {  	_ =	shalt  }
0x79: {  	_ =	shalt  }
0x7a: {  	_ =	shalt  }
0x7b: {  	_ =	shalt  }
0x7c: {  	_ =	shalt  }
0x7d: {  	_ =	shalt  }
0x7e: {  	_ =	shalt  }
0x7f: {  	_ =	shalt  }
0x80: {  	_ =	shalt  }
0x81: {  	_ =	shalt  }
0x82: {  	_ =	shalt  }
0x83: {  	_ =	shalt  }
0x84: {  	_ =	shalt  }
0x85: {  	_ =	shalt  }
0x86: {  	_ =	shalt  }
0x87: {  	_ =	shalt  }
.Lfunc_end0:
.L_simem_size_0:
called_computation_lowered:
.L_overlay_start_0:
0x88: {  	s2 =	sld [smem:$0x3FD9]  }
0x89: {  	s3 =	sld [smem:$0x3FFE];
	_ =	sdelay $0x1  }
0x8a: {  	s1 =	srdreg.scid  }
0x8b: {  	s0 =	sand.u32 $0x1, s1  }
0x8c: {  	s17 =	sshll.u32 s0, $0xA;
	s2 =	sadd.s32 s3, s2  }
0x8d: {  	s2 =	sadd.s32 s2, s17  }
0x8e: {  	[smem:$0x3FC4] =	sst s2  }
0x8f: {  	_ = 	snop  }
0x90: {  	s2 =	sld [smem:$0x3FD0];
	(tm) =	ssettm $0x1  }
0x91: {  	s18 =	sld [smem:$0x3FFB];
	_ =	sdelay $0x3  }
0x92: {  	_ =	strace s18  }
0x93: {  	s3 =	sld [smem:$0x3FFC];
	_ =	sdelay $0x3  }
0x94: {  	_ =	strace s3  }
0x95: {  	s3 =	sld [smem:$0x3FFD];
	_ =	sdelay $0x3  }
0x96: {  	_ =	strace s3  }
0x97: {  	_ =	strace $0x8FFFFFFF  }
0x98: {  	s19 =	sld [smem:$0x3FDB];
	_ =	sdelay $0x1  }
0x99: {  	s4 =	simm.s32 $_scs_section_size  }
0x9a: {  	s5 =	simm.s32 $_size__tile_overlayer_lowered;
	s6 =	simm.s32 $_tile_overlayer_lowered  }
0x9b: {  	s22 =	simm.s32 $0x1BFF;
	s21 =	sshll.u32 s6, $0x1;
	s3 =	sadd.s32 s4, s19  }
0x9c: {  	s7 =	simm.s32 $0x0;
	s20 =	sshll.u32 s5, $0x1;
	s5 =	sadd.s32 s21, s3  }
0x9d: {  	[timem:s7], [sflag:s22] =	dma.local [hbm:s5], s20  }
0x9e: {  	_ =	swait.ge [sflag:s22], s20  }
0x9f: {  	s4 =	ssub.s32 $0x0, s20;
	[sflag:s22] =	ssyncset.done $0x0  }
0xa0: {  	[sflag:s22] =	ssyncadd.s32 s4;
	_ =	sdelay $0x1  }
0xa1: {  	s23 =	simm.s32 $0x1B8B  }
0xa2: {  	_ =	swait.ge [sflag:s23], $0x1  }
0xa3: {  	[sflag:s23] =	ssyncset.done $0x0  }
0xa4: {  	s25 =	simm.s32 $0x1B8E;
	s24 =	sld [smem:$0x3FFE];
	[sflag:s23] =	ssyncadd.s32 $0xFFFFFFFF  }
0xa5: {  	s26 =	simm.s32 $execute0_lowered;
	[smem:$0x3FD2] =	sst s25  }
0xa6: {  	s5 =	sshll.u32 s26, $0x1;
	_ =	strace $0x80000046;
	[dreg:$0x1] =	wrdreg $0xFFFFFFFF  }
0xa7: {  	s28 =	simm.s32 $_size_execute0_lowered;
	s3 =	sadd.s32 s3, s5;
	[dreg:$0x0] =	wrdreg $0x0  }
0xa8: {  	s5 =	sshll.u32 s28, $0x1;
	[dreg:$0x2] =	wrdreg s3  }
0xa9: {  	[dreg:$0x3] =	wrdreg s5  }
0xaa: {  	[dreg:$0x4] =	wrdreg $0xC0  }
0xab: {  	_ =	task [dreg:s7], $0x5FFFF  }
0xac: {  	[dreg:$0x1] =	wrdreg $0xFFFFFFFF  }
0xad: {  	[dreg:$0x0] =	wrdreg $0x60  }
0xae: {  	[dreg:$0x2] =	wrdreg s24  }
0xaf: {  	[dreg:$0x3] =	wrdreg s2  }
0xb0: {  	[dreg:$0x4] =	wrdreg $0x34800  }
0xb1: {  	[dreg:$0x5] =	wrdreg $0x9  }
0xb2: {  	_ =	task.clear_ibuf [dreg:s7], $0x6FFFF;
	_ =	strace $0x90000046  }
0xb3: {  	s29 =	simm.s32 $0x9;
	_ =	strace $0x80000048  }
0xb4: {  	_ =	swait.ge [sflag:s29], $0x1  }
0xb5: {  	[sflag:s29] =	ssyncadd.s32 $0xFFFFFFFF  }
0xb6: {  	_ =	strace $0x90000048  }
0xb7: {  	_ =	sfence  }
0xb8: {  	s30 =	sld [smem:$0x0];
	_ =	sdelay $0x2  }
0xb9: {  	s31 =	sshll.u32 s1, $0xD;
	s1 =	sshrl.u32 s1, $0x2  }
0xba: {  	s3 =	sand.u32 $0x4000, s31;
	s1 =	sadd.s32 s1, s30  }
0xbb: {  	s0 =	sor.u32 s3, s0;
	s1 =	sshll.u32 s1, $0x11  }
0xbc: {  	s0 =	sor.u32 s1, s0  }
0xbd: {  	s0 =	sadd.s32 $0x8F2B, s0  }
0xbe: {  	[sflag:s0] =	ssyncadd.remote.s32 $0x1  }
0xbf: {  	_ =	sfence.sel $0xFFFF  }
0xc0: {  	[dreg:$0x0] =	wrdreg $0xFFFFFFFF;
	(pc) =	sbr.abs _section_cstart, $3  }
0xc1: {  	[dreg:$0x1] =	wrdreg $0xFFFFFFFF  }
0xc2: {  	_ =	task.clear_ibuf [dreg:s7], $0x2FFFF;
	_ =	strace $0x9FFFFFFF  }
0xc3: {  	(tm) =	ssettm $0x7FFFFFFF  }
tec
execute0_lowered:
.L_overlay_start_1:
0x0: {  	(tag) =	ssettag $0x1  }
0x1: {  	v0 =	vlaneseq.u32  }
0x2: {  	s9 =	rddreg [dreg:$0x0];
	v0 =	vmul.u32 $0xC8, v0  }
0x3: {  	s13 =	rddreg [dreg:$0x1];
	s2 =	simm.s32 $0x0  }
0x4: {  	[smem:$0x7FF] =	sst s2;
	v2 =	vadd.s32 $0x36, v0  }
0x5: {  	s1 =	rddreg [dreg:$0x2];
	v1 =	vimm.f32 $1.000000000e+04;
	_ =	strace $0x80000047;
	v21 =	vadd.s32 $0x3B, v0;
	[tilespmem:$0x1FC20] =	vst v2  }
0x6: {  	(erf) = vrcp.f32 v1;
	v1 =	vor.u32 $0x1, v0;
	[tilespmem:$0x1FC70] =	vst v21  }
0x7: {  	v3 =	vor.u32 $0x2, v0;
	[tilespmem:$0x1FCA0] =	vst v1  }
0x8: {  	v4 =	vor.u32 $0x3, v0;
	[tilespmem:$0x1FCB0] =	vst v3  }
0x9: {  	v5 =	vor.u32 $0x4, v0;
	[tilespmem:$0x1FCC0] =	vst v4  }
0xa: {  	v6 =	vor.u32 $0x5, v0;
	[tilespmem:$0x1FCD0] =	vst v5  }
0xb: {  	v7 =	vor.u32 $0x6, v0;
	[tilespmem:$0x1FCE0] =	vst v6  }
0xc: {  	v8 =	vor.u32 $0x7, v0;
	[tilespmem:$0x1FCF0] =	vst v7  }
0xd: {  	v9 =	vadd.s32 $0x8, v0;
	[tilespmem:$0x1FD00] =	vst v8  }
0xe: {  	v10 =	vadd.s32 $0x9, v0;
	[tilespmem:$0x1FD10] =	vst v9  }
0xf: {  	v11 =	vadd.s32 $0xA, v0;
	[tilespmem:$0x1FD20] =	vst v10  }
0x10: {  	v12 =	vadd.s32 $0xB, v0;
	[tilespmem:$0x1FD30] =	vst v11  }
0x11: {  	v13 =	vadd.s32 $0xC, v0;
	[tilespmem:$0x1FD40] =	vst v12  }
0x12: {  	v14 =	vadd.s32 $0xD, v0;
	[tilespmem:$0x1FD50] =	vst v13  }
0x13: {  	v15 =	vadd.s32 $0xE, v0;
	[tilespmem:$0x1FD60] =	vst v14  }
0x14: {  	v16 =	vadd.s32 $0xF, v0;
	[tilespmem:$0x1FD70] =	vst v15  }
0x15: {  	v17 =	vadd.s32 $0x10, v0;
	[tilespmem:$0x1FD80] =	vst v16  }
0x16: {  	v18 =	vadd.s32 $0x11, v0;
	[tilespmem:$0x1FD90] =	vst v17  }
0x17: {  	v19 =	vadd.s32 $0x12, v0;
	[tilespmem:$0x1FDA0] =	vst v18  }
0x18: {  	v20 =	vadd.s32 $0x13, v0;
	[tilespmem:$0x1FDB0] =	vst v19  }
0x19: {  	v22 =	vadd.s32 $0x14, v0;
	[tilespmem:$0x1FDC0] =	vst v20  }
0x1a: {  	v23 =	vadd.s32 $0x15, v0;
	[tilespmem:$0x1FDD0] =	vst v22  }
0x1b: {  	v24 =	vadd.s32 $0x16, v0;
	[tilespmem:$0x1FDE0] =	vst v23  }
0x1c: {  	v25 =	vadd.s32 $0x17, v0;
	[tilespmem:$0x1FDF0] =	vst v24  }
0x1d: {  	v26 =	vadd.s32 $0x18, v0;
	[tilespmem:$0x1FE00] =	vst v25  }
0x1e: {  	v28 =	vadd.s32 $0x19, v0;
	[tilespmem:$0x1FE10] =	vst v26  }
0x1f: {  	v29 =	vadd.s32 $0x1A, v0;
	[tilespmem:$0x1FE20] =	vst v28  }
0x20: {  	v31 =	vadd.s32 $0x1B, v0;
	[tilespmem:$0x1FE30] =	vst v29  }
0x21: {  	v32 =	vadd.s32 $0x1C, v0;
	[tilespmem:$0x1FE40] =	vst v31  }
0x22: {  	v33 =	vadd.s32 $0x1D, v0;
	[tilespmem:$0x1FE50] =	vst v32  }
0x23: {  	v34 =	vadd.s32 $0x1E, v0;
	[tilespmem:$0x1FE60] =	vst v33  }
0x24: {  	v36 =	vadd.s32 $0x1F, v0;
	[tilespmem:$0x1FE70] =	vst v34  }
0x25: {  	v37 =	vadd.s32 $0x20, v0;
	[tilespmem:$0x1FE80] =	vst v36  }
0x26: {  	v38 =	vadd.s32 $0x21, v0;
	[tilespmem:$0x1FE90] =	vst v37  }
0x27: {  	v40 =	vadd.s32 $0x22, v0;
	[tilespmem:$0x1FEA0] =	vst v38  }
0x28: {  	v41 =	vadd.s32 $0x23, v0;
	[tilespmem:$0x1FEB0] =	vst v40  }
0x29: {  	v42 =	vadd.s32 $0x24, v0;
	[tilespmem:$0x1FEC0] =	vst v41  }
0x2a: {  	v44 =	vadd.s32 $0x25, v0;
	[tilespmem:$0x1FED0] =	vst v42  }
0x2b: {  	v46 =	vadd.s32 $0x26, v0;
	[tilespmem:$0x1FEE0] =	vst v44  }
0x2c: {  	v47 =	vadd.s32 $0x27, v0;
	[tilespmem:$0x1FEF0] =	vst v46  }
0x2d: {  	v48 =	vadd.s32 $0x28, v0;
	[tilespmem:$0x1FF00] =	vst v47  }
0x2e: {  	v49 =	vadd.s32 $0x29, v0;
	[tilespmem:$0x1FF10] =	vst v48  }
0x2f: {  	v50 =	vadd.s32 $0x2A, v0;
	[tilespmem:$0x1FF20] =	vst v49  }
0x30: {  	v52 =	vadd.s32 $0x2B, v0;
	[tilespmem:$0x1FF30] =	vst v50  }
0x31: {  	v53 =	vadd.s32 $0x2C, v0;
	[tilespmem:$0x1FF40] =	vst v52  }
0x32: {  	v55 =	vadd.s32 $0x2D, v0;
	[tilespmem:$0x1FF50] =	vst v53  }
0x33: {  	v56 =	vadd.s32 $0x2E, v0;
	[tilespmem:$0x1FF60] =	vst v55  }
0x34: {  	v57 =	vadd.s32 $0x2F, v0;
	[tilespmem:$0x1FF70] =	vst v56  }
0x35: {  	s4 =	srdreg.scid;
	s3 =	stileid.u32;
	s20 =	simm.s32 $0x1900;
	v58 =	vadd.s32 $0x30, v0;
	[tilespmem:$0x1FF80] =	vst v57  }
0x36: {  	s21 =	simm.s32 $0x4;
	s22 =	simm.s32 $0x2580;
	s23 =	simm.s32 $0x1;
	v59 =	vadd.s32 $0x31, v0;
	[tilespmem:$0x1FF90] =	vst v58  }
0x37: {  	s24 =	simm.s32 $0x3200;
	s25 =	simm.s32 $0x0;
	s14 =	sand.u32 $0x1, s4;
	v60 =	vadd.s32 $0x32, v0;
	[tilespmem:$0x1FFA0] =	vst v59  }
0x38: {  	s15 =	sadd.s32 $0x800, s9;
	s6 =	smul.u32 $0xFA00, s3;
	s7 =	sadd.s32 $0x64800, s9;
	v61 =	vadd.s32 $0x33, v0;
	[tilespmem:$0x1FFB0] =	vst v60  }
0x39: {  	s4 =	sadd.s32 $0x83200, s9;
	s29 =	sshll.u32 s3, $0x1;
	s9 =	sadd.s32 $0x82C60, s9;
	v62 =	vadd.s32 $0x34, v0;
	[tilespmem:$0x1FFC0] =	vst v61  }
0x3a: {  	s18 =	smul.u32 $0x6400, s3;
	p0 =	seq.s32 s3, $0xF;
	s5 =	ssub.s32 $0x2, s14;
	v63 =	vadd.s32 $0x35, v0;
	[tilespmem:$0x1FFD0] =	vst v62  }
0x3b: {  	s17 =	sor.u32 s14, s29;
	s19 =	smul.u32 $0x3200, s14;
	s8 =	sshrl.u32 s5, $0x1;
	v2 =	vadd.s32 $0x37, v0;
	[tilespmem:$0x1FFE0] =	vst v63  }
0x3c: {  	s30 =	sshrl.u32 s6, $0x3;
	s31 =	sadd.s32 $0x7D00, s6;
	s6 =	sadd.s32 s6, s1;
	[tilespmem:$0x1FC30] =	vst v2;
	v2 =	vadd.s32 $0x38, v0  }
0x3d: {  	s11 =	smul.u32 $0x3200, s17;
	s17 =	sshll.u32 s17, $0x6;
	s16 =	ssub.s32 s5, s8;
	[tilespmem:$0x1FC40] =	vst v2;
	v2 =	vadd.s32 $0x39, v0  }
0x3e: {  	s5 =	sadd.s32 s7, s30;
	s10 =	sshrl.u32 s31, $0x3;
	s8 =	sadd.s32 s31, s1;
	v21 =	vadd.s32 $0x3C, v0;
	[tilespmem:$0x1FC50] =	vst v2;
	v2 =	vadd.s32 $0x3A, v0  }
0x3f: {  	s13 =	sadd.s32 s13, s17;
	s17 =	simm.s32 $0x5;
	s7 =	sadd.s32 s7, s10;
	[tilespmem:$0x1FC80] =	vst v21;
	v21 =	vadd.s32 $0x3D, v0  }
0x40: {  	s10 =	sadd.s32 $0xF2300, s1;
	s11 =	sadd.s32 s15, s11;
	s14 =	smax.u32 s16, $0x1;
	[tilespmem:$0x1FC90] =	vst v21  }
0x41: {  	s15 =	sadd.s32 s18, s15;
	s16 =	simm.s32 $0x128A8;
	s18 =	simm.s32 $0x3400;
	[tilespmem:$0x1FC60] =	vst v2;
	v2 =	vpop (erf)  }
0x42: {  	s12 =	sadd.s32 $0x190, s11;
	s15 =	sadd.s32 s19, s15;
	s19 =	simm.s32 $0xC80;
	[tilespmem:$0x1FFF0] =	vst v2  }
.LBB2_1:
0x43: {  	[tilespmem:s16], [sflag:$0x5] =	stream.linear.gather [hbm4b:s5+s2], $0x7D00, $0x38;
	[tilespmem:$0x1A5A8] =	vst v63  }
0x44: {  	_ =	swait.ge [sflag:s17], $0x7D00  }
0x45: {  	[sflag:s17] =	ssyncset.done $0x0  }
0x46: {  	[sflag:s17] =	ssyncadd.s32 $0xFFFF8300  }
0x47: {  	[spmem:s6] =	stream.linear.scatter [tilespmem:s16], [sflag:$0x5], $0x7D00, $0x38;
	[tilespmem:$0x1A5A8] =	vst v63  }
0x48: {  	_ =	swait.ge [sflag:s17], $0x7D00  }
0x49: {  	[sflag:s17] =	ssyncset.done $0x0  }
0x4a: {  	s26 =	simm.s32 @p0 $0x0;
	s28 =	simm.s32 @p0 $0x128A8;
	[sflag:s17] =	ssyncadd.s32 $0xFFFF8300  }
0x4b: {  	[tilespmem:s28], [sflag:$0x5] =	stream.linear.gather @p0 [hbm4b:s9+s26], $0x1F40, $0x38;
	[tilespmem:$0x1A5A8] =	vst v63  }
0x4c: {  	s26 =	simm.s32 @p0 $0x5  }
0x4d: {  	_ =	swait.ge @p0 [sflag:s26], $0x1F40  }
0x4e: {  	[sflag:s26] =	ssyncset.done @p0 $0x0  }
0x4f: {  	[sflag:s26] =	ssyncadd.s32 @p0 $0xFFFFE0C0  }
0x50: {  	[spmem:s10] =	stream.linear.scatter @p0 [tilespmem:s28], [sflag:$0x5], $0x1F40, $0x38;
	[tilespmem:$0x1A5A8] =	vst v63  }
0x51: {  	_ =	swait.ge @p0 [sflag:s26], $0x1F40  }
0x52: {  	[sflag:s26] =	ssyncset.done @p0 $0x0  }
0x53: {  	s28 =	simm.s32 @!p0 $0x128A8;
	[sflag:s26] =	ssyncadd.s32 @p0 $0xFFFFE0C0;
	s26 =	simm.s32 @!p0 $0x0  }
0x54: {  	[tilespmem:s28], [sflag:$0x5] =	stream.linear.gather @!p0 [hbm4b:s7+s26], $0x7D00, $0x38;
	[tilespmem:$0x1A5A8] =	vst v63  }
0x55: {  	s26 =	simm.s32 @!p0 $0x5  }
0x56: {  	_ =	swait.ge @!p0 [sflag:s26], $0x7D00  }
0x57: {  	[sflag:s26] =	ssyncset.done @!p0 $0x0  }
0x58: {  	[sflag:s26] =	ssyncadd.s32 @!p0 $0xFFFF8300  }
0x59: {  	[spmem:s8] =	stream.linear.scatter @!p0 [tilespmem:s28], [sflag:$0x5], $0x7D00, $0x38;
	[tilespmem:$0x1A5A8] =	vst v63  }
0x5a: {  	_ =	swait.ge @!p0 [sflag:s26], $0x7D00  }
0x5b: {  	[sflag:s26] =	ssyncset.done @!p0 $0x0  }
0x5c: {  	[sflag:s26] =	ssyncadd.s32 @!p0 $0xFFFF8300  }
0x5d: {  	[tilespmem:s18], [sflag:$0x5] =	stream.linear.gather [hbm4b:s4+s2], $0x80, $0x38;
	[tilespmem:$0x1A5A8] =	vst v63  }
0x5e: {  	_ =	swait.ge [sflag:s17], $0x80  }
0x5f: {  	[sflag:s17] =	ssyncset.done $0x0  }
0x60: {  	[sflag:s17] =	ssyncadd.s32 $0xFFFFFF80  }
0x61: {  	v21 =	vld [tilespmem:$0x3400];
	_ =	sdelay $0x4  }
0x62: {  	[tilespmem:$0x1FC10] =	vst v21  }
0x63: {  	[bflag:$0x0] =	sbarrier.arrive $0xFFFF  }
0x64: {  	[tilespmem:s2], [sflag:$0x5] =	stream.linear.gather [hbm4b:s11+s2], $0xC80, $0x38;
	[tilespmem:$0x1A5A8] =	vst v63  }
0x65: {  	_ =	swait.ge [sflag:s17], $0xC80  }
0x66: {  	[sflag:s17] =	ssyncset.done $0x0  }
0x67: {  	[sflag:s17] =	ssyncadd.s32 $0xFFFFF380  }
0x68: {  	[tilespmem:s20], [sflag:$0x1] =	stream.indirect.gather [spmem:s1], $0x1, s2, s19, $0xb8;
	[tilespmem:$0x1A5A8] =	vst v63  }
0x69: {  	s28 =	simm.s32 $0x0;
	s26 =	simm.s32 $0x3210  }
0x6a: {  	[tilespmem:s19], [sflag:$0x4] =	stream.linear.gather [hbm4b:s12+s2], $0xC80, $0x38;
	[tilespmem:$0x1A5A8] =	vst v63  }
.LBB2_2:
0x6b: {  	_ =	swait.ge [sflag:s21], $0xC80  }
0x6c: {  	[sflag:s21] =	ssyncset.done $0x0  }
0x6d: {  	[sflag:s21] =	ssyncadd.s32 $0xFFFFF380  }
0x6e: {  	[tilespmem:s22], [sflag:$0x2] =	stream.indirect.gather [spmem:s1], $0x1, s19, s19, $0xb8;
	[tilespmem:$0x1A5A8] =	vst v63  }
0x6f: {  	p1 =	seq.s32 s28, $0x2EE0;
	_ =	swait.ge [sflag:s23], $0xC80  }
0x70: {  	s29 =	sadd.s32 @!p1 s28, s15;
	[sflag:s23] =	ssyncset.done $0x0  }
0x71: {  	s30 =	simm.s32 @!p1 $0x0;
	s29 =	sadd.s32 @!p1 $0x320, s29;
	[sflag:s23] =	ssyncadd.s32 $0xFFFFF380  }
0x72: {  	[tilespmem:s30], [sflag:$0x3] =	stream.linear.gather @!p1 [hbm4b:s29+s30], $0xC80, $0x38;
	[tilespmem:$0x1A5A8] =	vst v63  }
0x73: {  	v19 =	vld.idx.msk [tilespmem:v1+s20+$0x0], $0xffff  }
0x74: {  	v1 =	vld [tilespmem:$0x1FCC0];
	_ =	sdelay $0x2  }
0x75: {  	v54 =	vld.idx.msk [tilespmem:v0+s20+$0x0], $0xffff  }
0x76: {  	v51 =	vld.idx.msk [tilespmem:v3+s20+$0x0], $0xffff  }
0x77: {  	v45 =	vld.idx.msk [tilespmem:v5+s20+$0x0], $0xffff  }
0x78: {  	v27 =	vld.idx.msk [tilespmem:v6+s20+$0x0], $0xffff  }
0x79: {  	v43 =	vld.idx.msk [tilespmem:v7+s20+$0x0], $0xffff  }
0x7a: {  	v21 =	vld.idx.msk [tilespmem:v1+s20+$0x0], $0xffff  }
0x7b: {  	v30 =	vld.idx.msk [tilespmem:v8+s20+$0x0], $0xffff  }
0x7c: {  	v1 =	vld [tilespmem:$0x1FDB0];
	_ =	sdelay $0x1  }
0x7d: {  	v39 =	vld.idx.msk [tilespmem:v9+s20+$0x0], $0xffff  }
0x7e: {  	v9 =	vld.idx.msk [tilespmem:v10+s20+$0x0], $0xffff  }
0x7f: {  	v10 =	vld.idx.msk [tilespmem:v12+s20+$0x0], $0xffff  }
0x80: {  	v12 =	vld.idx.msk [tilespmem:v13+s20+$0x0], $0xffff  }
0x81: {  	v13 =	vld.idx.msk [tilespmem:v16+s20+$0x0], $0xffff  }
0x82: {  	v16 =	vld.idx.msk [tilespmem:v17+s20+$0x0], $0xffff  }
0x83: {  	v17 =	vld.idx.msk [tilespmem:v1+s20+$0x0], $0xffff  }
0x84: {  	v1 =	vld.idx.msk [tilespmem:v60+s20+$0x0], $0xffff;
	_ =	sdelay $0x4  }
0x85: {  	[tilespmem:$0x1ED90] =	vst v1;
	v1 =	vld [tilespmem:$0x1FC20];
	_ =	sdelay $0x7  }
0x86: {  	v1 =	vld.idx.msk [tilespmem:v1+s20+$0x0], $0xffff;
	_ =	sdelay $0x4  }
0x87: {  	[tilespmem:$0x1EDA0] =	vst v1;
	v1 =	vld [tilespmem:$0x1FC30];
	_ =	sdelay $0x7  }
0x88: {  	v1 =	vld.idx.msk [tilespmem:v1+s20+$0x0], $0xffff;
	_ =	sdelay $0x4  }
0x89: {  	[tilespmem:$0x1EDB0] =	vst v1;
	v1 =	vld [tilespmem:$0x1FC40];
	_ =	sdelay $0x7  }
0x8a: {  	v1 =	vld.idx.msk [tilespmem:v1+s20+$0x0], $0xffff;
	_ =	sdelay $0x4  }
0x8b: {  	[tilespmem:$0x1EDC0] =	vst v1;
	v1 =	vld [tilespmem:$0x1FC50];
	_ =	sdelay $0x4  }
0x8c: {  	v35 =	vld.idx.msk [tilespmem:v11+s20+$0x0], $0xffff  }
0x8d: {  	v11 =	vld.idx.msk [tilespmem:v14+s20+$0x0], $0xffff  }
0x8e: {  	v14 =	vld.idx.msk [tilespmem:v15+s20+$0x0], $0xffff  }
0x8f: {  	v1 =	vld.idx.msk [tilespmem:v1+s20+$0x0], $0xffff  }
0x90: {  	v15 =	vld.idx.msk [tilespmem:v18+s20+$0x0], $0xffff  }
0x91: {  	v18 =	vld.idx.msk [tilespmem:v20+s20+$0x0], $0xffff  }
0x92: {  	v20 =	vld.idx.msk [tilespmem:v22+s20+$0x0], $0xffff  }
0x93: {  	v22 =	vld.idx.msk [tilespmem:v23+s20+$0x0], $0xffff  }
0x94: {  	[tilespmem:$0x1EDD0] =	vst v1;
	v1 =	vld [tilespmem:$0x1FC60]  }
0x95: {  	v23 =	vld.idx.msk [tilespmem:v25+s20+$0x0], $0xffff  }
0x96: {  	v25 =	vld.idx.msk [tilespmem:v28+s20+$0x0], $0xffff  }
0x97: {  	v28 =	vld.idx.msk [tilespmem:v31+s20+$0x0], $0xffff  }
0x98: {  	v31 =	vld.idx.msk [tilespmem:v32+s20+$0x0], $0xffff  }
0x99: {  	v32 =	vld.idx.msk [tilespmem:v33+s20+$0x0], $0xffff  }
0x9a: {  	v33 =	vld.idx.msk [tilespmem:v34+s20+$0x0], $0xffff  }
0x9b: {  	v34 =	vld.idx.msk [tilespmem:v36+s20+$0x0], $0xffff  }
0x9c: {  	v1 =	vld.idx.msk [tilespmem:v1+s20+$0x0], $0xffff  }
0x9d: {  	v36 =	vld.idx.msk [tilespmem:v37+s20+$0x0], $0xffff  }
0x9e: {  	v37 =	vld.idx.msk [tilespmem:v38+s20+$0x0], $0xffff  }
0x9f: {  	v38 =	vld.idx.msk [tilespmem:v41+s20+$0x0], $0xffff  }
0xa0: {  	v41 =	vld.idx.msk [tilespmem:v42+s20+$0x0], $0xffff  }
0xa1: {  	[tilespmem:$0x1EDE0] =	vst v1;
	v1 =	vld [tilespmem:$0x1FC70]  }
0xa2: {  	v42 =	vld.idx.msk [tilespmem:v44+s20+$0x0], $0xffff  }
0xa3: {  	v44 =	vld.idx.msk [tilespmem:v47+s20+$0x0], $0xffff  }
0xa4: {  	v47 =	vld.idx.msk [tilespmem:v48+s20+$0x0], $0xffff  }
0xa5: {  	v48 =	vld.idx.msk [tilespmem:v49+s20+$0x0], $0xffff  }
0xa6: {  	v4 =	vadd.s32 $0x3F, v0;
	v49 =	vld.idx.msk [tilespmem:v50+s20+$0x0], $0xffff  }
0xa7: {  	v50 =	vld.idx.msk [tilespmem:v52+s20+$0x0], $0xffff  }
0xa8: {  	v52 =	vld.idx.msk [tilespmem:v53+s20+$0x0], $0xffff  }
0xa9: {  	v1 =	vld.idx.msk [tilespmem:v1+s20+$0x0], $0xffff  }
0xaa: {  	v53 =	vld.idx.msk [tilespmem:v55+s20+$0x0], $0xffff  }
0xab: {  	v5 =	vadd.s32 $0x40, v0;
	v3 =	vld.idx.msk [tilespmem:v4+s20+$0x0], $0xffff  }
0xac: {  	v55 =	vld.idx.msk [tilespmem:v57+s20+$0x0], $0xffff  }
0xad: {  	v57 =	vld.idx.msk [tilespmem:v58+s20+$0x0], $0xffff  }
0xae: {  	[tilespmem:$0x1EDF0] =	vst v1;
	v1 =	vld [tilespmem:$0x1FC80]  }
0xaf: {  	v58 =	vld.idx.msk [tilespmem:v59+s20+$0x0], $0xffff  }
0xb0: {  	v59 =	vadd.s32 $0x41, v0;
	[tilespmem:$0x1EE30] =	vst v3;
	v3 =	vld.idx.msk [tilespmem:v5+s20+$0x0], $0xffff;
	_ =	sdelay $0x3  }
0xb1: {  	v2 =	vadd.s32 $0x3E, v0;
	[tilespmem:$0x1F0C0] =	vst v4  }
0xb2: {  	v4 =	vadd.s32 $0x44, v0;
	[tilespmem:$0x1EE40] =	vst v3;
	v3 =	vld.idx.msk [tilespmem:v59+s20+$0x0], $0xffff  }
0xb3: {  	v1 =	vld.idx.msk [tilespmem:v1+s20+$0x0], $0xffff;
	_ =	sdelay $0x1  }
0xb4: {  	[tilespmem:$0x1F0B0] =	vst v2  }
0xb5: {  	[tilespmem:$0x1F0D0] =	vst v5;
	v2 =	vld.idx.msk [tilespmem:v2+s20+$0x0], $0xffff  }
0xb6: {  	v5 =	vadd.s32 $0x45, v0;
	[tilespmem:$0x1EE50] =	vst v3;
	v3 =	vld.idx.msk [tilespmem:v4+s20+$0x0], $0xffff  }
0xb7: {  	[tilespmem:$0x1EE00] =	vst v1;
	v1 =	vld [tilespmem:$0x1FC90];
	_ =	sdelay $0x2  }
0xb8: {  	[tilespmem:$0x1F0E0] =	vst v59  }
0xb9: {  	v59 =	vadd.s32 $0x46, v0;
	[tilespmem:$0x1EE80] =	vst v3;
	v3 =	vld.idx.msk [tilespmem:v5+s20+$0x0], $0xffff  }
0xba: {  	[tilespmem:$0x1EE20] =	vst v2;
	v2 =	vadd.s32 $0x43, v0;
	_ =	sdelay $0x2  }
0xbb: {  	[tilespmem:$0x1F110] =	vst v4;
	v1 =	vld.idx.msk [tilespmem:v1+s20+$0x0], $0xffff  }
0xbc: {  	v4 =	vadd.s32 $0x49, v0;
	[tilespmem:$0x1EE90] =	vst v3;
	v3 =	vld.idx.msk [tilespmem:v59+s20+$0x0], $0xffff  }
0xbd: {  	[tilespmem:$0x1F100] =	vst v2;
	v2 =	vld.idx.msk [tilespmem:v2+s20+$0x0], $0xffff;
	_ =	sdelay $0x1  }
0xbe: {  	[tilespmem:$0x1F120] =	vst v5  }
0xbf: {  	[tilespmem:$0x1EE10] =	vst v1;
	v1 =	vadd.s32 $0x42, v0  }
0xc0: {  	v5 =	vadd.s32 $0x4A, v0;
	[tilespmem:$0x1EEA0] =	vst v3;
	v3 =	vld.idx.msk [tilespmem:v4+s20+$0x0], $0xffff  }
0xc1: {  	[tilespmem:$0x1EE70] =	vst v2;
	v2 =	vadd.s32 $0x48, v0;
	_ =	sdelay $0x1  }
0xc2: {  	[tilespmem:$0x1F130] =	vst v59  }
0xc3: {  	[tilespmem:$0x1F0F0] =	vst v1;
	v1 =	vld.idx.msk [tilespmem:v1+s20+$0x0], $0xffff  }
0xc4: {  	v59 =	vadd.s32 $0x4B, v0;
	[tilespmem:$0x1EED0] =	vst v3;
	v3 =	vld.idx.msk [tilespmem:v5+s20+$0x0], $0xffff  }
0xc5: {  	[tilespmem:$0x1F150] =	vst v2;
	v2 =	vld.idx.msk [tilespmem:v2+s20+$0x0], $0xffff;
	_ =	sdelay $0x1  }
0xc6: {  	[tilespmem:$0x1F160] =	vst v4  }
0xc7: {  	[tilespmem:$0x1EE60] =	vst v1;
	v1 =	vadd.s32 $0x47, v0  }
0xc8: {  	v4 =	vadd.s32 $0x4E, v0;
	[tilespmem:$0x1EEE0] =	vst v3;
	v3 =	vld.idx.msk [tilespmem:v59+s20+$0x0], $0xffff  }
0xc9: {  	[tilespmem:$0x1EEC0] =	vst v2;
	v2 =	vadd.s32 $0x4D, v0;
	_ =	sdelay $0x1  }
0xca: {  	[tilespmem:$0x1F170] =	vst v5  }
0xcb: {  	[tilespmem:$0x1F140] =	vst v1;
	v1 =	vld.idx.msk [tilespmem:v1+s20+$0x0], $0xffff  }
0xcc: {  	v5 =	vadd.s32 $0x4F, v0;
	[tilespmem:$0x1EEF0] =	vst v3;
	v3 =	vld.idx.msk [tilespmem:v4+s20+$0x0], $0xffff  }
0xcd: {  	[tilespmem:$0x1F1A0] =	vst v2;
	v2 =	vld.idx.msk [tilespmem:v2+s20+$0x0], $0xffff;
	_ =	sdelay $0x1  }
0xce: {  	[tilespmem:$0x1F180] =	vst v59  }
0xcf: {  	[tilespmem:$0x1EEB0] =	vst v1;
	v1 =	vadd.s32 $0x4C, v0  }
0xd0: {  	v59 =	vadd.s32 $0x50, v0;
	[tilespmem:$0x1EF20] =	vst v3;
	v3 =	vld.idx.msk [tilespmem:v5+s20+$0x0], $0xffff  }
0xd1: {  	[tilespmem:$0x1EF10] =	vst v2;
	v2 =	vadd.s32 $0x52, v0;
	_ =	sdelay $0x1  }
0xd2: {  	[tilespmem:$0x1F1B0] =	vst v4  }
0xd3: {  	[tilespmem:$0x1F190] =	vst v1;
	v1 =	vld.idx.msk [tilespmem:v1+s20+$0x0], $0xffff  }
0xd4: {  	v4 =	vadd.s32 $0x53, v0;
	[tilespmem:$0x1EF30] =	vst v3;
	v3 =	vld.idx.msk [tilespmem:v59+s20+$0x0], $0xffff  }
0xd5: {  	[tilespmem:$0x1F1F0] =	vst v2;
	v2 =	vld.idx.msk [tilespmem:v2+s20+$0x0], $0xffff;
	_ =	sdelay $0x1  }
0xd6: {  	[tilespmem:$0x1F1C0] =	vst v5  }
0xd7: {  	[tilespmem:$0x1EF00] =	vst v1;
	v1 =	vadd.s32 $0x51, v0  }
0xd8: {  	v5 =	vadd.s32 $0x54, v0;
	[tilespmem:$0x1EF40] =	vst v3;
	v3 =	vld.idx.msk [tilespmem:v4+s20+$0x0], $0xffff  }
0xd9: {  	[tilespmem:$0x1EF60] =	vst v2;
	v2 =	vadd.s32 $0x57, v0  }
0xda: {  	[tilespmem:$0x1F1D0] =	vst v59  }
0xdb: {  	v60 =	vld.idx.msk [tilespmem:v61+s20+$0x0], $0xffff;
	[tilespmem:$0x1F200] =	vst v4  }
0xdc: {  	[tilespmem:$0x1F1E0] =	vst v1;
	v1 =	vld.idx.msk [tilespmem:v1+s20+$0x0], $0xffff  }
0xdd: {  	v59 =	vadd.s32 $0x55, v0;
	[tilespmem:$0x1EF70] =	vst v3;
	v3 =	vld.idx.msk [tilespmem:v5+s20+$0x0], $0xffff  }
0xde: {  	[tilespmem:$0x1F240] =	vst v2;
	v2 =	vld.idx.msk [tilespmem:v2+s20+$0x0], $0xffff;
	v4 =	vadd.s32 $0x58, v0  }
0xdf: {  	v61 =	vld.idx.msk [tilespmem:v63+s20+$0x0], $0xffff;
	v63 =	vadd.s32 $0x5A, v0  }
0xe0: {  	[tilespmem:$0x1F270] =	vst v63  }
0xe1: {  	[tilespmem:$0x1EF50] =	vst v1;
	v1 =	vadd.s32 $0x56, v0  }
0xe2: {  	[tilespmem:$0x1EF80] =	vst v3;
	v3 =	vld.idx.msk [tilespmem:v59+s20+$0x0], $0xffff  }
0xe3: {  	[tilespmem:$0x1EFB0] =	vst v2;
	v2 =	vld.idx.msk [tilespmem:v4+s20+$0x0], $0xffff  }
0xe4: {  	[tilespmem:$0x1F210] =	vst v5;
	v5 =	vadd.s32 $0x59, v0  }
0xe5: {  	[tilespmem:$0x1F220] =	vst v59  }
0xe6: {  	[tilespmem:$0x1F230] =	vst v1;
	v1 =	vld.idx.msk [tilespmem:v1+s20+$0x0], $0xffff  }
0xe7: {  	[tilespmem:$0x1EF90] =	vst v3;
	v3 =	vadd.s32 $0x5C, v0  }
0xe8: {  	[tilespmem:$0x1EFC0] =	vst v2;
	v2 =	vadd.s32 $0x5D, v0  }
0xe9: {  	[tilespmem:$0x1F250] =	vst v4;
	v4 =	vld.idx.msk [tilespmem:v5+s20+$0x0], $0xffff  }
0xea: {  	[tilespmem:$0x1F260] =	vst v5;
	v5 =	vld.idx.msk [tilespmem:v63+s20+$0x0], $0xffff  }
0xeb: {  	[tilespmem:$0x1EFA0] =	vst v1;
	v1 =	vadd.s32 $0x5B, v0  }
0xec: {  	[tilespmem:$0x1F290] =	vst v3;
	v3 =	vld.idx.msk [tilespmem:v3+s20+$0x0], $0xffff  }
0xed: {  	[tilespmem:$0x1F2A0] =	vst v2;
	v2 =	vld.idx.msk [tilespmem:v2+s20+$0x0], $0xffff  }
0xee: {  	[tilespmem:$0x1EFD0] =	vst v4;
	v4 =	vadd.s32 $0x5E, v0  }
0xef: {  	[tilespmem:$0x1EFE0] =	vst v5;
	v5 =	vadd.s32 $0x5F, v0  }
0xf0: {  	[tilespmem:$0x1F280] =	vst v1;
	v59 =	vld.idx.msk [tilespmem:v1+s20+$0x0], $0xffff;
	v1 =	vadd.s32 $0x60, v0  }
0xf1: {  	[tilespmem:$0x1EFF0] =	vst v3;
	v3 =	vadd.s32 $0x61, v0  }
0xf2: {  	[tilespmem:$0x1F000] =	vst v2;
	v2 =	vadd.s32 $0x62, v0  }
0xf3: {  	[tilespmem:$0x1F2B0] =	vst v4;
	v4 =	vld.idx.msk [tilespmem:v4+s20+$0x0], $0xffff  }
0xf4: {  	[tilespmem:$0x1F2C0] =	vst v5;
	v63 =	vld.idx.msk [tilespmem:v5+s20+$0x0], $0xffff;
	v5 =	vadd.s32 $0x64, v0  }
0xf5: {  	[tilespmem:$0x1F2D0] =	vst v1;
	v1 =	vld.idx.msk [tilespmem:v1+s20+$0x0], $0xffff  }
0xf6: {  	[tilespmem:$0x1F2E0] =	vst v3;
	v3 =	vld.idx.msk [tilespmem:v3+s20+$0x0], $0xffff  }
0xf7: {  	[tilespmem:$0x1F2F0] =	vst v2;
	v2 =	vld.idx.msk [tilespmem:v2+s20+$0x0], $0xffff  }
0xf8: {  	[tilespmem:$0x1F010] =	vst v4;
	v4 =	vadd.s32 $0x63, v0  }
0xf9: {  	[tilespmem:$0x1F310] =	vst v5;
	v5 =	vld.idx.msk [tilespmem:v5+s20+$0x0], $0xffff  }
0xfa: {  	[tilespmem:$0x1F020] =	vst v1;
	v1 =	vadd.s32 $0x65, v0  }
0xfb: {  	[tilespmem:$0x1F030] =	vst v3;
	v3 =	vadd.s32 $0x66, v0  }
0xfc: {  	[tilespmem:$0x1F040] =	vst v2;
	v2 =	vadd.s32 $0x67, v0  }
0xfd: {  	[tilespmem:$0x1F300] =	vst v4;
	v4 =	vld.idx.msk [tilespmem:v4+s20+$0x0], $0xffff  }
0xfe: {  	[tilespmem:$0x1F060] =	vst v5  }
0xff: {  	[tilespmem:$0x1F320] =	vst v1;
	v1 =	vld.idx.msk [tilespmem:v1+s20+$0x0], $0xffff  }
0x100: {  	[tilespmem:$0x1F330] =	vst v3;
	v3 =	vld.idx.msk [tilespmem:v3+s20+$0x0], $0xffff  }
0x101: {  	v5 =	vadd.s32 $0x69, v0;
	[tilespmem:$0x1F340] =	vst v2;
	v2 =	vld.idx.msk [tilespmem:v2+s20+$0x0], $0xffff  }
0x102: {  	[tilespmem:$0x1F050] =	vst v4;
	v4 =	vadd.s32 $0x68, v0  }
0x103: {  	[tilespmem:$0x1F360] =	vst v5  }
0x104: {  	[tilespmem:$0x1F070] =	vst v1;
	v1 =	vadd.s32 $0x6A, v0  }
0x105: {  	v6 =	vadd.f32 $0.0e+00, v54;
	v19 =	vadd.f32 $0.0e+00, v19;
	v24 =	vld.idx.msk [tilespmem:v24+s20+$0x0], $0xffff;
	[tilespmem:$0x1F080] =	vst v3;
	v3 =	vadd.s32 $0x6B, v0  }
0x106: {  	v54 =	vld.idx.msk [tilespmem:v5+s20+$0x0], $0xffff;
	[tilespmem:$0x1F090] =	vst v2;
	v2 =	vadd.s32 $0x6C, v0  }
0x107: {  	v8 =	vadd.f32 v45, v6;
	v6 =	vadd.f32 v27, v19;
	v5 =	vadd.s32 $0x6E, v0;
	[tilespmem:$0x1F350] =	vst v4;
	v4 =	vld.idx.msk [tilespmem:v4+s20+$0x0], $0xffff  }
0x108: {  	v7 =	vadd.f32 $0.0e+00, v51;
	v26 =	vld.idx.msk [tilespmem:v26+s20+$0x0], $0xffff;
	[tilespmem:$0x1F3B0] =	vst v5  }
0x109: {  	v6 =	vadd.f32 v9, v6;
	[tilespmem:$0x1F370] =	vst v1;
	v51 =	vld.idx.msk [tilespmem:v1+s20+$0x0], $0xffff;
	v1 =	vadd.s32 $0x6F, v0  }
0x10a: {  	v8 =	vadd.f32 v39, v8;
	[tilespmem:$0x1F380] =	vst v3;
	v45 =	vld.idx.msk [tilespmem:v3+s20+$0x0], $0xffff;
	v3 =	vadd.f32 v43, v7  }
0x10b: {  	v21 =	vadd.f32 $0.0e+00, v21;
	v6 =	vadd.f32 v11, v6;
	[tilespmem:$0x1F390] =	vst v2;
	v43 =	vld.idx.msk [tilespmem:v2+s20+$0x0], $0xffff;
	v2 =	vadd.s32 $0x71, v0  }
0x10c: {  	[tilespmem:$0x1F0A0] =	vst v4;
	v4 =	vadd.s32 $0x6D, v0;
	v3 =	vadd.f32 v35, v3;
	v35 =	vld.idx.msk [tilespmem:v5+s20+$0x0], $0xffff;
	v5 =	vadd.f32 v12, v8  }
0x10d: {  	v29 =	vld.idx.msk [tilespmem:v29+s20+$0x0], $0xffff;
	v7 =	vadd.f32 v30, v21  }
0x10e: {  	v19 =	vadd.s32 $0x70, v0;
	[tilespmem:$0x1F3C0] =	vst v1;
	v30 =	vld.idx.msk [tilespmem:v1+s20+$0x0], $0xffff;
	v1 =	vadd.f32 v16, v5;
	v5 =	vadd.f32 v15, v6  }
0x10f: {  	v40 =	vld.idx.msk [tilespmem:v40+s20+$0x0], $0xffff;
	v8 =	vadd.s32 $0x74, v0;
	v3 =	vadd.f32 v14, v3  }
0x110: {  	v9 =	vadd.s32 $0x72, v0;
	[tilespmem:$0x1F3E0] =	vst v2;
	v21 =	vld.idx.msk [tilespmem:v2+s20+$0x0], $0xffff;
	v2 =	vadd.f32 v22, v5  }
0x111: {  	[tilespmem:$0x1F3A0] =	vst v4;
	v39 =	vld.idx.msk [tilespmem:v4+s20+$0x0], $0xffff;
	v4 =	vadd.f32 v10, v7;
	v3 =	vadd.f32 v17, v3  }
0x112: {  	v46 =	vld.idx.msk [tilespmem:v46+s20+$0x0], $0xffff;
	v7 =	vadd.s32 $0x73, v0;
	v2 =	vadd.f32 v25, v2  }
0x113: {  	[tilespmem:$0x1F3D0] =	vst v19;
	v27 =	vld.idx.msk [tilespmem:v19+s20+$0x0], $0xffff;
	v4 =	vadd.f32 v13, v4;
	v13 =	vadd.s32 $0x78, v0;
	v3 =	vadd.f32 v24, v3  }
0x114: {  	v10 =	vadd.s32 $0x75, v0;
	[tilespmem:$0x1F410] =	vst v8;
	v11 =	vld.idx.msk [tilespmem:v8+s20+$0x0], $0xffff;
	v8 =	vadd.f32 v32, v2  }
0x115: {  	[tilespmem:$0x1F3F0] =	vst v9;
	v19 =	vld.idx.msk [tilespmem:v9+s20+$0x0], $0xffff;
	v9 =	vadd.s32 $0x77, v0;
	v5 =	vadd.f32 v29, v3  }
0x116: {  	v56 =	vld.idx.msk [tilespmem:v56+s20+$0x0], $0xffff;
	v16 =	vadd.s32 $0x7A, v0;
	v1 =	vadd.f32 v20, v1;
	v8 =	vadd.f32 v37, v8  }
0x117: {  	v4 =	vadd.f32 v18, v4;
	v18 =	vadd.s32 $0x7C, v0;
	v15 =	vld.idx.msk [tilespmem:v7+s20+$0x0], $0xffff;
	v5 =	vadd.f32 v33, v5  }
0x118: {  	[tilespmem:$0x1F450] =	vst v13;
	v22 =	vadd.s32 $0x7E, v0;
	v1 =	vadd.f32 v26, v1;
	v2 =	vld.idx.msk [tilespmem:v13+s20+$0x0], $0xffff;
	v13 =	vadd.f32 v42, v8  }
0x119: {  	[tilespmem:$0x1F420] =	vst v10;
	v4 =	vadd.f32 v23, v4;
	v6 =	vld.idx.msk [tilespmem:v10+s20+$0x0], $0xffff;
	v10 =	vadd.f32 v40, v5  }
0x11a: {  	[tilespmem:$0x1F400] =	vst v7;
	v24 =	vadd.s32 $0x80, v0;
	v7 =	vadd.f32 v31, v1;
	v1 =	vld.idx.msk [tilespmem:v9+s20+$0x0], $0xffff;
	v13 =	vadd.f32 v48, v13  }
0x11b: {  	[tilespmem:$0x1F440] =	vst v9;
	v5 =	vld.idx.msk [tilespmem:v16+s20+$0x0], $0xffff;
	v10 =	vadd.f32 v46, v10  }
0x11c: {  	v12 =	vadd.s32 $0x76, v0;
	[tilespmem:$0x1F490] =	vst v18;
	v4 =	vadd.f32 v28, v4;
	v8 =	vld.idx.msk [tilespmem:v18+s20+$0x0], $0xffff;
	v18 =	vadd.f32 v53, v13  }
0x11d: {  	v14 =	vadd.s32 $0x79, v0;
	[tilespmem:$0x1F470] =	vst v16;
	v16 =	vadd.f32 v49, v10;
	v10 =	vld.idx.msk [tilespmem:v22+s20+$0x0], $0xffff  }
0x11e: {  	[tilespmem:$0x1F4B0] =	vst v22;
	v9 =	vadd.f32 v34, v4;
	v22 =	vld [tilespmem:$0x1ED90];
	v18 =	vadd.f32 v58, v18  }
0x11f: {  	v17 =	vadd.s32 $0x7B, v0;
	v7 =	vadd.f32 v36, v7;
	v13 =	vld.idx.msk [tilespmem:v24+s20+$0x0], $0xffff  }
0x120: {  	[tilespmem:$0x1F4D0] =	vst v24;
	v9 =	vadd.f32 v38, v9;
	v24 =	vadd.f32 v61, v18;
	v18 =	vld [tilespmem:$0x1EDA0]  }
0x121: {  	[tilespmem:$0x1F430] =	vst v12;
	v3 =	vld.idx.msk [tilespmem:v12+s20+$0x0], $0xffff;
	v20 =	vadd.s32 $0x7D, v0;
	v12 =	vadd.f32 v41, v7;
	v16 =	vadd.f32 v56, v16  }
0x122: {  	[tilespmem:$0x1F460] =	vst v14;
	v4 =	vld.idx.msk [tilespmem:v14+s20+$0x0], $0xffff;
	v14 =	vadd.f32 v44, v9  }
0x123: {  	v62 =	vld.idx.msk [tilespmem:v62+s20+$0x0], $0xffff;
	v23 =	vadd.s32 $0x7F, v0;
	v12 =	vadd.f32 v47, v12;
	v22 =	vadd.f32 v22, v16  }
0x124: {  	v25 =	vadd.s32 $0x83, v0;
	v7 =	vld.idx.msk [tilespmem:v17+s20+$0x0], $0xffff;
	v14 =	vadd.f32 v50, v14  }
0x125: {  	[tilespmem:$0x1F480] =	vst v17;
	v17 =	vadd.f32 v52, v12;
	v22 =	vadd.f32 v18, v22;
	v18 =	vld [tilespmem:$0x1EDB0]  }
0x126: {  	[tilespmem:$0x1F4A0] =	vst v20;
	v9 =	vld.idx.msk [tilespmem:v20+s20+$0x0], $0xffff;
	v20 =	vadd.f32 v55, v14  }
0x127: {  	v17 =	vadd.f32 v57, v17  }
0x128: {  	v12 =	vld.idx.msk [tilespmem:v23+s20+$0x0], $0xffff;
	v20 =	vadd.f32 v60, v20  }
0x129: {  	[tilespmem:$0x1F4C0] =	vst v23;
	v23 =	vadd.f32 v62, v17;
	v17 =	vld.idx.msk [tilespmem:v25+s20+$0x0], $0xffff  }
0x12a: {  	[tilespmem:$0x1F500] =	vst v25;
	v25 =	vadd.f32 v18, v20;
	v20 =	vld [tilespmem:$0x1EDC0];
	_ =	sdelay $0x2  }
0x12b: {  	v26 =	vadd.s32 $0x84, v0;
	_ =	sdelay $0x1  }
0x12c: {  	v28 =	vadd.s32 $0x85, v0;
	v23 =	vadd.f32 v20, v23;
	v20 =	vld [tilespmem:$0x1EDD0];
	_ =	sdelay $0x2  }
0x12d: {  	v18 =	vld.idx.msk [tilespmem:v26+s20+$0x0], $0xffff  }
0x12e: {  	v29 =	vadd.s32 $0x81, v0;
	[tilespmem:$0x1F510] =	vst v26;
	v26 =	vld [tilespmem:$0x1EDE0]  }
0x12f: {  	v24 =	vadd.f32 v20, v24;
	v20 =	vld.idx.msk [tilespmem:v28+s20+$0x0], $0xffff  }
0x130: {  	[tilespmem:$0x1F520] =	vst v28;
	v28 =	vld [tilespmem:$0x1EE00];
	_ =	sdelay $0x2  }
0x131: {  	v14 =	vld.idx.msk [tilespmem:v29+s20+$0x0], $0xffff  }
0x132: {  	[tilespmem:$0x1F4E0] =	vst v29;
	v29 =	vadd.s32 $0x86, v0;
	v26 =	vadd.f32 v26, v22;
	v22 =	vld [tilespmem:$0x1EDF0]  }
0x133: {  	v28 =	vadd.f32 v28, v23;
	v23 =	vld [tilespmem:$0x1EE10];
	_ =	sdelay $0x3  }
0x134: {  	v31 =	vadd.s32 $0x82, v0;
	v25 =	vadd.f32 v22, v25;
	v22 =	vld.idx.msk [tilespmem:v29+s20+$0x0], $0xffff  }
0x135: {  	[tilespmem:$0x1F530] =	vst v29;
	v29 =	vadd.f32 v23, v24;
	v24 =	vld [tilespmem:$0x1EE20];
	_ =	sdelay $0x3  }
0x136: {  	[tilespmem:$0x1F4F0] =	vst v31;
	v16 =	vld.idx.msk [tilespmem:v31+s20+$0x0], $0xffff;
	v31 =	vadd.s32 $0x87, v0  }
0x137: {  	v26 =	vadd.f32 v24, v26;
	v24 =	vld [tilespmem:$0x1EE30];
	_ =	sdelay $0x3  }
0x138: {  	v23 =	vld.idx.msk [tilespmem:v31+s20+$0x0], $0xffff  }
0x139: {  	[tilespmem:$0x1F540] =	vst v31;
	v31 =	vadd.f32 v24, v25;
	v25 =	vld [tilespmem:$0x1EE40];
	_ =	sdelay $0x1  }
0x13a: {  	v50 =	vld [tilespmem:$0x1EE80];
	_ =	sdelay $0x2  }
0x13b: {  	v28 =	vadd.f32 v25, v28;
	v25 =	vld [tilespmem:$0x1EE50];
	_ =	sdelay $0x1  }
0x13c: {  	v33 =	vadd.f32 v50, v28;
	v28 =	vld [tilespmem:$0x1EE90];
	_ =	sdelay $0x1  }
0x13d: {  	v48 =	vld [tilespmem:$0x1EE60]  }
0x13e: {  	v29 =	vadd.f32 v25, v29  }
0x13f: {  	v46 =	vadd.s32 $0x92, v0  }
0x140: {  	v52 =	vadd.f32 v28, v29;
	v29 =	vld [tilespmem:$0x1EEA0]  }
0x141: {  	v55 =	vadd.s32 $0x88, v0  }
0x142: {  	v57 =	vadd.s32 $0x8A, v0;
	v32 =	vadd.f32 v48, v26;
	v26 =	vld [tilespmem:$0x1EE70];
	_ =	sdelay $0x1  }
0x143: {  	v42 =	vld.idx.msk [tilespmem:v46+s20+$0x0], $0xffff;
	v48 =	vadd.s32 $0x94, v0  }
0x144: {  	v32 =	vadd.f32 v29, v32;
	v29 =	vld [tilespmem:$0x1EEB0]  }
0x145: {  	v24 =	vld.idx.msk [tilespmem:v55+s20+$0x0], $0xffff  }
0x146: {  	v56 =	vadd.s32 $0x89, v0;
	v31 =	vadd.f32 v26, v31;
	v26 =	vld.idx.msk [tilespmem:v57+s20+$0x0], $0xffff  }
0x147: {  	[tilespmem:$0x1F570] =	vst v57;
	v57 =	vld [tilespmem:$0x1EEE0]  }
0x148: {  	[tilespmem:$0x1F5F0] =	vst v46;
	v58 =	vadd.s32 $0x8B, v0;
	v46 =	vld.idx.msk [tilespmem:v48+s20+$0x0], $0xffff  }
0x149: {  	[tilespmem:$0x1F550] =	vst v55;
	v55 =	vadd.f32 v29, v31;
	v31 =	vld [tilespmem:$0x1EEC0]  }
0x14a: {  	[tilespmem:$0x1F620] =	vst v48;
	v48 =	vld [tilespmem:$0x1EFC0]  }
0x14b: {  	[tilespmem:$0x1F560] =	vst v56;
	v25 =	vld.idx.msk [tilespmem:v56+s20+$0x0], $0xffff;
	v56 =	vadd.s32 $0x91, v0  }
0x14c: {  	v50 =	vld [tilespmem:$0x1EF20]  }
0x14d: {  	v60 =	vadd.s32 $0x8C, v0;
	v28 =	vld.idx.msk [tilespmem:v58+s20+$0x0], $0xffff  }
0x14e: {  	v61 =	vadd.s32 $0x8D, v0;
	v33 =	vadd.f32 v31, v33;
	v31 =	vld [tilespmem:$0x1EED0]  }
0x14f: {  	[tilespmem:$0x1F580] =	vst v58;
	v58 =	vld [tilespmem:$0x1EEF0]  }
0x150: {  	v41 =	vld.idx.msk [tilespmem:v56+s20+$0x0], $0xffff  }
0x151: {  	[tilespmem:$0x1F5E0] =	vst v56;
	v56 =	vld [tilespmem:$0x1EF60]  }
0x152: {  	v29 =	vld.idx.msk [tilespmem:v60+s20+$0x0], $0xffff  }
0x153: {  	v62 =	vadd.s32 $0x8E, v0;
	v34 =	vadd.f32 v31, v52;
	v31 =	vld.idx.msk [tilespmem:v61+s20+$0x0], $0xffff  }
0x154: {  	[tilespmem:$0x1F5A0] =	vst v61;
	v61 =	vld [tilespmem:$0x1EF10]  }
0x155: {  	[tilespmem:$0x1F590] =	vst v60;
	v60 =	vld [tilespmem:$0x1EF00]  }
0x156: {  	v37 =	vadd.f32 v57, v32;
	v36 =	vadd.f32 v58, v55;
	v55 =	vld [tilespmem:$0x1EF50]  }
0x157: {  	v52 =	vld [tilespmem:$0x1EF30]  }
0x158: {  	v53 =	vadd.s32 $0x90, v0;
	v32 =	vld.idx.msk [tilespmem:v62+s20+$0x0], $0xffff;
	v37 =	vadd.f32 v50, v37  }
0x159: {  	[tilespmem:$0x1F5B0] =	vst v62;
	v57 =	vld [tilespmem:$0x1EF70];
	v62 =	vadd.f32 v61, v34  }
0x15a: {  	v37 =	vadd.f32 v56, v37;
	v56 =	vld [tilespmem:$0x1EFD0]  }
0x15b: {  	v40 =	vadd.f32 v55, v62;
	v62 =	vld [tilespmem:$0x1EFB0]  }
0x15c: {  	v38 =	vadd.f32 v60, v33;
	v60 =	vld [tilespmem:$0x1EF90];
	v36 =	vadd.f32 v52, v36  }
0x15d: {  	v34 =	vld.idx.msk [tilespmem:v53+s20+$0x0], $0xffff  }
0x15e: {  	[tilespmem:$0x1F5D0] =	vst v53;
	v53 =	vld [tilespmem:$0x1EF40];
	v36 =	vadd.f32 v57, v36  }
0x15f: {  	v58 =	vld [tilespmem:$0x1EF80]  }
0x160: {  	v61 =	vld [tilespmem:$0x1EFA0];
	v36 =	vadd.f32 v62, v36  }
0x161: {  	v57 =	vld [tilespmem:$0x1EFE0]  }
0x162: {  	v36 =	vadd.f32 v59, v36;
	v59 =	vld [tilespmem:$0x1F000]  }
0x163: {  	v47 =	vadd.s32 $0x93, v0;
	v40 =	vadd.f32 v60, v40;
	v60 =	vld [tilespmem:$0x1F010];
	v38 =	vadd.f32 v53, v38  }
0x164: {  	v62 =	vld [tilespmem:$0x1F030]  }
0x165: {  	v49 =	vadd.s32 $0x8F, v0;
	v40 =	vadd.f32 v56, v40;
	v38 =	vadd.f32 v58, v38;
	v58 =	vld [tilespmem:$0x1EFF0]  }
0x166: {  	v50 =	vadd.s32 $0x96, v0;
	v37 =	vadd.f32 v61, v37;
	v61 =	vld [tilespmem:$0x1F020]  }
0x167: {  	v36 =	vadd.f32 v63, v36;
	v63 =	vld [tilespmem:$0x1F040];
	v40 =	vadd.f32 v59, v40  }
0x168: {  	v44 =	vld.idx.msk [tilespmem:v47+s20+$0x0], $0xffff;
	v53 =	vadd.s32 $0x98, v0;
	v37 =	vadd.f32 v57, v37;
	v38 =	vadd.f32 v48, v38  }
0x169: {  	v40 =	vadd.f32 v62, v40;
	v62 =	vld [tilespmem:$0x1F060]  }
0x16a: {  	v33 =	vld.idx.msk [tilespmem:v49+s20+$0x0], $0xffff;
	v37 =	vadd.f32 v60, v37;
	v38 =	vadd.f32 v58, v38  }
0x16b: {  	v56 =	vadd.s32 $0x9A, v0;
	v48 =	vld.idx.msk [tilespmem:v50+s20+$0x0], $0xffff  }
0x16c: {  	v38 =	vadd.f32 v61, v38;
	v37 =	vadd.f32 v63, v37;
	v63 =	vld [tilespmem:$0x1F070]  }
0x16d: {  	[tilespmem:$0x1F680] =	vst v50;
	v50 =	vld.idx.msk [tilespmem:v53+s20+$0x0], $0xffff;
	v58 =	vadd.s32 $0x9C, v0  }
0x16e: {  	v38 =	vadd.f32 v62, v38;
	v62 =	vld [tilespmem:$0x1F080]  }
0x16f: {  	[tilespmem:$0x1F5C0] =	vst v49;
	v49 =	vadd.s32 $0x95, v0;
	v61 =	vld [tilespmem:$0x1F050]  }
0x170: {  	v52 =	vadd.s32 $0x97, v0;
	[tilespmem:$0x1F6E0] =	vst v53;
	v53 =	vld.idx.msk [tilespmem:v56+s20+$0x0], $0xffff  }
0x171: {  	[tilespmem:$0x1F600] =	vst v47;
	v55 =	vadd.s32 $0x99, v0;
	v40 =	vadd.f32 v63, v40;
	v63 =	vld [tilespmem:$0x1F090]  }
0x172: {  	[tilespmem:$0x1F740] =	vst v56;
	v57 =	vadd.s32 $0x9B, v0;
	v56 =	vld.idx.msk [tilespmem:v58+s20+$0x0], $0xffff  }
0x173: {  	[tilespmem:$0x1F7A0] =	vst v58;
	v58 =	vadd.s32 $0xA1, v0;
	v40 =	vadd.f32 v54, v40;
	v37 =	vadd.f32 v62, v37;
	v62 =	vld [tilespmem:$0x1F0A0]  }
0x174: {  	[tilespmem:$0x1F650] =	vst v49;
	v47 =	vld.idx.msk [tilespmem:v49+s20+$0x0], $0xffff;
	v59 =	vadd.s32 $0x9D, v0;
	v36 =	vadd.f32 v61, v36  }
0x175: {  	[tilespmem:$0x1F6B0] =	vst v52;
	v49 =	vld.idx.msk [tilespmem:v52+s20+$0x0], $0xffff;
	v61 =	vadd.s32 $0x9F, v0;
	v39 =	vadd.f32 v39, v40  }
0x176: {  	[tilespmem:$0x1F710] =	vst v55;
	v52 =	vld.idx.msk [tilespmem:v55+s20+$0x0], $0xffff;
	v60 =	vadd.s32 $0x9E, v0;
	v36 =	vadd.f32 v63, v36  }
0x177: {  	[tilespmem:$0x1F770] =	vst v57;
	v55 =	vld.idx.msk [tilespmem:v57+s20+$0x0], $0xffff;
	v57 =	vadd.s32 $0xA0, v0;
	v21 =	vadd.f32 v21, v39;
	v37 =	vadd.f32 v51, v37  }
0x178: {  	[tilespmem:$0x1F890] =	vst v58;
	v58 =	vld.idx.msk [tilespmem:v58+s20+$0x0], $0xffff;
	v63 =	vadd.s32 $0xA5, v0;
	v36 =	vadd.f32 v45, v36;
	v38 =	vadd.f32 v62, v38  }
0x179: {  	[tilespmem:$0x1F7D0] =	vst v59;
	v54 =	vld.idx.msk [tilespmem:v59+s20+$0x0], $0xffff;
	v59 =	vadd.s32 $0xA2, v0;
	v6 =	vadd.f32 v6, v21;
	v35 =	vadd.f32 v35, v37  }
0x17a: {  	v40 =	vld.idx.msk [tilespmem:v61+s20+$0x0], $0xffff;
	v51 =	vadd.s32 $0xA3, v0;
	v30 =	vadd.f32 v30, v36;
	v38 =	vadd.f32 v43, v38  }
0x17b: {  	v45 =	vld.idx.msk [tilespmem:v60+s20+$0x0], $0xffff;
	v62 =	vadd.s32 $0xA4, v0;
	v4 =	vadd.f32 v4, v6;
	v19 =	vadd.f32 v19, v35  }
0x17c: {  	[tilespmem:$0x1F800] =	vst v60;
	v60 =	vadd.s32 $0xA6, v0;
	v36 =	vld.idx.msk [tilespmem:v57+s20+$0x0], $0xffff;
	v15 =	vadd.f32 v15, v30;
	v27 =	vadd.f32 v27, v38  }
0x17d: {  	[tilespmem:$0x1F830] =	vst v61;
	v61 =	vadd.s32 $0xA7, v0;
	v6 =	vld.idx.msk [tilespmem:v63+s20+$0x0], $0xffff;
	v4 =	vadd.f32 v9, v4;
	v3 =	vadd.f32 v3, v19  }
0x17e: {  	[tilespmem:$0x1F950] =	vst v63;
	v63 =	vadd.s32 $0xAC, v0;
	v30 =	vld.idx.msk [tilespmem:v59+s20+$0x0], $0xffff;
	v1 =	vadd.f32 v1, v15;
	v11 =	vadd.f32 v11, v27  }
0x17f: {  	v21 =	vld.idx.msk [tilespmem:v51+s20+$0x0], $0xffff;
	v19 =	vadd.s32 $0xA9, v0;
	v4 =	vadd.f32 v14, v4;
	v3 =	vadd.f32 v5, v3  }
0x180: {  	v14 =	vadd.s32 $0xAE, v0;
	v15 =	vld.idx.msk [tilespmem:v62+s20+$0x0], $0xffff;
	v1 =	vadd.f32 v7, v1;
	v2 =	vadd.f32 v2, v11  }
0x181: {  	v5 =	vld.idx.msk [tilespmem:v60+s20+$0x0], $0xffff;
	v27 =	vadd.s32 $0xA8, v0;
	v4 =	vadd.f32 v20, v4;
	v3 =	vadd.f32 v10, v3  }
0x182: {  	v7 =	vld.idx.msk [tilespmem:v61+s20+$0x0], $0xffff;
	v20 =	vadd.s32 $0xB3, v0;
	v1 =	vadd.f32 v12, v1;
	v2 =	vadd.f32 v8, v2  }
0x183: {  	[tilespmem:$0x1F920] =	vst v62;
	v12 =	vld.idx.msk [tilespmem:v63+s20+$0x0], $0xffff;
	v11 =	vadd.s32 $0xAA, v0;
	v3 =	vadd.f32 v16, v3  }
0x184: {  	[tilespmem:$0x1FA10] =	vst v19;
	v62 =	vadd.s32 $0xAB, v0;
	v9 =	vld.idx.msk [tilespmem:v19+s20+$0x0], $0xffff;
	v1 =	vadd.f32 v17, v1;
	v2 =	vadd.f32 v13, v2  }
0x185: {  	[tilespmem:$0x1FA70] =	vst v14;
	v4 =	vadd.f32 v25, v4;
	v19 =	vadd.s32 $0xB2, v0;
	v14 =	vld.idx.msk [tilespmem:v14+s20+$0x0], $0xffff;
	v3 =	vadd.f32 v22, v3  }
0x186: {  	v25 =	vadd.s32 $0xB7, v0;
	v8 =	vld.idx.msk [tilespmem:v27+s20+$0x0], $0xffff;
	v1 =	vadd.f32 v23, v1;
	v2 =	vadd.f32 v18, v2  }
0x187: {  	[tilespmem:$0x1FAC0] =	vst v20;
	v16 =	vadd.s32 $0xAF, v0;
	v20 =	vld.idx.msk [tilespmem:v20+s20+$0x0], $0xffff;
	v3 =	vadd.f32 v26, v3  }
0x188: {  	[tilespmem:$0x1F9E0] =	vst v27;
	v17 =	vadd.s32 $0xB0, v0;
	v10 =	vld.idx.msk [tilespmem:v11+s20+$0x0], $0xffff;
	v1 =	vadd.f32 v28, v1;
	v2 =	vadd.f32 v24, v2  }
0x189: {  	[tilespmem:$0x1FA30] =	vst v11;
	v4 =	vadd.f32 v31, v4;
	v27 =	vadd.s32 $0xAD, v0;
	v11 =	vld.idx.msk [tilespmem:v62+s20+$0x0], $0xffff;
	v3 =	vadd.f32 v32, v3  }
0x18a: {  	[tilespmem:$0x1FAB0] =	vst v19;
	v22 =	vadd.s32 $0xB4, v0;
	v19 =	vld.idx.msk [tilespmem:v19+s20+$0x0], $0xffff;
	v1 =	vadd.f32 v33, v1;
	v2 =	vadd.f32 v29, v2  }
0x18b: {  	[tilespmem:$0x1FB00] =	vst v25;
	v23 =	vadd.s32 $0xB5, v0;
	v4 =	vadd.f32 v41, v4;
	v25 =	vld.idx.msk [tilespmem:v25+s20+$0x0], $0xffff;
	v3 =	vadd.f32 v42, v3  }
0x18c: {  	[tilespmem:$0x1FA80] =	vst v16;
	v26 =	vadd.s32 $0xB8, v0;
	v16 =	vld.idx.msk [tilespmem:v16+s20+$0x0], $0xffff;
	v1 =	vadd.f32 v44, v1;
	v2 =	vadd.f32 v34, v2  }
0x18d: {  	[tilespmem:$0x1FA90] =	vst v17;
	v18 =	vadd.s32 $0xB1, v0;
	v17 =	vld.idx.msk [tilespmem:v17+s20+$0x0], $0xffff;
	v4 =	vadd.f32 v47, v4;
	v3 =	vadd.f32 v48, v3  }
0x18e: {  	[tilespmem:$0x1FA60] =	vst v27;
	v13 =	vld.idx.msk [tilespmem:v27+s20+$0x0], $0xffff;
	v24 =	vadd.s32 $0xB6, v0;
	v1 =	vadd.f32 v49, v1;
	v2 =	vadd.f32 v46, v2  }
0x18f: {  	[tilespmem:$0x1FAD0] =	vst v22;
	v22 =	vld.idx.msk [tilespmem:v22+s20+$0x0], $0xffff;
	v27 =	vadd.s32 $0xB9, v0;
	v4 =	vadd.f32 v52, v4;
	v3 =	vadd.f32 v53, v3  }
0x190: {  	v38 =	vadd.s32 $0xBB, v0;
	[tilespmem:$0x1FAE0] =	vst v23;
	v23 =	vld.idx.msk [tilespmem:v23+s20+$0x0], $0xffff;
	v1 =	vadd.f32 v55, v1;
	v2 =	vadd.f32 v50, v2  }
0x191: {  	v31 =	vadd.s32 $0xBA, v0;
	[tilespmem:$0x1FB10] =	vst v26;
	v4 =	vadd.f32 v54, v4;
	v26 =	vld.idx.msk [tilespmem:v26+s20+$0x0], $0xffff;
	v3 =	vadd.f32 v45, v3  }
0x192: {  	v39 =	vadd.s32 $0xBC, v0;
	[tilespmem:$0x1FAA0] =	vst v18;
	v18 =	vld.idx.msk [tilespmem:v18+s20+$0x0], $0xffff;
	v1 =	vadd.f32 v40, v1;
	v2 =	vadd.f32 v56, v2  }
0x193: {  	v28 =	vadd.s32 $0xBD, v0;
	[tilespmem:$0x1FAF0] =	vst v24;
	v4 =	vadd.f32 v58, v4;
	v24 =	vld.idx.msk [tilespmem:v24+s20+$0x0], $0xffff;
	v3 =	vadd.f32 v30, v3  }
0x194: {  	[tilespmem:$0x1FB20] =	vst v27;
	v27 =	vld.idx.msk [tilespmem:v27+s20+$0x0], $0xffff;
	v1 =	vadd.f32 v21, v1;
	v30 =	vadd.s32 $0xBF, v0;
	v2 =	vadd.f32 v36, v2  }
0x195: {  	v29 =	vadd.s32 $0xBE, v0;
	v4 =	vadd.f32 v6, v4;
	v6 =	vld.idx.msk [tilespmem:v38+s20+$0x0], $0xffff;
	v3 =	vadd.f32 v5, v3  }
0x196: {  	[tilespmem:$0x1FB30] =	vst v31;
	v21 =	vld.idx.msk [tilespmem:v31+s20+$0x0], $0xffff;
	v31 =	vadd.s32 $0xC1, v0;
	v1 =	vadd.f32 v7, v1;
	v2 =	vadd.f32 v15, v2  }
0x197: {  	v4 =	vadd.f32 v9, v4;
	v5 =	vld.idx.msk [tilespmem:v39+s20+$0x0], $0xffff;
	v3 =	vadd.f32 v10, v3;
	v15 =	vadd.s32 $0xC0, v0  }
0x198: {  	[tilespmem:$0x1FB60] =	vst v28;
	v7 =	vld.idx.msk [tilespmem:v28+s20+$0x0], $0xffff;
	v28 =	vadd.s32 $0xC2, v0;
	v1 =	vadd.f32 v11, v1;
	v2 =	vadd.f32 v8, v2  }
0x199: {  	[tilespmem:$0x1FB80] =	vst v30;
	v4 =	vadd.f32 v13, v4;
	v9 =	vld.idx.msk [tilespmem:v30+s20+$0x0], $0xffff;
	v30 =	vadd.s32 $0xC4, v0;
	v3 =	vadd.f32 v14, v3  }
0x19a: {  	[tilespmem:$0x1FB70] =	vst v29;
	v1 =	vadd.f32 v16, v1;
	v8 =	vld.idx.msk [tilespmem:v29+s20+$0x0], $0xffff;
	v29 =	vadd.s32 $0xC3, v0;
	v2 =	vadd.f32 v12, v2  }
0x19b: {  	v4 =	vadd.f32 v18, v4;
	v11 =	vld.idx.msk [tilespmem:v31+s20+$0x0], $0xffff;
	v16 =	vadd.s32 $0xC6, v0;
	v3 =	vadd.f32 v19, v3  }
0x19c: {  	[tilespmem:$0x1FB90] =	vst v15;
	v1 =	vadd.f32 v20, v1;
	v10 =	vld.idx.msk [tilespmem:v15+s20+$0x0], $0xffff;
	v15 =	vadd.s32 $0xC5, v0;
	v2 =	vadd.f32 v17, v2  }
0x19d: {  	v4 =	vadd.f32 v23, v4;
	v12 =	vld.idx.msk [tilespmem:v28+s20+$0x0], $0xffff;
	v3 =	vadd.f32 v24, v3;
	v17 =	vadd.s32 $0xC7, v0  }
0x19e: {  	v1 =	vadd.f32 v25, v1;
	v14 =	vld.idx.msk [tilespmem:v30+s20+$0x0], $0xffff;
	v2 =	vadd.f32 v22, v2  }
0x19f: {  	v4 =	vadd.f32 v27, v4;
	v13 =	vld.idx.msk [tilespmem:v29+s20+$0x0], $0xffff;
	v3 =	vadd.f32 v21, v3  }
0x1a0: {  	v1 =	vadd.f32 v6, v1;
	v6 =	vld.idx.msk [tilespmem:v16+s20+$0x0], $0xffff;
	v2 =	vadd.f32 v26, v2  }
0x1a1: {  	v4 =	vadd.f32 v7, v4;
	[tilespmem:$0x1FBE0] =	vst v15;
	v15 =	vld.idx.msk [tilespmem:v15+s20+$0x0], $0xffff  }
0x1a2: {  	v3 =	vadd.f32 v8, v3;
	v2 =	vadd.f32 v5, v2;
	v5 =	vld.idx.msk [tilespmem:v17+s20+$0x0], $0xffff  }
0x1a3: {  	v1 =	vadd.f32 v9, v1  }
0x1a4: {  	v4 =	vadd.f32 v11, v4;
	v3 =	vadd.f32 v12, v3  }
0x1a5: {  	v1 =	vadd.f32 v13, v1;
	v2 =	vadd.f32 v10, v2  }
0x1a6: {  	v3 =	vadd.f32 v6, v3;
	v4 =	vadd.f32 v15, v4  }
0x1a7: {  	v2 =	vadd.f32 v14, v2;
	v1 =	vadd.f32 v5, v1;
	_ =	sdelay $0x1  }
0x1a8: {  	v2 =	vadd.f32 v4, v2;
	v1 =	vadd.f32 v1, v3;
	_ =	sdelay $0x1  }
0x1a9: {  	v1 =	vadd.f32 v1, v2;
	v2 =	vld [tilespmem:$0x1FC10];
	_ =	sdelay $0x4  }
0x1aa: {  	v1 =	vadd.f32 v1, v2;
	_ =	sdelay $0x1  }
0x1ab: {  	v2 =	vsub.f32 $0.0e+00, v1  }
0x1ac: {  	vm0 =	vlt.f32 v1, $0.0e+00  }
0x1ad: {  	v1 =	vsel vm0, v1, v2  }
0x1ae: {  	v1 =	vmul.f32 $1.442695020e+00, v1;
	_ =	sdelay $0x1  }
0x1af: {  	(erf) = vpow2.f32 v1;
	_ =	sdelay $0x8  }
0x1b0: {  	v1 =	vpop (erf)  }
0x1b1: {  	v2 =	vadd.f32 $1.000000000e+00, v1;
	_ =	sdelay $0x1  }
0x1b2: {  	(erf) = vrcp.f32 v2;
	_ =	sdelay $0x5  }
0x1b3: {  	[tilespmem:$0x1F860] =	vst v57  }
0x1b4: {  	[tilespmem:$0x1F8C0] =	vst v59  }
0x1b5: {  	[tilespmem:$0x1F9B0] =	vst v61  }
0x1b6: {  	[tilespmem:$0x1FB50] =	vst v39;
	v2 =	vpop (erf)  }
0x1b7: {  	[tilespmem:$0x1F8F0] =	vst v51;
	v1 =	vmul.f32 v2, v1  }
0x1b8: {  	[tilespmem:$0x1F980] =	vst v60  }
0x1b9: {  	[tilespmem:$0x1FA50] =	vst v63;
	v1 =	vsel vm0, v1, v2  }
0x1ba: {  	[tilespmem:$0x1FB40] =	vst v38;
	v1 =	vmul.f32 $1.000000000e+04, v1  }
0x1bb: {  	[tilespmem:$0x1FA40] =	vst v62;
	v2 =	vld [tilespmem:$0x1FFF0]  }
0x1bc: {  	[tilespmem:$0x1FBA0] =	vst v31;
	v1 =	vadd.f32 $8.388608000e+06, v1  }
0x1bd: {  	[tilespmem:$0x1FBB0] =	vst v28  }
0x1be: {  	[tilespmem:$0x1FBD0] =	vst v30;
	v1 =	vadd.f32 $-8.388608000e+06, v1  }
0x1bf: {  	[tilespmem:$0x1FBF0] =	vst v16  }
0x1c0: {  	[tilespmem:$0x1FBC0] =	vst v29;
	v1 =	vmul.f32 v1, v2  }
0x1c1: {  	p1 =	sne.s32 s28, $0x2EE0;
	[tilespmem:$0x1FC00] =	vst v17  }
0x1c2: {  	s29 =	simm.s32 @p1 $0x3;
	[tilespmem:s26+$0xFFFFFFF0] =	vst v1  }
0x1c3: {  	_ =	swait.ge @p1 [sflag:s29], $0xC80  }
0x1c4: {  	s30 =	simm.s32 @p1 $0x0;
	[sflag:s29] =	ssyncset.done @p1 $0x0  }
0x1c5: {  	s31 =	simm.s32 @p1 $0x1900;
	[sflag:s29] =	ssyncadd.s32 @p1 $0xFFFFF380;
	s29 =	simm.s32 @p1 $0xC80  }
0x1c6: {  	[tilespmem:s31], [sflag:$0x1] =	stream.indirect.gather @p1 [spmem:s1], $0x1, s30, s29, $0xb8;
	[tilespmem:$0x1A5A8] =	vst v63  }
0x1c7: {  	s31 =	simm.s32 @p1 $0x2  }
0x1c8: {  	_ =	swait.ge @p1 [sflag:s31], $0xC80  }
0x1c9: {  	s0 =	sadd.s32 @p1 s28, s15;
	[sflag:s31] =	ssyncset.done @p1 $0x0  }
0x1ca: {  	s0 =	sadd.s32 @p1 $0x4B0, s0;
	[sflag:s31] =	ssyncadd.s32 @p1 $0xFFFFF380  }
0x1cb: {  	[tilespmem:s29], [sflag:$0x4] =	stream.linear.gather @p1 [hbm4b:s0+s30], $0xC80, $0x38;
	[tilespmem:$0x1A5A8] =	vst v63  }
0x1cc: {  	s0 =	simm.s32 @!p1 $0x2  }
0x1cd: {  	_ =	swait.ge @!p1 [sflag:s0], $0xC80  }
0x1ce: {  	v1 =	vld [tilespmem:$0x1F0B0];
	_ =	sdelay $0x5  }
0x1cf: {  	[sflag:s0] =	ssyncset.done @!p1 $0x0  }
0x1d0: {  	[sflag:s0] =	ssyncadd.s32 @!p1 $0xFFFFF380  }
0x1d1: {  	v39 =	vld.idx.msk [tilespmem:v1+s22+$0x0], $0xffff  }
0x1d2: {  	v1 =	vld [tilespmem:$0x1F0C0];
	_ =	sdelay $0x7  }
0x1d3: {  	v40 =	vld.idx.msk [tilespmem:v1+s22+$0x0], $0xffff  }
0x1d4: {  	v1 =	vld [tilespmem:$0x1F0D0];
	_ =	sdelay $0x7  }
0x1d5: {  	v41 =	vld.idx.msk [tilespmem:v1+s22+$0x0], $0xffff  }
0x1d6: {  	v1 =	vld [tilespmem:$0x1F0E0];
	_ =	sdelay $0x7  }
0x1d7: {  	v42 =	vld.idx.msk [tilespmem:v1+s22+$0x0], $0xffff  }
0x1d8: {  	v1 =	vld [tilespmem:$0x1F0F0];
	_ =	sdelay $0x7  }
0x1d9: {  	v43 =	vld.idx.msk [tilespmem:v1+s22+$0x0], $0xffff  }
0x1da: {  	v1 =	vld [tilespmem:$0x1F100];
	_ =	sdelay $0x7  }
0x1db: {  	v44 =	vld.idx.msk [tilespmem:v1+s22+$0x0], $0xffff  }
0x1dc: {  	v1 =	vld [tilespmem:$0x1F110];
	_ =	sdelay $0x7  }
0x1dd: {  	v45 =	vld.idx.msk [tilespmem:v1+s22+$0x0], $0xffff  }
0x1de: {  	v1 =	vld [tilespmem:$0x1F120];
	_ =	sdelay $0x7  }
0x1df: {  	v46 =	vld.idx.msk [tilespmem:v1+s22+$0x0], $0xffff  }
0x1e0: {  	v1 =	vld [tilespmem:$0x1F130];
	_ =	sdelay $0x7  }
0x1e1: {  	v47 =	vld.idx.msk [tilespmem:v1+s22+$0x0], $0xffff  }
0x1e2: {  	v1 =	vld [tilespmem:$0x1F140];
	_ =	sdelay $0x7  }
0x1e3: {  	v48 =	vld.idx.msk [tilespmem:v1+s22+$0x0], $0xffff  }
0x1e4: {  	v1 =	vld [tilespmem:$0x1F150];
	_ =	sdelay $0x7  }
0x1e5: {  	v49 =	vld.idx.msk [tilespmem:v1+s22+$0x0], $0xffff  }
0x1e6: {  	v1 =	vld [tilespmem:$0x1F160];
	_ =	sdelay $0x7  }
0x1e7: {  	v50 =	vld.idx.msk [tilespmem:v1+s22+$0x0], $0xffff  }
0x1e8: {  	v1 =	vld [tilespmem:$0x1F170];
	_ =	sdelay $0x7  }
0x1e9: {  	v51 =	vld.idx.msk [tilespmem:v1+s22+$0x0], $0xffff  }
0x1ea: {  	v1 =	vld [tilespmem:$0x1F180];
	_ =	sdelay $0x7  }
0x1eb: {  	v52 =	vld.idx.msk [tilespmem:v1+s22+$0x0], $0xffff  }
0x1ec: {  	v1 =	vld [tilespmem:$0x1F190];
	_ =	sdelay $0x7  }
0x1ed: {  	v53 =	vld.idx.msk [tilespmem:v1+s22+$0x0], $0xffff  }
0x1ee: {  	v1 =	vld [tilespmem:$0x1F1A0];
	_ =	sdelay $0x7  }
0x1ef: {  	v54 =	vld.idx.msk [tilespmem:v1+s22+$0x0], $0xffff  }
0x1f0: {  	v1 =	vld [tilespmem:$0x1F1B0];
	_ =	sdelay $0x7  }
0x1f1: {  	v55 =	vld.idx.msk [tilespmem:v1+s22+$0x0], $0xffff  }
0x1f2: {  	v1 =	vld [tilespmem:$0x1F1C0];
	_ =	sdelay $0x7  }
0x1f3: {  	v56 =	vld.idx.msk [tilespmem:v1+s22+$0x0], $0xffff  }
0x1f4: {  	v1 =	vld [tilespmem:$0x1F1D0];
	_ =	sdelay $0x7  }
0x1f5: {  	v57 =	vld.idx.msk [tilespmem:v1+s22+$0x0], $0xffff  }
0x1f6: {  	v1 =	vld [tilespmem:$0x1F1E0];
	_ =	sdelay $0x7  }
0x1f7: {  	v58 =	vld.idx.msk [tilespmem:v1+s22+$0x0], $0xffff  }
0x1f8: {  	v1 =	vld [tilespmem:$0x1F1F0];
	_ =	sdelay $0x7  }
0x1f9: {  	v59 =	vld.idx.msk [tilespmem:v1+s22+$0x0], $0xffff  }
0x1fa: {  	v1 =	vld [tilespmem:$0x1F200];
	_ =	sdelay $0x7  }
0x1fb: {  	v60 =	vld.idx.msk [tilespmem:v1+s22+$0x0], $0xffff  }
0x1fc: {  	v1 =	vld [tilespmem:$0x1F210];
	_ =	sdelay $0x7  }
0x1fd: {  	v61 =	vld.idx.msk [tilespmem:v1+s22+$0x0], $0xffff  }
0x1fe: {  	v1 =	vld [tilespmem:$0x1F220];
	_ =	sdelay $0x7  }
0x1ff: {  	v62 =	vld.idx.msk [tilespmem:v1+s22+$0x0], $0xffff  }
0x200: {  	v1 =	vld [tilespmem:$0x1F230];
	_ =	sdelay $0x7  }
0x201: {  	v63 =	vld.idx.msk [tilespmem:v1+s22+$0x0], $0xffff  }
0x202: {  	v1 =	vld [tilespmem:$0x1F240];
	_ =	sdelay $0x7  }
0x203: {  	v1 =	vld.idx.msk [tilespmem:v1+s22+$0x0], $0xffff;
	_ =	sdelay $0x4  }
0x204: {  	[tilespmem:$0x1F610] =	vst v1;
	v1 =	vld [tilespmem:$0x1F250];
	_ =	sdelay $0x7  }
0x205: {  	v1 =	vld.idx.msk [tilespmem:v1+s22+$0x0], $0xffff;
	_ =	sdelay $0x4  }
0x206: {  	[tilespmem:$0x1F630] =	vst v1;
	v1 =	vld [tilespmem:$0x1F260];
	_ =	sdelay $0x7  }
0x207: {  	v1 =	vld.idx.msk [tilespmem:v1+s22+$0x0], $0xffff;
	_ =	sdelay $0x4  }
0x208: {  	[tilespmem:$0x1F640] =	vst v1;
	v1 =	vld [tilespmem:$0x1F270];
	_ =	sdelay $0x7  }
0x209: {  	v1 =	vld.idx.msk [tilespmem:v1+s22+$0x0], $0xffff;
	_ =	sdelay $0x4  }
0x20a: {  	[tilespmem:$0x1F660] =	vst v1;
	v1 =	vld [tilespmem:$0x1F280];
	_ =	sdelay $0x7  }
0x20b: {  	v1 =	vld.idx.msk [tilespmem:v1+s22+$0x0], $0xffff;
	_ =	sdelay $0x4  }
0x20c: {  	[tilespmem:$0x1F670] =	vst v1;
	v1 =	vld [tilespmem:$0x1F290];
	_ =	sdelay $0x7  }
0x20d: {  	v1 =	vld.idx.msk [tilespmem:v1+s22+$0x0], $0xffff;
	_ =	sdelay $0x4  }
0x20e: {  	[tilespmem:$0x1F690] =	vst v1;
	v1 =	vld [tilespmem:$0x1F2A0];
	_ =	sdelay $0x7  }
0x20f: {  	v1 =	vld.idx.msk [tilespmem:v1+s22+$0x0], $0xffff;
	_ =	sdelay $0x4  }
0x210: {  	[tilespmem:$0x1F6A0] =	vst v1;
	v1 =	vld [tilespmem:$0x1F2B0];
	_ =	sdelay $0x7  }
0x211: {  	v1 =	vld.idx.msk [tilespmem:v1+s22+$0x0], $0xffff;
	_ =	sdelay $0x4  }
0x212: {  	[tilespmem:$0x1F6C0] =	vst v1;
	v1 =	vld [tilespmem:$0x1F2C0];
	_ =	sdelay $0x7  }
0x213: {  	v1 =	vld.idx.msk [tilespmem:v1+s22+$0x0], $0xffff;
	_ =	sdelay $0x4  }
0x214: {  	[tilespmem:$0x1F6D0] =	vst v1;
	v1 =	vld [tilespmem:$0x1F2D0];
	_ =	sdelay $0x7  }
0x215: {  	v1 =	vld.idx.msk [tilespmem:v1+s22+$0x0], $0xffff;
	_ =	sdelay $0x4  }
0x216: {  	[tilespmem:$0x1F6F0] =	vst v1;
	v1 =	vld [tilespmem:$0x1F2E0];
	_ =	sdelay $0x7  }
0x217: {  	v1 =	vld.idx.msk [tilespmem:v1+s22+$0x0], $0xffff;
	_ =	sdelay $0x4  }
0x218: {  	[tilespmem:$0x1F700] =	vst v1;
	v1 =	vld [tilespmem:$0x1F2F0];
	_ =	sdelay $0x7  }
0x219: {  	v1 =	vld.idx.msk [tilespmem:v1+s22+$0x0], $0xffff;
	_ =	sdelay $0x4  }
0x21a: {  	[tilespmem:$0x1F720] =	vst v1;
	v1 =	vld [tilespmem:$0x1F300];
	_ =	sdelay $0x7  }
0x21b: {  	v1 =	vld.idx.msk [tilespmem:v1+s22+$0x0], $0xffff;
	_ =	sdelay $0x4  }
0x21c: {  	[tilespmem:$0x1F730] =	vst v1;
	v1 =	vld [tilespmem:$0x1F310];
	_ =	sdelay $0x7  }
0x21d: {  	v1 =	vld.idx.msk [tilespmem:v1+s22+$0x0], $0xffff;
	_ =	sdelay $0x4  }
0x21e: {  	[tilespmem:$0x1F750] =	vst v1;
	v1 =	vld [tilespmem:$0x1F320];
	_ =	sdelay $0x7  }
0x21f: {  	v1 =	vld.idx.msk [tilespmem:v1+s22+$0x0], $0xffff;
	_ =	sdelay $0x4  }
0x220: {  	[tilespmem:$0x1F760] =	vst v1;
	v1 =	vld [tilespmem:$0x1F330];
	_ =	sdelay $0x7  }
0x221: {  	v1 =	vld.idx.msk [tilespmem:v1+s22+$0x0], $0xffff;
	_ =	sdelay $0x4  }
0x222: {  	[tilespmem:$0x1F780] =	vst v1;
	v1 =	vld [tilespmem:$0x1F340];
	_ =	sdelay $0x7  }
0x223: {  	v1 =	vld.idx.msk [tilespmem:v1+s22+$0x0], $0xffff;
	_ =	sdelay $0x4  }
0x224: {  	[tilespmem:$0x1F790] =	vst v1;
	v1 =	vld [tilespmem:$0x1F350];
	_ =	sdelay $0x7  }
0x225: {  	v1 =	vld.idx.msk [tilespmem:v1+s22+$0x0], $0xffff;
	_ =	sdelay $0x4  }
0x226: {  	[tilespmem:$0x1F7B0] =	vst v1;
	v1 =	vld [tilespmem:$0x1F360];
	_ =	sdelay $0x7  }
0x227: {  	v1 =	vld.idx.msk [tilespmem:v1+s22+$0x0], $0xffff;
	_ =	sdelay $0x4  }
0x228: {  	[tilespmem:$0x1F7C0] =	vst v1;
	v1 =	vld [tilespmem:$0x1F370];
	_ =	sdelay $0x7  }
0x229: {  	v1 =	vld.idx.msk [tilespmem:v1+s22+$0x0], $0xffff;
	_ =	sdelay $0x4  }
0x22a: {  	[tilespmem:$0x1F7E0] =	vst v1;
	v1 =	vld [tilespmem:$0x1F380];
	_ =	sdelay $0x7  }
0x22b: {  	v1 =	vld.idx.msk [tilespmem:v1+s22+$0x0], $0xffff;
	_ =	sdelay $0x4  }
0x22c: {  	[tilespmem:$0x1F7F0] =	vst v1;
	v1 =	vld [tilespmem:$0x1F390];
	_ =	sdelay $0x7  }
0x22d: {  	v1 =	vld.idx.msk [tilespmem:v1+s22+$0x0], $0xffff;
	_ =	sdelay $0x4  }
0x22e: {  	[tilespmem:$0x1F810] =	vst v1;
	v1 =	vld [tilespmem:$0x1F3A0];
	_ =	sdelay $0x7  }
0x22f: {  	v1 =	vld.idx.msk [tilespmem:v1+s22+$0x0], $0xffff;
	_ =	sdelay $0x4  }
0x230: {  	[tilespmem:$0x1F820] =	vst v1;
	v1 =	vld [tilespmem:$0x1F3B0];
	_ =	sdelay $0x7  }
0x231: {  	v1 =	vld.idx.msk [tilespmem:v1+s22+$0x0], $0xffff;
	_ =	sdelay $0x4  }
0x232: {  	[tilespmem:$0x1F840] =	vst v1;
	v1 =	vld [tilespmem:$0x1F3C0];
	_ =	sdelay $0x7  }
0x233: {  	v1 =	vld.idx.msk [tilespmem:v1+s22+$0x0], $0xffff;
	_ =	sdelay $0x4  }
0x234: {  	[tilespmem:$0x1F850] =	vst v1;
	v1 =	vld [tilespmem:$0x1F3D0];
	_ =	sdelay $0x7  }
0x235: {  	v1 =	vld.idx.msk [tilespmem:v1+s22+$0x0], $0xffff;
	_ =	sdelay $0x4  }
0x236: {  	[tilespmem:$0x1F870] =	vst v1;
	v1 =	vld [tilespmem:$0x1F3E0];
	_ =	sdelay $0x7  }
0x237: {  	v1 =	vld.idx.msk [tilespmem:v1+s22+$0x0], $0xffff;
	_ =	sdelay $0x4  }
0x238: {  	[tilespmem:$0x1F880] =	vst v1;
	v1 =	vld [tilespmem:$0x1F3F0];
	_ =	sdelay $0x7  }
0x239: {  	v1 =	vld.idx.msk [tilespmem:v1+s22+$0x0], $0xffff;
	_ =	sdelay $0x4  }
0x23a: {  	[tilespmem:$0x1F8A0] =	vst v1;
	v1 =	vld [tilespmem:$0x1F400];
	_ =	sdelay $0x7  }
0x23b: {  	v1 =	vld.idx.msk [tilespmem:v1+s22+$0x0], $0xffff;
	_ =	sdelay $0x4  }
0x23c: {  	[tilespmem:$0x1F8B0] =	vst v1;
	v1 =	vld [tilespmem:$0x1F410];
	_ =	sdelay $0x7  }
0x23d: {  	v1 =	vld.idx.msk [tilespmem:v1+s22+$0x0], $0xffff;
	_ =	sdelay $0x4  }
0x23e: {  	[tilespmem:$0x1F8D0] =	vst v1;
	v1 =	vld [tilespmem:$0x1F420];
	_ =	sdelay $0x7  }
0x23f: {  	v1 =	vld.idx.msk [tilespmem:v1+s22+$0x0], $0xffff;
	_ =	sdelay $0x4  }
0x240: {  	[tilespmem:$0x1F8E0] =	vst v1;
	v1 =	vld [tilespmem:$0x1F430];
	_ =	sdelay $0x7  }
0x241: {  	v1 =	vld.idx.msk [tilespmem:v1+s22+$0x0], $0xffff;
	_ =	sdelay $0x4  }
0x242: {  	[tilespmem:$0x1F900] =	vst v1;
	v1 =	vld [tilespmem:$0x1F440];
	_ =	sdelay $0x7  }
0x243: {  	v1 =	vld.idx.msk [tilespmem:v1+s22+$0x0], $0xffff;
	_ =	sdelay $0x4  }
0x244: {  	[tilespmem:$0x1F910] =	vst v1;
	v1 =	vld [tilespmem:$0x1F450];
	_ =	sdelay $0x6  }
0x245: {  	v2 =	vld [tilespmem:$0x1FCA0]  }
0x246: {  	v1 =	vld.idx.msk [tilespmem:v1+s22+$0x0], $0xffff  }
0x247: {  	v3 =	vld [tilespmem:$0x1FCB0]  }
0x248: {  	v4 =	vld [tilespmem:$0x1FCC0]  }
0x249: {  	v5 =	vld [tilespmem:$0x1FCD0]  }
0x24a: {  	v6 =	vld [tilespmem:$0x1FCE0]  }
0x24b: {  	[tilespmem:$0x1F930] =	vst v1;
	v1 =	vld [tilespmem:$0x1F460]  }
0x24c: {  	v7 =	vld [tilespmem:$0x1FCF0]  }
0x24d: {  	v8 =	vld [tilespmem:$0x1FD00]  }
0x24e: {  	v9 =	vld [tilespmem:$0x1FD10]  }
0x24f: {  	v10 =	vld [tilespmem:$0x1FD20]  }
0x250: {  	v11 =	vld [tilespmem:$0x1FD30]  }
0x251: {  	v12 =	vld [tilespmem:$0x1FD40]  }
0x252: {  	v13 =	vld [tilespmem:$0x1FD50]  }
0x253: {  	v1 =	vld.idx.msk [tilespmem:v1+s22+$0x0], $0xffff  }
0x254: {  	v14 =	vld [tilespmem:$0x1FD60]  }
0x255: {  	v15 =	vld [tilespmem:$0x1FD70]  }
0x256: {  	v16 =	vld [tilespmem:$0x1FD80]  }
0x257: {  	v17 =	vld [tilespmem:$0x1FD90]  }
0x258: {  	[tilespmem:$0x1F940] =	vst v1;
	v1 =	vld [tilespmem:$0x1F470]  }
0x259: {  	v18 =	vld [tilespmem:$0x1FDA0]  }
0x25a: {  	v19 =	vld [tilespmem:$0x1FDB0]  }
0x25b: {  	v20 =	vld [tilespmem:$0x1FDC0]  }
0x25c: {  	v21 =	vld [tilespmem:$0x1FDD0]  }
0x25d: {  	v22 =	vld [tilespmem:$0x1FDE0]  }
0x25e: {  	v23 =	vld [tilespmem:$0x1FDF0]  }
0x25f: {  	v24 =	vld [tilespmem:$0x1FE00]  }
0x260: {  	v1 =	vld.idx.msk [tilespmem:v1+s22+$0x0], $0xffff  }
0x261: {  	v25 =	vld [tilespmem:$0x1FE10]  }
0x262: {  	v26 =	vld [tilespmem:$0x1FE20]  }
0x263: {  	v27 =	vld [tilespmem:$0x1FE30]  }
0x264: {  	v28 =	vld [tilespmem:$0x1FE40]  }
0x265: {  	[tilespmem:$0x1F960] =	vst v1;
	v1 =	vld [tilespmem:$0x1F480]  }
0x266: {  	v29 =	vld [tilespmem:$0x1FE50]  }
0x267: {  	v30 =	vld [tilespmem:$0x1FE60]  }
0x268: {  	v31 =	vld [tilespmem:$0x1FE70]  }
0x269: {  	v2 =	vld.idx.msk [tilespmem:v2+s22+$0x0], $0xffff  }
0x26a: {  	v3 =	vld.idx.msk [tilespmem:v3+s22+$0x0], $0xffff  }
0x26b: {  	v4 =	vld.idx.msk [tilespmem:v4+s22+$0x0], $0xffff  }
0x26c: {  	v5 =	vld.idx.msk [tilespmem:v5+s22+$0x0], $0xffff  }
0x26d: {  	v1 =	vld.idx.msk [tilespmem:v1+s22+$0x0], $0xffff  }
0x26e: {  	v6 =	vld.idx.msk [tilespmem:v6+s22+$0x0], $0xffff  }
0x26f: {  	v7 =	vld.idx.msk [tilespmem:v7+s22+$0x0], $0xffff  }
0x270: {  	v8 =	vld.idx.msk [tilespmem:v8+s22+$0x0], $0xffff  }
0x271: {  	v9 =	vld.idx.msk [tilespmem:v9+s22+$0x0], $0xffff  }
0x272: {  	[tilespmem:$0x1F970] =	vst v1;
	v1 =	vld [tilespmem:$0x1F490]  }
0x273: {  	v10 =	vld.idx.msk [tilespmem:v10+s22+$0x0], $0xffff  }
0x274: {  	v11 =	vld.idx.msk [tilespmem:v11+s22+$0x0], $0xffff  }
0x275: {  	v12 =	vld.idx.msk [tilespmem:v12+s22+$0x0], $0xffff  }
0x276: {  	v13 =	vld.idx.msk [tilespmem:v13+s22+$0x0], $0xffff  }
0x277: {  	v14 =	vld.idx.msk [tilespmem:v14+s22+$0x0], $0xffff  }
0x278: {  	v15 =	vld.idx.msk [tilespmem:v15+s22+$0x0], $0xffff  }
0x279: {  	v16 =	vld.idx.msk [tilespmem:v16+s22+$0x0], $0xffff  }
0x27a: {  	v1 =	vld.idx.msk [tilespmem:v1+s22+$0x0], $0xffff  }
0x27b: {  	v33 =	vld.idx.msk [tilespmem:v31+s22+$0x0], $0xffff  }
0x27c: {  	v31 =	vld [tilespmem:$0x1FE80]  }
0x27d: {  	v17 =	vld.idx.msk [tilespmem:v17+s22+$0x0], $0xffff  }
0x27e: {  	v18 =	vld.idx.msk [tilespmem:v18+s22+$0x0], $0xffff  }
0x27f: {  	[tilespmem:$0x1F990] =	vst v1;
	v1 =	vld [tilespmem:$0x1F4A0]  }
0x280: {  	v19 =	vld.idx.msk [tilespmem:v19+s22+$0x0], $0xffff  }
0x281: {  	v20 =	vld.idx.msk [tilespmem:v20+s22+$0x0], $0xffff  }
0x282: {  	v21 =	vld.idx.msk [tilespmem:v21+s22+$0x0], $0xffff  }
0x283: {  	v22 =	vld.idx.msk [tilespmem:v22+s22+$0x0], $0xffff  }
0x284: {  	v32 =	vld.idx.msk [tilespmem:v31+s22+$0x0], $0xffff  }
0x285: {  	v31 =	vld [tilespmem:$0x1FE90]  }
0x286: {  	v23 =	vld.idx.msk [tilespmem:v23+s22+$0x0], $0xffff  }
0x287: {  	v1 =	vld.idx.msk [tilespmem:v1+s22+$0x0], $0xffff  }
0x288: {  	v24 =	vld.idx.msk [tilespmem:v24+s22+$0x0], $0xffff  }
0x289: {  	v25 =	vld.idx.msk [tilespmem:v25+s22+$0x0], $0xffff  }
0x28a: {  	v26 =	vld.idx.msk [tilespmem:v26+s22+$0x0], $0xffff  }
0x28b: {  	v27 =	vld.idx.msk [tilespmem:v27+s22+$0x0], $0xffff  }
0x28c: {  	[tilespmem:$0x1F9A0] =	vst v1;
	v1 =	vld [tilespmem:$0x1F4B0]  }
0x28d: {  	v36 =	vld.idx.msk [tilespmem:v31+s22+$0x0], $0xffff  }
0x28e: {  	v31 =	vld [tilespmem:$0x1FEA0]  }
0x28f: {  	v28 =	vld.idx.msk [tilespmem:v28+s22+$0x0], $0xffff  }
0x290: {  	v29 =	vld.idx.msk [tilespmem:v29+s22+$0x0], $0xffff;
	v2 =	vadd.f32 $0.0e+00, v2  }
0x291: {  	v30 =	vld.idx.msk [tilespmem:v30+s22+$0x0], $0xffff;
	v3 =	vadd.f32 $0.0e+00, v3  }
0x292: {  	v2 =	vadd.f32 v6, v2;
	v6 =	vld [tilespmem:$0x1FF00]  }
0x293: {  	v4 =	vadd.f32 $0.0e+00, v4;
	v3 =	vadd.f32 v7, v3;
	v7 =	vld [tilespmem:$0x1FF10]  }
0x294: {  	v1 =	vld.idx.msk [tilespmem:v1+s22+$0x0], $0xffff  }
0x295: {  	v4 =	vadd.f32 v8, v4;
	v8 =	vld [tilespmem:$0x1FF20]  }
0x296: {  	v34 =	vld.idx.msk [tilespmem:v31+s22+$0x0], $0xffff  }
0x297: {  	v31 =	vld [tilespmem:$0x1FEB0]  }
0x298: {  	v2 =	vadd.f32 v10, v2;
	v10 =	vld [tilespmem:$0x1FF40]  }
0x299: {  	[tilespmem:$0x1F9C0] =	vst v1;
	v1 =	vld [tilespmem:$0x1F4C0]  }
0x29a: {  	v3 =	vadd.f32 v11, v3;
	v11 =	vld [tilespmem:$0x1FF50]  }
0x29b: {  	v4 =	vadd.f32 v12, v4;
	v12 =	vld [tilespmem:$0x1FF60]  }
0x29c: {  	v2 =	vadd.f32 v14, v2;
	v14 =	vld [tilespmem:$0x1FF80]  }
0x29d: {  	v3 =	vadd.f32 v15, v3;
	v15 =	vld [tilespmem:$0x1FF90]  }
0x29e: {  	v4 =	vadd.f32 v16, v4;
	v16 =	vld [tilespmem:$0x1FFA0]  }
0x29f: {  	v37 =	vld.idx.msk [tilespmem:v31+s22+$0x0], $0xffff  }
0x2a0: {  	v31 =	vld [tilespmem:$0x1FEC0]  }
0x2a1: {  	v1 =	vld.idx.msk [tilespmem:v1+s22+$0x0], $0xffff  }
0x2a2: {  	v2 =	vadd.f32 v18, v2;
	v18 =	vld [tilespmem:$0x1FFC0]  }
0x2a3: {  	v3 =	vadd.f32 v19, v3;
	v19 =	vld [tilespmem:$0x1FFD0]  }
0x2a4: {  	v4 =	vadd.f32 v20, v4;
	v20 =	vld [tilespmem:$0x1FFE0]  }
0x2a5: {  	v6 =	vld.idx.msk [tilespmem:v6+s22+$0x0], $0xffff  }
0x2a6: {  	[tilespmem:$0x1F9D0] =	vst v1;
	v1 =	vld [tilespmem:$0x1F4D0]  }
0x2a7: {  	v7 =	vld.idx.msk [tilespmem:v7+s22+$0x0], $0xffff  }
0x2a8: {  	v8 =	vld.idx.msk [tilespmem:v8+s22+$0x0], $0xffff  }
0x2a9: {  	v38 =	vld.idx.msk [tilespmem:v31+s22+$0x0], $0xffff  }
0x2aa: {  	v31 =	vld [tilespmem:$0x1FED0]  }
0x2ab: {  	v10 =	vld.idx.msk [tilespmem:v10+s22+$0x0], $0xffff  }
0x2ac: {  	v11 =	vld.idx.msk [tilespmem:v11+s22+$0x0], $0xffff  }
0x2ad: {  	v12 =	vld.idx.msk [tilespmem:v12+s22+$0x0], $0xffff  }
0x2ae: {  	v1 =	vld.idx.msk [tilespmem:v1+s22+$0x0], $0xffff  }
0x2af: {  	v14 =	vld.idx.msk [tilespmem:v14+s22+$0x0], $0xffff  }
0x2b0: {  	v4 =	vadd.f32 v24, v4;
	v15 =	vld.idx.msk [tilespmem:v15+s22+$0x0], $0xffff  }
0x2b1: {  	v3 =	vadd.f32 v23, v3;
	v16 =	vld.idx.msk [tilespmem:v16+s22+$0x0], $0xffff  }
0x2b2: {  	v4 =	vadd.f32 v28, v4;
	v35 =	vld.idx.msk [tilespmem:v31+s22+$0x0], $0xffff  }
0x2b3: {  	v3 =	vadd.f32 v27, v3;
	[tilespmem:$0x1F9F0] =	vst v1;
	v1 =	vld [tilespmem:$0x1F4E0]  }
0x2b4: {  	v4 =	vadd.f32 v32, v4;
	v31 =	vld [tilespmem:$0x1FEE0]  }
0x2b5: {  	v3 =	vadd.f32 v33, v3;
	v18 =	vld.idx.msk [tilespmem:v18+s22+$0x0], $0xffff  }
0x2b6: {  	v19 =	vld.idx.msk [tilespmem:v19+s22+$0x0], $0xffff;
	v4 =	vadd.f32 v38, v4  }
0x2b7: {  	v3 =	vadd.f32 v37, v3;
	v37 =	vld [tilespmem:$0x1F860]  }
0x2b8: {  	v20 =	vld.idx.msk [tilespmem:v20+s22+$0x0], $0xffff;
	v4 =	vadd.f32 v6, v4  }
0x2b9: {  	v2 =	vadd.f32 v22, v2;
	v6 =	vld [tilespmem:$0x1FC40]  }
0x2ba: {  	v4 =	vadd.f32 v10, v4;
	v10 =	vld [tilespmem:$0x1FC80]  }
0x2bb: {  	v2 =	vadd.f32 v26, v2;
	v1 =	vld.idx.msk [tilespmem:v1+s22+$0x0], $0xffff  }
0x2bc: {  	v31 =	vld.idx.msk [tilespmem:v31+s22+$0x0], $0xffff  }
0x2bd: {  	v2 =	vadd.f32 v30, v2;
	v22 =	vld [tilespmem:$0x1F610]  }
0x2be: {  	v23 =	vld [tilespmem:$0x1F630]  }
0x2bf: {  	v2 =	vadd.f32 v34, v2;
	v34 =	vld.idx.msk [tilespmem:v37+s22+$0x0], $0xffff  }
0x2c0: {  	v4 =	vadd.f32 v14, v4;
	[tilespmem:$0x1FA00] =	vst v1;
	v1 =	vld [tilespmem:$0x1F4F0]  }
0x2c1: {  	v14 =	vld [tilespmem:$0x1F590];
	v2 =	vadd.f32 v31, v2  }
0x2c2: {  	v4 =	vadd.f32 v18, v4;
	v18 =	vld [tilespmem:$0x1F5D0]  }
0x2c3: {  	v6 =	vld.idx.msk [tilespmem:v6+s22+$0x0], $0xffff;
	v2 =	vadd.f32 v8, v2  }
0x2c4: {  	v10 =	vld.idx.msk [tilespmem:v10+s22+$0x0], $0xffff  }
0x2c5: {  	v8 =	vld [tilespmem:$0x1FC60];
	v2 =	vadd.f32 v12, v2  }
0x2c6: {  	v12 =	vld [tilespmem:$0x1F500]  }
0x2c7: {  	v2 =	vadd.f32 v16, v2;
	v16 =	vld [tilespmem:$0x1F5B0]  }
0x2c8: {  	v1 =	vld.idx.msk [tilespmem:v1+s22+$0x0], $0xffff  }
0x2c9: {  	v2 =	vadd.f32 v20, v2;
	v20 =	vld [tilespmem:$0x1F5F0]  }
0x2ca: {  	v14 =	vld.idx.msk [tilespmem:v14+s22+$0x0], $0xffff  }
0x2cb: {  	v18 =	vld.idx.msk [tilespmem:v18+s22+$0x0], $0xffff  }
0x2cc: {  	v24 =	vld [tilespmem:$0x1F660]  }
0x2cd: {  	[tilespmem:$0x1FA20] =	vst v1;
	v1 =	vld.idx.msk [tilespmem:v0+s22+$0x0], $0xffff  }
0x2ce: {  	v8 =	vld.idx.msk [tilespmem:v8+s22+$0x0], $0xffff  }
0x2cf: {  	v12 =	vld.idx.msk [tilespmem:v12+s22+$0x0], $0xffff  }
0x2d0: {  	v16 =	vld.idx.msk [tilespmem:v16+s22+$0x0], $0xffff  }
0x2d1: {  	v20 =	vld.idx.msk [tilespmem:v20+s22+$0x0], $0xffff  }
0x2d2: {  	v26 =	vld [tilespmem:$0x1F6C0];
	v1 =	vadd.f32 $0.0e+00, v1  }
0x2d3: {  	v27 =	vld [tilespmem:$0x1F6F0]  }
0x2d4: {  	v1 =	vadd.f32 v5, v1;
	v5 =	vld [tilespmem:$0x1FEF0]  }
0x2d5: {  	v28 =	vld [tilespmem:$0x1F720]  }
0x2d6: {  	v1 =	vadd.f32 v9, v1;
	v9 =	vld [tilespmem:$0x1FF30]  }
0x2d7: {  	v30 =	vld [tilespmem:$0x1F780]  }
0x2d8: {  	v1 =	vadd.f32 v13, v1;
	v13 =	vld [tilespmem:$0x1FF70]  }
0x2d9: {  	v31 =	vld [tilespmem:$0x1F7B0]  }
0x2da: {  	v38 =	vld [tilespmem:$0x1F870]  }
0x2db: {  	v1 =	vadd.f32 v17, v1;
	v17 =	vld [tilespmem:$0x1FFB0]  }
0x2dc: {  	v5 =	vld.idx.msk [tilespmem:v5+s22+$0x0], $0xffff  }
0x2dd: {  	v1 =	vadd.f32 v21, v1;
	v21 =	vld [tilespmem:$0x1FC20]  }
0x2de: {  	v9 =	vld.idx.msk [tilespmem:v9+s22+$0x0], $0xffff  }
0x2df: {  	v1 =	vadd.f32 v25, v1;
	v25 =	vld [tilespmem:$0x1F690]  }
0x2e0: {  	v13 =	vld.idx.msk [tilespmem:v13+s22+$0x0], $0xffff  }
0x2e1: {  	v1 =	vadd.f32 v29, v1;
	v29 =	vld [tilespmem:$0x1F750]  }
0x2e2: {  	v3 =	vadd.f32 v5, v3;
	v5 =	vld [tilespmem:$0x1FC30]  }
0x2e3: {  	v17 =	vld.idx.msk [tilespmem:v17+s22+$0x0], $0xffff  }
0x2e4: {  	v1 =	vadd.f32 v36, v1;
	v36 =	vld [tilespmem:$0x1F850]  }
0x2e5: {  	v3 =	vadd.f32 v9, v3;
	v9 =	vld [tilespmem:$0x1FC70]  }
0x2e6: {  	v1 =	vadd.f32 v35, v1;
	v21 =	vld.idx.msk [tilespmem:v21+s22+$0x0], $0xffff  }
0x2e7: {  	v3 =	vadd.f32 v13, v3;
	v13 =	vld [tilespmem:$0x1F580]  }
0x2e8: {  	v1 =	vadd.f32 v7, v1;
	v7 =	vld [tilespmem:$0x1FC50]  }
0x2e9: {  	v3 =	vadd.f32 v17, v3;
	v17 =	vld [tilespmem:$0x1F5C0]  }
0x2ea: {  	v1 =	vadd.f32 v11, v1;
	v11 =	vld [tilespmem:$0x1FC90]  }
0x2eb: {  	v5 =	vld.idx.msk [tilespmem:v5+s22+$0x0], $0xffff  }
0x2ec: {  	v3 =	vadd.f32 v21, v3;
	v21 =	vld [tilespmem:$0x1F600]  }
0x2ed: {  	v1 =	vadd.f32 v15, v1;
	v15 =	vld [tilespmem:$0x1F5A0]  }
0x2ee: {  	v9 =	vld.idx.msk [tilespmem:v9+s22+$0x0], $0xffff  }
0x2ef: {  	v3 =	vadd.f32 v8, v3;
	v8 =	vld [tilespmem:$0x1F540]  }
0x2f0: {  	v1 =	vadd.f32 v19, v1;
	v19 =	vld [tilespmem:$0x1F5E0]  }
0x2f1: {  	v13 =	vld.idx.msk [tilespmem:v13+s22+$0x0], $0xffff  }
0x2f2: {  	v3 =	vadd.f32 v39, v3;
	v39 =	vld [tilespmem:$0x1F880]  }
0x2f3: {  	v7 =	vld.idx.msk [tilespmem:v7+s22+$0x0], $0xffff  }
0x2f4: {  	v4 =	vadd.f32 v5, v4;
	v5 =	vld [tilespmem:$0x1F510]  }
0x2f5: {  	v1 =	vadd.f32 v6, v1;
	v6 =	vld [tilespmem:$0x1F520]  }
0x2f6: {  	v17 =	vld.idx.msk [tilespmem:v17+s22+$0x0], $0xffff  }
0x2f7: {  	v3 =	vadd.f32 v43, v3;
	v43 =	vld [tilespmem:$0x1F810]  }
0x2f8: {  	v11 =	vld.idx.msk [tilespmem:v11+s22+$0x0], $0xffff  }
0x2f9: {  	v4 =	vadd.f32 v9, v4;
	v9 =	vld [tilespmem:$0x1F550]  }
0x2fa: {  	v1 =	vadd.f32 v10, v1;
	v10 =	vld [tilespmem:$0x1F560]  }
0x2fb: {  	v21 =	vld.idx.msk [tilespmem:v21+s22+$0x0], $0xffff  }
0x2fc: {  	v15 =	vld.idx.msk [tilespmem:v15+s22+$0x0], $0xffff  }
0x2fd: {  	v4 =	vadd.f32 v40, v4;
	v40 =	vld [tilespmem:$0x1F7E0]  }
0x2fe: {  	v1 =	vadd.f32 v41, v1;
	v41 =	vld [tilespmem:$0x1F7F0]  }
0x2ff: {  	v3 =	vadd.f32 v47, v3;
	v2 =	vadd.f32 v7, v2;
	v7 =	vld [tilespmem:$0x1F530]  }
0x300: {  	v8 =	vld.idx.msk [tilespmem:v8+s22+$0x0], $0xffff  }
0x301: {  	v3 =	vadd.f32 v51, v3;
	v51 =	vld [tilespmem:$0x1F830]  }
0x302: {  	v19 =	vld.idx.msk [tilespmem:v19+s22+$0x0], $0xffff  }
0x303: {  	v1 =	vadd.f32 v45, v1;
	v45 =	vld [tilespmem:$0x1F820]  }
0x304: {  	v2 =	vadd.f32 v11, v2;
	v11 =	vld [tilespmem:$0x1F570]  }
0x305: {  	v3 =	vadd.f32 v55, v3;
	v5 =	vld.idx.msk [tilespmem:v5+s22+$0x0], $0xffff  }
0x306: {  	v4 =	vadd.f32 v44, v4;
	v6 =	vld.idx.msk [tilespmem:v6+s22+$0x0], $0xffff  }
0x307: {  	v2 =	vadd.f32 v42, v2;
	v3 =	vadd.f32 v59, v3;
	v42 =	vld [tilespmem:$0x1F800]  }
0x308: {  	v9 =	vld.idx.msk [tilespmem:v9+s22+$0x0], $0xffff  }
0x309: {  	v4 =	vadd.f32 v48, v4;
	v10 =	vld.idx.msk [tilespmem:v10+s22+$0x0], $0xffff;
	v3 =	vadd.f32 v63, v3  }
0x30a: {  	v1 =	vadd.f32 v49, v1;
	v7 =	vld.idx.msk [tilespmem:v7+s22+$0x0], $0xffff  }
0x30b: {  	v4 =	vadd.f32 v52, v4;
	v3 =	vadd.f32 v24, v3;
	v24 =	vld [tilespmem:$0x1F670]  }
0x30c: {  	v1 =	vadd.f32 v53, v1;
	v2 =	vadd.f32 v46, v2;
	v33 =	vld.idx.msk [tilespmem:v51+s22+$0x0], $0xffff  }
0x30d: {  	v4 =	vadd.f32 v56, v4;
	v51 =	vld [tilespmem:$0x1F8E0]  }
0x30e: {  	v1 =	vadd.f32 v57, v1;
	v2 =	vadd.f32 v50, v2;
	v11 =	vld.idx.msk [tilespmem:v11+s22+$0x0], $0xffff  }
0x30f: {  	v4 =	vadd.f32 v60, v4;
	v3 =	vadd.f32 v26, v3;
	v26 =	vld [tilespmem:$0x1F6D0]  }
0x310: {  	v1 =	vadd.f32 v61, v1;
	v2 =	vadd.f32 v54, v2;
	v54 =	vld [tilespmem:$0x1F840]  }
0x311: {  	v4 =	vadd.f32 v22, v4;
	v22 =	vld [tilespmem:$0x1F620]  }
0x312: {  	v1 =	vadd.f32 v23, v1;
	v23 =	vld [tilespmem:$0x1F640]  }
0x313: {  	v3 =	vadd.f32 v28, v3;
	v28 =	vld [tilespmem:$0x1F730]  }
0x314: {  	v32 =	vld.idx.msk [tilespmem:v42+s22+$0x0], $0xffff  }
0x315: {  	v42 =	vld [tilespmem:$0x1F8B0]  }
0x316: {  	v4 =	vadd.f32 v24, v4;
	v24 =	vld [tilespmem:$0x1F680]  }
0x317: {  	v2 =	vadd.f32 v58, v2;
	v1 =	vadd.f32 v25, v1;
	v25 =	vld [tilespmem:$0x1F6A0]  }
0x318: {  	v3 =	vadd.f32 v30, v3;
	v30 =	vld [tilespmem:$0x1F790]  }
0x319: {  	v2 =	vadd.f32 v62, v2;
	v4 =	vadd.f32 v26, v4;
	v26 =	vld [tilespmem:$0x1F6E0]  }
0x31a: {  	v1 =	vadd.f32 v27, v1;
	v27 =	vld [tilespmem:$0x1F700]  }
0x31b: {  	v2 =	vadd.f32 v23, v2;
	v23 =	vld [tilespmem:$0x1F650]  }
0x31c: {  	v3 =	vadd.f32 v40, v3;
	v40 =	vld [tilespmem:$0x1F890]  }
0x31d: {  	v4 =	vadd.f32 v28, v4;
	v28 =	vld [tilespmem:$0x1F740]  }
0x31e: {  	v1 =	vadd.f32 v29, v1;
	v29 =	vld [tilespmem:$0x1F760]  }
0x31f: {  	v2 =	vadd.f32 v25, v2;
	v25 =	vld [tilespmem:$0x1F6B0]  }
0x320: {  	v3 =	vadd.f32 v54, v3;
	v54 =	vld [tilespmem:$0x1F8F0]  }
0x321: {  	v22 =	vld.idx.msk [tilespmem:v22+s22+$0x0], $0xffff  }
0x322: {  	v4 =	vadd.f32 v30, v4;
	v30 =	vld [tilespmem:$0x1F7A0]  }
0x323: {  	v1 =	vadd.f32 v31, v1;
	v31 =	vld [tilespmem:$0x1F7C0]  }
0x324: {  	v2 =	vadd.f32 v27, v2;
	v27 =	vld [tilespmem:$0x1F710]  }
0x325: {  	v24 =	vld.idx.msk [tilespmem:v24+s22+$0x0], $0xffff  }
0x326: {  	v4 =	vadd.f32 v41, v4;
	v41 =	vld [tilespmem:$0x1F8A0]  }
0x327: {  	v1 =	vadd.f32 v43, v1;
	v43 =	vld [tilespmem:$0x1F8C0]  }
0x328: {  	v2 =	vadd.f32 v29, v2;
	v29 =	vld [tilespmem:$0x1F770]  }
0x329: {  	v26 =	vld.idx.msk [tilespmem:v26+s22+$0x0], $0xffff  }
0x32a: {  	v23 =	vld.idx.msk [tilespmem:v23+s22+$0x0], $0xffff  }
0x32b: {  	v2 =	vadd.f32 v31, v2;
	v31 =	vld [tilespmem:$0x1F7D0]  }
0x32c: {  	v35 =	vld.idx.msk [tilespmem:v40+s22+$0x0], $0xffff  }
0x32d: {  	v40 =	vld [tilespmem:$0x1F900]  }
0x32e: {  	v2 =	vadd.f32 v45, v2;
	v45 =	vld [tilespmem:$0x1F8D0]  }
0x32f: {  	v37 =	vld.idx.msk [tilespmem:v54+s22+$0x0], $0xffff  }
0x330: {  	v4 =	vadd.f32 v36, v4;
	v54 =	vld [tilespmem:$0x1F960]  }
0x331: {  	v3 =	vadd.f32 v41, v3;
	v2 =	vadd.f32 v39, v2;
	v36 =	vld.idx.msk [tilespmem:v43+s22+$0x0], $0xffff  }
0x332: {  	v1 =	vadd.f32 v38, v1;
	v43 =	vld [tilespmem:$0x1F930]  }
0x333: {  	v3 =	vadd.f32 v40, v3;
	v2 =	vadd.f32 v51, v2;
	v51 =	vld [tilespmem:$0x1F950]  }
0x334: {  	v1 =	vadd.f32 v45, v1;
	v45 =	vld [tilespmem:$0x1F940]  }
0x335: {  	v3 =	vadd.f32 v54, v3;
	v54 =	vld [tilespmem:$0x1F990]  }
0x336: {  	v28 =	vld.idx.msk [tilespmem:v28+s22+$0x0], $0xffff  }
0x337: {  	v4 =	vadd.f32 v42, v4;
	v42 =	vld [tilespmem:$0x1F920]  }
0x338: {  	v41 =	vld [tilespmem:$0x1F910];
	v1 =	vadd.f32 v43, v1  }
0x339: {  	v2 =	vadd.f32 v45, v2;
	v45 =	vld [tilespmem:$0x1F970]  }
0x33a: {  	v1 =	vadd.f32 v54, v1;
	v54 =	vld [tilespmem:$0x1F9C0]  }
0x33b: {  	v39 =	vld.idx.msk [tilespmem:v51+s22+$0x0], $0xffff  }
0x33c: {  	v51 =	vld [tilespmem:$0x1F980]  }
0x33d: {  	v25 =	vld.idx.msk [tilespmem:v25+s22+$0x0], $0xffff  }
0x33e: {  	v30 =	vld.idx.msk [tilespmem:v30+s22+$0x0], $0xffff;
	v4 =	vadd.f32 v41, v4  }
0x33f: {  	v27 =	vld.idx.msk [tilespmem:v27+s22+$0x0], $0xffff  }
0x340: {  	v4 =	vadd.f32 v45, v4;
	v45 =	vld [tilespmem:$0x1F9A0]  }
0x341: {  	v3 =	vadd.f32 v54, v3;
	v54 =	vld [tilespmem:$0x1F9F0]  }
0x342: {  	v29 =	vld.idx.msk [tilespmem:v29+s22+$0x0], $0xffff  }
0x343: {  	v31 =	vld.idx.msk [tilespmem:v31+s22+$0x0], $0xffff  }
0x344: {  	v40 =	vld.idx.msk [tilespmem:v51+s22+$0x0], $0xffff  }
0x345: {  	v51 =	vld [tilespmem:$0x1F9B0]  }
0x346: {  	v2 =	vadd.f32 v45, v2;
	v45 =	vld [tilespmem:$0x1F9D0];
	v1 =	vadd.f32 v54, v1  }
0x347: {  	v54 =	vld [tilespmem:$0x1FA20]  }
0x348: {  	v38 =	vld.idx.msk [tilespmem:v42+s22+$0x0], $0xffff;
	v1 =	vadd.f32 v5, v1  }
0x349: {  	v5 =	vld [tilespmem:$0x1FA40]  }
0x34a: {  	v1 =	vadd.f32 v9, v1;
	v9 =	vld [tilespmem:$0x1FA80]  }
0x34b: {  	v4 =	vadd.f32 v45, v4;
	v45 =	vld [tilespmem:$0x1FA00]  }
0x34c: {  	v3 =	vadd.f32 v54, v3;
	v1 =	vadd.f32 v14, v1;
	v14 =	vld [tilespmem:$0x1FAC0]  }
0x34d: {  	v4 =	vadd.f32 v12, v4;
	v12 =	vld [tilespmem:$0x1FA30]  }
0x34e: {  	v3 =	vadd.f32 v7, v3;
	v7 =	vld [tilespmem:$0x1FA60]  }
0x34f: {  	v41 =	vld.idx.msk [tilespmem:v51+s22+$0x0], $0xffff  }
0x350: {  	v51 =	vld [tilespmem:$0x1F9E0]  }
0x351: {  	v1 =	vadd.f32 v18, v1;
	v18 =	vld [tilespmem:$0x1FB00]  }
0x352: {  	v4 =	vadd.f32 v8, v4;
	v8 =	vld [tilespmem:$0x1FA70]  }
0x353: {  	v3 =	vadd.f32 v11, v3;
	v11 =	vld [tilespmem:$0x1FAA0]  }
0x354: {  	v5 =	vld.idx.msk [tilespmem:v5+s22+$0x0], $0xffff  }
0x355: {  	v1 =	vadd.f32 v22, v1;
	v22 =	vld [tilespmem:$0x1FB40]  }
0x356: {  	v2 =	vadd.f32 v45, v2;
	v4 =	vadd.f32 v13, v4;
	v13 =	vld [tilespmem:$0x1FAB0]  }
0x357: {  	v3 =	vadd.f32 v16, v3;
	v16 =	vld [tilespmem:$0x1FAE0]  }
0x358: {  	v2 =	vadd.f32 v6, v2;
	v6 =	vld [tilespmem:$0x1FA50]  }
0x359: {  	v9 =	vld.idx.msk [tilespmem:v9+s22+$0x0], $0xffff  }
0x35a: {  	v4 =	vadd.f32 v17, v4;
	v17 =	vld [tilespmem:$0x1FAF0]  }
0x35b: {  	v3 =	vadd.f32 v20, v3;
	v20 =	vld [tilespmem:$0x1FB20]  }
0x35c: {  	v2 =	vadd.f32 v10, v2;
	v10 =	vld [tilespmem:$0x1FA90]  }
0x35d: {  	v14 =	vld.idx.msk [tilespmem:v14+s22+$0x0], $0xffff  }
0x35e: {  	v12 =	vld.idx.msk [tilespmem:v12+s22+$0x0], $0xffff  }
0x35f: {  	v7 =	vld.idx.msk [tilespmem:v7+s22+$0x0], $0xffff  }
0x360: {  	v4 =	vadd.f32 v21, v4;
	v21 =	vld [tilespmem:$0x1FB30]  }
0x361: {  	v3 =	vadd.f32 v24, v3;
	v24 =	vld [tilespmem:$0x1FB60]  }
0x362: {  	v42 =	vld.idx.msk [tilespmem:v51+s22+$0x0], $0xffff  }
0x363: {  	v51 =	vld [tilespmem:$0x1FA10]  }
0x364: {  	v2 =	vadd.f32 v15, v2;
	v15 =	vld [tilespmem:$0x1FAD0]  }
0x365: {  	v18 =	vld.idx.msk [tilespmem:v18+s22+$0x0], $0xffff  }
0x366: {  	v8 =	vld.idx.msk [tilespmem:v8+s22+$0x0], $0xffff  }
0x367: {  	v11 =	vld.idx.msk [tilespmem:v11+s22+$0x0], $0xffff  }
0x368: {  	v2 =	vadd.f32 v19, v2;
	v19 =	vld [tilespmem:$0x1FB10]  }
0x369: {  	v22 =	vld.idx.msk [tilespmem:v22+s22+$0x0], $0xffff  }
0x36a: {  	v13 =	vld.idx.msk [tilespmem:v13+s22+$0x0], $0xffff  }
0x36b: {  	v1 =	vadd.f32 v26, v1;
	v16 =	vld.idx.msk [tilespmem:v16+s22+$0x0], $0xffff  }
0x36c: {  	v6 =	vld.idx.msk [tilespmem:v6+s22+$0x0], $0xffff  }
0x36d: {  	v1 =	vadd.f32 v30, v1;
	v2 =	vadd.f32 v23, v2;
	v23 =	vld [tilespmem:$0x1FB50]  }
0x36e: {  	v4 =	vadd.f32 v25, v4;
	v3 =	vadd.f32 v28, v3;
	v17 =	vld.idx.msk [tilespmem:v17+s22+$0x0], $0xffff  }
0x36f: {  	v1 =	vadd.f32 v34, v1;
	v20 =	vld.idx.msk [tilespmem:v20+s22+$0x0], $0xffff  }
0x370: {  	v4 =	vadd.f32 v29, v4;
	v3 =	vadd.f32 v32, v3;
	v10 =	vld.idx.msk [tilespmem:v10+s22+$0x0], $0xffff  }
0x371: {  	v1 =	vadd.f32 v38, v1;
	v21 =	vld.idx.msk [tilespmem:v21+s22+$0x0], $0xffff  }
0x372: {  	v4 =	vadd.f32 v33, v4;
	v3 =	vadd.f32 v36, v3;
	v24 =	vld.idx.msk [tilespmem:v24+s22+$0x0], $0xffff  }
0x373: {  	v1 =	vadd.f32 v42, v1;
	v43 =	vld.idx.msk [tilespmem:v51+s22+$0x0], $0xffff  }
0x374: {  	v4 =	vadd.f32 v37, v4;
	v3 =	vadd.f32 v40, v3;
	v15 =	vld.idx.msk [tilespmem:v15+s22+$0x0], $0xffff  }
0x375: {  	v2 =	vadd.f32 v27, v2;
	v1 =	vadd.f32 v6, v1;
	v6 =	vld [tilespmem:$0x1FB80]  }
0x376: {  	v4 =	vadd.f32 v41, v4;
	v3 =	vadd.f32 v12, v3;
	v12 =	vld [tilespmem:$0x1FBE0]  }
0x377: {  	v2 =	vadd.f32 v31, v2;
	v19 =	vld.idx.msk [tilespmem:v19+s22+$0x0], $0xffff  }
0x378: {  	v4 =	vadd.f32 v5, v4;
	v5 =	vld [tilespmem:$0x1FB70]  }
0x379: {  	v2 =	vadd.f32 v35, v2;
	v3 =	vadd.f32 v8, v3;
	v8 =	vld [tilespmem:$0x1FBA0]  }
0x37a: {  	v1 =	vadd.f32 v10, v1;
	v10 =	vld [tilespmem:$0x1FBC0]  }
0x37b: {  	v2 =	vadd.f32 v39, v2;
	v23 =	vld.idx.msk [tilespmem:v23+s22+$0x0], $0xffff  }
0x37c: {  	v4 =	vadd.f32 v9, v4;
	v9 =	vld [tilespmem:$0x1FBB0]  }
0x37d: {  	v3 =	vadd.f32 v13, v3;
	v13 =	vld [tilespmem:$0x1FBF0];
	v2 =	vadd.f32 v43, v2  }
0x37e: {  	v4 =	vadd.f32 v14, v4;
	v14 =	vld [tilespmem:$0x1FC00]  }
0x37f: {  	v2 =	vadd.f32 v7, v2;
	v7 =	vld [tilespmem:$0x1FB90]  }
0x380: {  	v6 =	vld.idx.msk [tilespmem:v6+s22+$0x0], $0xffff  }
0x381: {  	v12 =	vld.idx.msk [tilespmem:v12+s22+$0x0], $0xffff  }
0x382: {  	v2 =	vadd.f32 v11, v2;
	v11 =	vld [tilespmem:$0x1FBD0]  }
0x383: {  	v5 =	vld.idx.msk [tilespmem:v5+s22+$0x0], $0xffff  }
0x384: {  	v8 =	vld.idx.msk [tilespmem:v8+s22+$0x0], $0xffff  }
0x385: {  	v10 =	vld.idx.msk [tilespmem:v10+s22+$0x0], $0xffff  }
0x386: {  	v3 =	vadd.f32 v17, v3;
	v2 =	vadd.f32 v16, v2;
	v9 =	vld.idx.msk [tilespmem:v9+s22+$0x0], $0xffff  }
0x387: {  	v1 =	vadd.f32 v15, v1;
	v4 =	vadd.f32 v18, v4;
	v13 =	vld.idx.msk [tilespmem:v13+s22+$0x0], $0xffff  }
0x388: {  	v3 =	vadd.f32 v21, v3;
	v2 =	vadd.f32 v20, v2;
	v7 =	vld.idx.msk [tilespmem:v7+s22+$0x0], $0xffff  }
0x389: {  	v1 =	vadd.f32 v19, v1;
	v4 =	vadd.f32 v22, v4;
	v14 =	vld.idx.msk [tilespmem:v14+s22+$0x0], $0xffff  }
0x38a: {  	v2 =	vadd.f32 v24, v2;
	v3 =	vadd.f32 v5, v3;
	v11 =	vld.idx.msk [tilespmem:v11+s22+$0x0], $0xffff  }
0x38b: {  	v1 =	vadd.f32 v23, v1;
	v4 =	vadd.f32 v6, v4  }
0x38c: {  	v47 =	vld [tilespmem:$0x1FF00];
	v2 =	vadd.f32 v8, v2;
	v3 =	vadd.f32 v9, v3  }
0x38d: {  	v44 =	vld [tilespmem:$0x1FEE0];
	v4 =	vadd.f32 v10, v4;
	v1 =	vadd.f32 v7, v1  }
0x38e: {  	v55 =	vld [tilespmem:$0x1FF60];
	v2 =	vadd.f32 v12, v2;
	v3 =	vadd.f32 v13, v3  }
0x38f: {  	v48 =	vld [tilespmem:$0x1FF10];
	v4 =	vadd.f32 v14, v4;
	v1 =	vadd.f32 v11, v1  }
0x390: {  	v49 =	vld [tilespmem:$0x1FF20]  }
0x391: {  	v59 =	vld [tilespmem:$0x1FFA0];
	v1 =	vadd.f32 v2, v1;
	v2 =	vadd.f32 v4, v3  }
0x392: {  	v52 =	vld [tilespmem:$0x1FF40]  }
0x393: {  	v1 =	vadd.f32 v2, v1;
	v2 =	vld [tilespmem:$0x1FC10]  }
0x394: {  	v53 =	vld [tilespmem:$0x1FF50]  }
0x395: {  	v46 =	vld [tilespmem:$0x1FEF0]  }
0x396: {  	v63 =	vld [tilespmem:$0x1FFE0]  }
0x397: {  	v56 =	vld [tilespmem:$0x1FF70]  }
0x398: {  	v57 =	vld [tilespmem:$0x1FF80];
	v1 =	vadd.f32 v1, v2  }
0x399: {  	v50 =	vld [tilespmem:$0x1FF30]  }
0x39a: {  	v60 =	vld [tilespmem:$0x1FFB0];
	v2 =	vsub.f32 $0.0e+00, v1  }
0x39b: {  	v61 =	vld [tilespmem:$0x1FFC0];
	vm15 =	vlt.f32 v1, $0.0e+00  }
0x39c: {  	v58 =	vld [tilespmem:$0x1FF90];
	v1 =	vsel vm15, v1, v2  }
0x39d: {  	v62 =	vld [tilespmem:$0x1FFD0];
	v1 =	vmul.f32 $1.442695020e+00, v1  }
0x39e: {  	v26 =	vld [tilespmem:$0x1FE10]  }
0x39f: {  	v34 =	vld [tilespmem:$0x1FE70];
	(erf) = vpow2.f32 v1  }
0x3a0: {  	v25 =	vld [tilespmem:$0x1FE00]  }
0x3a1: {  	v28 =	vld [tilespmem:$0x1FE20]  }
0x3a2: {  	v38 =	vld [tilespmem:$0x1FEA0]  }
0x3a3: {  	v29 =	vld [tilespmem:$0x1FE30]  }
0x3a4: {  	v32 =	vld [tilespmem:$0x1FE50]  }
0x3a5: {  	v33 =	vld [tilespmem:$0x1FE60]  }
0x3a6: {  	v36 =	vld [tilespmem:$0x1FE80]  }
0x3a7: {  	v42 =	vld [tilespmem:$0x1FED0]  }
0x3a8: {  	v37 =	vld [tilespmem:$0x1FE90];
	v1 =	vpop (erf)  }
0x3a9: {  	v40 =	vld [tilespmem:$0x1FEB0];
	v2 =	vadd.f32 $1.000000000e+00, v1  }
0x3aa: {  	v31 =	vld [tilespmem:$0x1FE40]  }
0x3ab: {  	v41 =	vld [tilespmem:$0x1FEC0];
	(erf) = vrcp.f32 v2  }
0x3ac: {  	v15 =	vld [tilespmem:$0x1FD70]  }
0x3ad: {  	v17 =	vld [tilespmem:$0x1FD90]  }
0x3ae: {  	v18 =	vld [tilespmem:$0x1FDA0]  }
0x3af: {  	v23 =	vld [tilespmem:$0x1FDE0]  }
0x3b0: {  	v22 =	vld [tilespmem:$0x1FDD0]  }
0x3b1: {  	v16 =	vld [tilespmem:$0x1FD80]  }
0x3b2: {  	v20 =	vld [tilespmem:$0x1FDC0]  }
0x3b3: {  	v6 =	vld [tilespmem:$0x1FCE0]  }
0x3b4: {  	v24 =	vld [tilespmem:$0x1FDF0];
	v2 =	vpop (erf)  }
0x3b5: {  	v5 =	vld [tilespmem:$0x1FCD0];
	v1 =	vmul.f32 v2, v1  }
0x3b6: {  	v10 =	vld [tilespmem:$0x1FD20]  }
0x3b7: {  	v8 =	vld [tilespmem:$0x1FD00];
	v1 =	vsel vm15, v1, v2  }
0x3b8: {  	v9 =	vld [tilespmem:$0x1FD10];
	v1 =	vmul.f32 $1.000000000e+04, v1  }
0x3b9: {  	v2 =	vld [tilespmem:$0x1FFF0]  }
0x3ba: {  	s28 =	sadd.s32 $0x320, s28;
	v12 =	vld [tilespmem:$0x1FD40];
	v1 =	vadd.f32 $8.388608000e+06, v1  }
0x3bb: {  	p1 =	sne.s32 s28, $0x3200;
	v13 =	vld [tilespmem:$0x1FD50]  }
.Ltmp0:
0x3bc: {  	v14 =	vld [tilespmem:$0x1FD60];
	v1 =	vadd.f32 $-8.388608000e+06, v1;
	(pc) =	sbr.rel @p1 .LBB2_2-.Ltmp0, $4  }
0x3bd: {  	v7 =	vld [tilespmem:$0x1FCF0]  }
0x3be: {  	v11 =	vld [tilespmem:$0x1FD30];
	v1 =	vmul.f32 v1, v2  }
0x3bf: {  	v3 =	vld [tilespmem:$0x1FCB0]  }
0x3c0: {  	[tilespmem:s26+$0x0] =	vst v1;
	v1 =	vld [tilespmem:$0x1FCA0];
	s26 =	sadd.s32 $0x20, s26  }
0x3c1: {  	s25 =	sadd.s32 $0x1, s25  }
0x3c2: {  	p1 =	sne.s32 s25, s14  }
.Ltmp1:
0x3c3: {  	_ = 	snop;
	(pc) =	sbr.rel @p1 .LBB2_1-.Ltmp1, $4  }
0x3c4: {  	[hbm4b:s13+s2] =	stream.linear.scatter [tilespmem:s24], [sflag:$0x5], $0x200, $0x38;
	[tilespmem:$0x1A5A8] =	vst v63  }
0x3c5: {  	_ =	swait.ge [sflag:s17], $0x200  }
0x3c6: {  	[sflag:s17] =	ssyncset.done $0x0  }
0x3c7: {  	[sflag:s17] =	ssyncadd.s32 $0xFFFFFE00  }
0x3c8: {  	_ =	sfence.sel $0x180000  }
0x3c9: {  	[bflag:$0x0] =	sbarrier.arrive $0xFFFF  }
0x3ca: {  	_ =	strace $0x90000047  }
0x3cb: {  	[bflag:$0x2] =	sbarrier.arrive $0xFFFF  }
0x3cc: {  	p0 =	sne.s32 s3, $0x0;
	s0 =	rddreg [dreg:$0x3]  }
0x3cd: {  	s0 =	sadd.s32 @!p0 $0x100000, s0  }
0x3ce: {  	[sflag:s0] =	ssyncadd.tile.s32 @!p0 $0x1;
	_ =	shalt  }
.Lfunc_end2:
_tile_overlayer_lowered:
.L_overlay_start_2:
0x3cf: {  	(tag) =	ssettag $0x2  }
0x3d0: {  	s0 =	rddreg [dreg:$0x0];
	s2 =	stileid.u32  }
0x3d1: {  	s1 =	rddreg [dreg:$0x1];
	p0 =	sne.s32 s2, $0x0  }
0x3d2: {  	s3 =	rddreg [dreg:$0x2];
	[bflag:$0x3] =	sbarrier.arrive $0xFFFF;
	s2 =	simm.s32 @!p0 $0x1C05  }
0x3d3: {  	[timem:s3], [sflag:s2] =	dma.local @!p0 [hbm:s0], s1  }
0x3d4: {  	s0 =	simm.s32 @!p0 $0x5  }
0x3d5: {  	_ =	swait.ge @!p0 [sflag:s0], s1  }
0x3d6: {  	s1 =	ssub.s32 @!p0 $0x0, s1;
	[sflag:s0] =	ssyncset.done @!p0 $0x0  }
0x3d7: {  	[sflag:s0] =	ssyncadd.s32 @!p0 s1  }
0x3d8: {  	[bflag:$0x3] =	sbarrier.arrive $0xFFFF  }
0x3d9: {  	_ =	shalt  }

</sc_bundles>
